<compile_context>
chip_gen: v7x
topology: tpu7x:2x2x1
jax: 0.10.2.dev20260603
libtpu: 0.0.44.dev20260713+nightly
codegen_flags: <defaults>
</compile_context>

<pallas_src>
import functools

import jax
import jax.numpy as jnp
import numpy as np
from jax import lax
from jax.experimental import pallas as pl
from jax.experimental.pallas import tpu as pltpu
from jax.experimental.pallas import tpu_sc as plsc

C = 19
H = W = 512
B = 4
N = B * H * W
Q = 128
NC, NS, L = 2, 16, 16
NT = NC * NS
PIX_PER_TILE = N // NT
BLK = 512
NBLK = PIX_PER_TILE // BLK
NVEC = BLK // L
HROWS = C * Q
HWORDS = HROWS * L
PPB = N // B
TPB = NT // B
FG_ONE = 1 << 16


UNROLL = 1


def _sc_hist_body(scores_hbm, labels_hbm, hist_hbm, sbuf, lbuf, hist_v,
                  ssem0, ssem1, lsem0, lsem1):
    wid = lax.axis_index("s") * NC + lax.axis_index("c")
    b = wid // TPB
    pos = (wid % TPB) * PIX_PER_TILE
    gbase = b * PPB + pos
    lane = lax.iota(jnp.int32, L)
    ssems = (ssem0, ssem1)
    lsems = (lsem0, lsem1)

    def _copies(blk, buf):
        off = pos + blk * BLK
        return (
            pltpu.make_async_copy(
                scores_hbm.at[pl.ds(b * C, C), pl.ds(off, BLK)],
                sbuf.at[buf], ssems[buf]),
            pltpu.make_async_copy(
                labels_hbm.at[pl.ds(gbase + blk * BLK, BLK)],
                lbuf.at[buf], lsems[buf]),
        )

    for cp in _copies(0, 0) + _copies(1, 1):
        cp.start()

    @plsc.parallel_loop(0, HROWS, 1, unroll=4)
    def _zero(i):
        hist_v[pl.ds(i * L, L)] = jnp.zeros((L,), jnp.int32)

    def _vec(v, buf):
        sl = pl.ds(v * L, L)
        lbl = lbuf[buf, sl]
        es = [jnp.exp(sbuf[buf, c, sl]) for c in range(C)]
        tot = es[0]
        for c in range(1, C):
            tot = tot + es[c]
        rq = float(Q) / tot
        for c in range(C):
            q0 = es[c] * rq
            isfg = lbl == c
            qf = jnp.where(isfg, float(Q) - q0, q0)
            qi = jnp.minimum(qf.astype(jnp.int32), Q - 1)
            idx = (qi << 4) + (lane + c * Q * L)
            add = jnp.where(isfg, jnp.int32(1 + FG_ONE), jnp.int32(1))
            plsc.addupdate_scatter(hist_v, [idx], add)

    def _pair(g, _):
        for buf in (0, 1):
            blk = g * 2 + buf
            for cp in _copies(blk, buf):
                cp.wait()

            def _vgrp(u, _u):
                for k in range(UNROLL):
                    _vec(u * UNROLL + k, buf)
                return 0

            lax.fori_loop(0, NVEC // UNROLL, _vgrp, 0)

            @pl.when(blk + 2 < NBLK)
            def _():
                for cp in _copies(blk + 2, buf):
                    cp.start()
        return 0

    lax.fori_loop(0, NBLK // 2, _pair, 0)
    pltpu.sync_copy(hist_v, hist_hbm.at[wid])


def _tc_finish_body(hist_ref, minc_ref, out_ref):
    x = hist_ref[...]
    cnt = (x & 0xFFFF).astype(jnp.float32)
    fgc = (x >> 16).astype(jnp.float32)
    yt = jnp.sum(cnt, axis=0, keepdims=True)
    ys = jnp.sum(fgc, axis=0, keepdims=True)
    m_inc = minc_ref[...]
    centers = (lax.broadcasted_iota(jnp.int32, (1, Q), 1).astype(jnp.float32)
               + 0.5) * (1.0 / Q)
    zero1 = jnp.zeros((1, 1), jnp.float32)
    num = jnp.zeros((), jnp.float32)
    den = jnp.zeros((), jnp.float32)
    for c in range(C):
        ytc = yt[:, c * Q * L:(c + 1) * Q * L]
        ysc = ys[:, c * Q * L:(c + 1) * Q * L]
        inc_t = jnp.dot(ytc, m_inc, preferred_element_type=jnp.float32)
        inc_s = jnp.dot(ysc, m_inc, preferred_element_type=jnp.float32)
        str_t = jnp.concatenate([inc_t[:, 1:], zero1], axis=1)
        str_s = jnp.concatenate([inc_s[:, 1:], zero1], axis=1)
        gts = inc_s[:, 0:1]

        def jac(n, f):
            union = gts + n - f
            safe = jnp.where(union > 0, union, 1.0)
            return 1.0 - jnp.where(union > 0, (gts - f) / safe, 1.0)

        contrib = centers * (jac(inc_t, inc_s) - jac(str_t, str_s))
        present = (gts[0, 0] > 0).astype(jnp.float32)
        num = num + jnp.sum(contrib) * present
        den = den + present
    out_ref[...] = jnp.full((1, 1), num / den, jnp.float32)


@functools.partial(
    pl.kernel,
    mesh=plsc.VectorSubcoreMesh(core_axis_name="c", subcore_axis_name="s"),
    out_type=jax.ShapeDtypeStruct((NT, HWORDS), jnp.int32),
    compiler_params=pltpu.CompilerParams(
        use_tc_tiling_on_sc=False, needs_layout_passes=False),
    scratch_types=[
        pltpu.VMEM((2, C, BLK), jnp.float32),
        pltpu.VMEM((2, BLK), jnp.int32),
        pltpu.VMEM((HWORDS,), jnp.int32),
        pltpu.SemaphoreType.DMA,
        pltpu.SemaphoreType.DMA,
        pltpu.SemaphoreType.DMA,
        pltpu.SemaphoreType.DMA,
    ],
)
def _sc_hist(*args):
    _sc_hist_body(*args)


_tc_finish = pl.pallas_call(
    _tc_finish_body,
    out_shape=jax.ShapeDtypeStruct((1, 1), jnp.float32),
)

_JJ = np.arange(Q * L)[:, None] // L
_QQ = np.arange(Q)[None, :]
_M_INC = np.asarray(_JJ >= _QQ, dtype=np.float32)


def kernel(cls_score, label):
    scores_r = (cls_score.reshape(B, C, H // 8, 8, W // 128, 128)
                .transpose(0, 1, 2, 4, 3, 5).reshape(B * C, PPB))
    labels_r = (label.reshape(B, H // 8, 8, W // 128, 128)
                .transpose(0, 1, 3, 2, 4).reshape(N))
    hist = _sc_hist(scores_r, labels_r)
    out = _tc_finish(hist, jnp.asarray(_M_INC))
    return out[0, 0]

# --- scband reference (transcript-rebuilt; emitter-appended) ---
"""Pipeline reference for scband-lovasz-loss-23845658427869 (READ-ONLY COPY).

The authoritative reference and input builder live on the scoring server;
editing this copy changes nothing except your own understanding.
"""

import jax, jax.numpy as jnp
import numpy as np


def lovasz_grad(gt_sorted):
    p = gt_sorted.shape[0]
    gts = gt_sorted.sum()
    intersection = gts - jnp.cumsum(gt_sorted.astype(jnp.float32), 0)
    union = gts + jnp.cumsum((1.0 - gt_sorted).astype(jnp.float32), 0)
    jaccard = 1.0 - intersection / union
    if p > 1:
        jaccard = jnp.concatenate([jaccard[:1], jaccard[1:] - jaccard[:-1]], 0)
    return jaccard


def setup_inputs(seed: int = 0) -> dict:
    key = jax.random.key(seed)
    k1, k2 = jax.random.split(key)
    cls_score = jax.random.normal(k1, (4, 19, 512, 512), dtype=jnp.float32)
    label = jax.random.randint(k2, (4, 512, 512), 0, 19, dtype=jnp.int32)
    return {"cls_score": cls_score, "label": label}


def reference(cls_score, label):
    # multi_class: apply softmax over channel dim first
    probs = jax.nn.softmax(cls_score, axis=1)
    B, C, H, W = probs.shape
    # flatten_probs
    probs_f = jnp.transpose(probs, (0, 2, 3, 1)).reshape(-1, C)
    labels_f = label.reshape(-1)
    valid = labels_f != 255  # ignore_index
    # lovasz_softmax_flat with classes='present'
    losses = []
    presents = []
    for c in range(C):
        fg = ((labels_f == c) & valid).astype(jnp.float32)
        presents.append(fg.sum() > 0)  # 'present': skip absent classes
        class_pred = probs_f[:, c]
        errors = jnp.where(valid, jnp.abs(fg - class_pred), 0.0)
        sort_key = jnp.where(valid, errors, -1.0)
        perm = jnp.argsort(-sort_key)  # descending sort, invalid rows at the tail
        errors_sorted = errors[perm]
        fg_sorted = fg[perm]
        losses.append(jnp.dot(errors_sorted, lovasz_grad(fg_sorted)))
    present_mask = jnp.stack(presents)
    loss_vec = jnp.where(present_mask, jnp.stack(losses), 0.0)
    loss = loss_vec.sum() / present_mask.astype(jnp.float32).sum()
    return 1.0 * loss  # loss_weight

if __name__ == "__main__":
    import jax
    _d = setup_inputs()
    print(jax.jit(kernel)(*tuple(_d.values())))

</pallas_src>

<mosaic_0001>
#map = affine_map<(d0, d1) -> (0, 0)>
#map1 = affine_map<(d0, d1) -> (0)>
module attributes {stable_mosaic.version = 14 : i64} {
  func.func @_sc_hist(%arg0: i32, %arg1: i32, %arg2: memref<76x262144xf32, #tpu.memory_space<hbm>>, %arg3: memref<1048576xi32, #tpu.memory_space<hbm>>, %arg4: memref<32x38912xi32, #tpu.memory_space<hbm>>, %arg5: memref<2x19x512xf32, #tpu.memory_space<vmem>>, %arg6: memref<2x512xi32, #tpu.memory_space<vmem>>, %arg7: memref<38912xi32, #tpu.memory_space<vmem>>, %arg8: memref<!tpu.dma_semaphore, #tpu.memory_space<semaphore_mem>>, %arg9: memref<!tpu.dma_semaphore, #tpu.memory_space<semaphore_mem>>, %arg10: memref<!tpu.dma_semaphore, #tpu.memory_space<semaphore_mem>>, %arg11: memref<!tpu.dma_semaphore, #tpu.memory_space<semaphore_mem>>) attributes {dimension_semantics = [#tpu.dimension_semantics<core_parallel>, #tpu.dimension_semantics<subcore_parallel>], iteration_bounds = array<i64: 2, 16>, scalar_prefetch = 0 : i64, scratch_operands = 7 : i64, tpu.core_type = #tpu.core_type<sc_vector_subcore>, window_params = [{transform_indices = #map}, {transform_indices = #map1}, {transform_indices = #map}]} {
    %mul3A = arith.constant 2 : i32
    %mul3A_0 = arith.muli %arg1, %mul3A : i32
    %add3A = arith.addi %mul3A_0, %arg0 : i32
    %jit3A = arith.constant 8 : i32
    %div3A = arith.divsi %add3A, %jit3A : i32
    %sign3A = arith.constant 0 : i32
    %sign3A_1 = arith.cmpi sgt, %add3A, %sign3A : i32
    %sign3A_2 = arith.extui %sign3A_1 : i1 to i32
    %sign3A_3 = arith.constant 0 : i32
    %sign3A_4 = arith.cmpi slt, %add3A, %sign3A_3 : i32
    %sign3A_5 = arith.extui %sign3A_4 : i1 to i32
    %sign3A_6 = arith.subi %sign3A_2, %sign3A_5 : i32
    %sign3A_7 = arith.constant 0 : i32
    %sign3A_8 = arith.cmpi sgt, %jit3A, %sign3A_7 : i32
    %sign3A_9 = arith.extui %sign3A_8 : i1 to i32
    %sign3A_10 = arith.constant 0 : i32
    %sign3A_11 = arith.cmpi slt, %jit3A, %sign3A_10 : i32
    %sign3A_12 = arith.extui %sign3A_11 : i1 to i32
    %sign3A_13 = arith.subi %sign3A_9, %sign3A_12 : i32
    %ne3A = arith.cmpi ne, %sign3A_6, %sign3A_13 : i32
    %rem3A = arith.remsi %add3A, %jit3A : i32
    %ne3A_14 = arith.constant 0 : i32
    %ne3A_15 = arith.cmpi ne, %rem3A, %ne3A_14 : i32
    %and3A = arith.andi %ne3A, %ne3A_15 : i1
    %sub3A = arith.constant 1 : i32
    %sub3A_16 = arith.subi %div3A, %sub3A : i32
    %select_n3A = arith.select %and3A, %sub3A_16, %div3A : i32
    %jit3A_17 = arith.constant 8 : i32
    %eq3A = arith.constant 0 : i32
    %eq3A_18 = arith.cmpi eq, %jit3A_17, %eq3A : i32
    %jit3A_19 = arith.constant 1 : i32
    %select_n3A_20 = arith.select %eq3A_18, %jit3A_19, %jit3A_17 : i32
    %rem3A_21 = arith.remsi %add3A, %select_n3A_20 : i32
    %ne3A_22 = arith.constant 0 : i32
    %ne3A_23 = arith.cmpi ne, %rem3A_21, %ne3A_22 : i32
    %lt3A = arith.constant 0 : i32
    %lt3A_24 = arith.cmpi slt, %rem3A_21, %lt3A : i32
    %lt3A_25 = arith.constant 0 : i32
    %lt3A_26 = arith.cmpi slt, %select_n3A_20, %lt3A_25 : i32
    %ne3A_27 = arith.xori %lt3A_24, %lt3A_26 : i1
    %and3A_28 = arith.andi %ne3A_27, %ne3A_23 : i1
    %add3A_29 = arith.addi %rem3A_21, %select_n3A_20 : i32
    %select_n3A_30 = arith.select %and3A_28, %add3A_29, %rem3A_21 : i32
    %mul3A_31 = arith.constant 32768 : i32
    %mul3A_32 = arith.muli %select_n3A_30, %mul3A_31 : i32
    %mul3A_33 = arith.constant 262144 : i32
    %mul3A_34 = arith.muli %select_n3A, %mul3A_33 : i32
    %add3A_35 = arith.addi %mul3A_34, %mul3A_32 : i32
    %iota3A = tpu.iota {dimensions = array<i32: 0>} : vector<16xi32>
    %add3A_36 = arith.constant 0 : i32
    %add3A_37 = arith.addi %mul3A_32, %add3A_36 : i32
    %mul3A_38 = arith.constant 19 : i32
    %mul3A_39 = arith.muli %select_n3A, %mul3A_38 : i32
    %add3A_40 = arith.constant 0 : i32
    %add3A_41 = arith.addi %add3A_35, %add3A_40 : i32
    %add3A_42 = arith.constant 512 : i32
    %add3A_43 = arith.addi %mul3A_32, %add3A_42 : i32
    %mul3A_44 = arith.constant 19 : i32
    %mul3A_45 = arith.muli %select_n3A, %mul3A_44 : i32
    %add3A_46 = arith.constant 512 : i32
    %add3A_47 = arith.addi %add3A_35, %add3A_46 : i32
    %dma_start3A = arith.constant 0 : i32
    %dma_start3A_48 = arith.constant 0 : i32
    %dma_start3A_49 = arith.constant 0 : i32
    %dma_start3A_50 = tpu.memref_slice %arg5[%dma_start3A, %dma_start3A_48, %dma_start3A_49] : memref<2x19x512xf32, #tpu.memory_space<vmem>> -> memref<1x19x512xf32, #tpu.memory_space<vmem>>
    %dma_start3A_51 = tpu.memref_squeeze %dma_start3A_50 : memref<1x19x512xf32, #tpu.memory_space<vmem>> -> memref<19x512xf32, #tpu.memory_space<vmem>>
    %dma_start3A_52 = tpu.memref_slice %arg2[%mul3A_39, %add3A_37] : memref<76x262144xf32, #tpu.memory_space<hbm>> -> memref<19x512xf32, #tpu.memory_space<hbm>>
    %dma_start3A_53 = arith.constant 0 : i32
    %dma_start3A_54 = arith.constant 0 : i32
    %dma_start3A_55 = tpu.memref_slice %arg5[%dma_start3A, %dma_start3A_53, %dma_start3A_54] : memref<2x19x512xf32, #tpu.memory_space<vmem>> -> memref<1x19x512xf32, #tpu.memory_space<vmem>>
    %dma_start3A_56 = tpu.memref_squeeze %dma_start3A_55 : memref<1x19x512xf32, #tpu.memory_space<vmem>> -> memref<19x512xf32, #tpu.memory_space<vmem>>
    %dma_start3A_57 = tpu.memref_slice %arg2[%mul3A_39, %add3A_37] : memref<76x262144xf32, #tpu.memory_space<hbm>> -> memref<19x512xf32, #tpu.memory_space<hbm>>
    tpu.enqueue_dma source(%dma_start3A_57 : memref<19x512xf32, #tpu.memory_space<hbm>>) target(%dma_start3A_56 : memref<19x512xf32, #tpu.memory_space<vmem>>) target_semaphore(%arg8 : memref<!tpu.dma_semaphore, #tpu.memory_space<semaphore_mem>>)
    %dma_start3A_58 = arith.constant 0 : i32
    %dma_start3A_59 = arith.constant 0 : i32
    %dma_start3A_60 = tpu.memref_slice %arg6[%dma_start3A_58, %dma_start3A_59] : memref<2x512xi32, #tpu.memory_space<vmem>> -> memref<1x512xi32, #tpu.memory_space<vmem>>
    %dma_start3A_61 = tpu.memref_squeeze %dma_start3A_60 : memref<1x512xi32, #tpu.memory_space<vmem>> -> memref<512xi32, #tpu.memory_space<vmem>>
    %dma_start3A_62 = tpu.memref_slice %arg3[%add3A_41] : memref<1048576xi32, #tpu.memory_space<hbm>> -> memref<512xi32, #tpu.memory_space<hbm>>
    %dma_start3A_63 = arith.constant 0 : i32
    %dma_start3A_64 = tpu.memref_slice %arg6[%dma_start3A_58, %dma_start3A_63] : memref<2x512xi32, #tpu.memory_space<vmem>> -> memref<1x512xi32, #tpu.memory_space<vmem>>
    %dma_start3A_65 = tpu.memref_squeeze %dma_start3A_64 : memref<1x512xi32, #tpu.memory_space<vmem>> -> memref<512xi32, #tpu.memory_space<vmem>>
    %dma_start3A_66 = tpu.memref_slice %arg3[%add3A_41] : memref<1048576xi32, #tpu.memory_space<hbm>> -> memref<512xi32, #tpu.memory_space<hbm>>
    tpu.enqueue_dma source(%dma_start3A_66 : memref<512xi32, #tpu.memory_space<hbm>>) target(%dma_start3A_65 : memref<512xi32, #tpu.memory_space<vmem>>) target_semaphore(%arg10 : memref<!tpu.dma_semaphore, #tpu.memory_space<semaphore_mem>>)
    %dma_start3A_67 = arith.constant 1 : i32
    %dma_start3A_68 = arith.constant 0 : i32
    %dma_start3A_69 = arith.constant 0 : i32
    %dma_start3A_70 = tpu.memref_slice %arg5[%dma_start3A_67, %dma_start3A_68, %dma_start3A_69] : memref<2x19x512xf32, #tpu.memory_space<vmem>> -> memref<1x19x512xf32, #tpu.memory_space<vmem>>
    %dma_start3A_71 = tpu.memref_squeeze %dma_start3A_70 : memref<1x19x512xf32, #tpu.memory_space<vmem>> -> memref<19x512xf32, #tpu.memory_space<vmem>>
    %dma_start3A_72 = tpu.memref_slice %arg2[%mul3A_45, %add3A_43] : memref<76x262144xf32, #tpu.memory_space<hbm>> -> memref<19x512xf32, #tpu.memory_space<hbm>>
    %dma_start3A_73 = arith.constant 0 : i32
    %dma_start3A_74 = arith.constant 0 : i32
    %dma_start3A_75 = tpu.memref_slice %arg5[%dma_start3A_67, %dma_start3A_73, %dma_start3A_74] : memref<2x19x512xf32, #tpu.memory_space<vmem>> -> memref<1x19x512xf32, #tpu.memory_space<vmem>>
    %dma_start3A_76 = tpu.memref_squeeze %dma_start3A_75 : memref<1x19x512xf32, #tpu.memory_space<vmem>> -> memref<19x512xf32, #tpu.memory_space<vmem>>
    %dma_start3A_77 = tpu.memref_slice %arg2[%mul3A_45, %add3A_43] : memref<76x262144xf32, #tpu.memory_space<hbm>> -> memref<19x512xf32, #tpu.memory_space<hbm>>
    tpu.enqueue_dma source(%dma_start3A_77 : memref<19x512xf32, #tpu.memory_space<hbm>>) target(%dma_start3A_76 : memref<19x512xf32, #tpu.memory_space<vmem>>) target_semaphore(%arg9 : memref<!tpu.dma_semaphore, #tpu.memory_space<semaphore_mem>>)
    %dma_start3A_78 = arith.constant 1 : i32
    %dma_start3A_79 = arith.constant 0 : i32
    %dma_start3A_80 = tpu.memref_slice %arg6[%dma_start3A_78, %dma_start3A_79] : memref<2x512xi32, #tpu.memory_space<vmem>> -> memref<1x512xi32, #tpu.memory_space<vmem>>
    %dma_start3A_81 = tpu.memref_squeeze %dma_start3A_80 : memref<1x512xi32, #tpu.memory_space<vmem>> -> memref<512xi32, #tpu.memory_space<vmem>>
    %dma_start3A_82 = tpu.memref_slice %arg3[%add3A_47] : memref<1048576xi32, #tpu.memory_space<hbm>> -> memref<512xi32, #tpu.memory_space<hbm>>
    %dma_start3A_83 = arith.constant 0 : i32
    %dma_start3A_84 = tpu.memref_slice %arg6[%dma_start3A_78, %dma_start3A_83] : memref<2x512xi32, #tpu.memory_space<vmem>> -> memref<1x512xi32, #tpu.memory_space<vmem>>
    %dma_start3A_85 = tpu.memref_squeeze %dma_start3A_84 : memref<1x512xi32, #tpu.memory_space<vmem>> -> memref<512xi32, #tpu.memory_space<vmem>>
    %dma_start3A_86 = tpu.memref_slice %arg3[%add3A_47] : memref<1048576xi32, #tpu.memory_space<hbm>> -> memref<512xi32, #tpu.memory_space<hbm>>
    tpu.enqueue_dma source(%dma_start3A_86 : memref<512xi32, #tpu.memory_space<hbm>>) target(%dma_start3A_85 : memref<512xi32, #tpu.memory_space<vmem>>) target_semaphore(%arg11 : memref<!tpu.dma_semaphore, #tpu.memory_space<semaphore_mem>>)
    %parallel_loop3A = arith.constant 0 : i32
    %parallel_loop3A_87 = arith.constant 2432 : i32
    %parallel_loop3A_88 = arith.constant 1 : i32
    scf.for %parallel_loop3A_95 = %parallel_loop3A to %parallel_loop3A_87 step %parallel_loop3A_88  : i32 {
      %parallel_loop3A_96 = arith.constant 0 : i32
      %parallel_loop3A_97 = vector.broadcast %parallel_loop3A_96 : i32 to vector<16xi32>
      %parallel_loop3A_98 = arith.constant 16 : i32
      %parallel_loop3A_99 = arith.muli %parallel_loop3A_95, %parallel_loop3A_98 : i32
      %parallel_loop3A_100 = arith.index_cast %parallel_loop3A_99 : i32 to index
      %parallel_loop3A_101 = tpu.vector_load %arg7[%parallel_loop3A_100] {strides = array<i32>} : memref<38912xi32, #tpu.memory_space<vmem>>, vector<16xi32>,
      tpu.vector_store %arg7[%parallel_loop3A_100], %parallel_loop3A_97 {strides = array<i32>} : memref<38912xi32, #tpu.memory_space<vmem>>, vector<16xi32>,
    } {sc.loop_unroll_factor = 4 : i64, sc.parallel_access}
    %scan3A = arith.constant 0 : i32
    %scan3A_89 = arith.constant 0 : i32
    %scan3A_90 = arith.constant 32 : i32
    %scan3A_91 = arith.addi %scan3A_89, %scan3A_90 : i32
    %scan3A_92 = arith.constant 1 : i32
    %scan3A_93 = scf.for %scan3A_95 = %scan3A_89 to %scan3A_91 step %scan3A_92 iter_args(%scan3A_96 = %scan3A) -> (i32)  : i32 {
      %mul3A_97 = arith.constant 2 : i32
      %mul3A_98 = arith.muli %scan3A_95, %mul3A_97 : i32
      %add3A_99 = arith.constant 0 : i32
      %add3A_100 = arith.addi %mul3A_98, %add3A_99 : i32
      %mul3A_101 = arith.constant 512 : i32
      %mul3A_102 = arith.muli %add3A_100, %mul3A_101 : i32
      %add3A_103 = arith.addi %mul3A_32, %mul3A_102 : i32
      %mul3A_104 = arith.constant 19 : i32
      %mul3A_105 = arith.muli %select_n3A, %mul3A_104 : i32
      %mul3A_106 = arith.constant 512 : i32
      %mul3A_107 = arith.muli %add3A_100, %mul3A_106 : i32
      %add3A_108 = arith.addi %add3A_35, %mul3A_107 : i32
      %dma_wait3A = arith.constant 0 : i32
      %dma_wait3A_109 = arith.constant 0 : i32
      %dma_wait3A_110 = arith.constant 0 : i32
      %dma_wait3A_111 = tpu.memref_slice %arg5[%dma_wait3A, %dma_wait3A_109, %dma_wait3A_110] : memref<2x19x512xf32, #tpu.memory_space<vmem>> -> memref<1x19x512xf32, #tpu.memory_space<vmem>>
      %dma_wait3A_112 = tpu.memref_squeeze %dma_wait3A_111 : memref<1x19x512xf32, #tpu.memory_space<vmem>> -> memref<19x512xf32, #tpu.memory_space<vmem>>
      %dma_wait3A_113 = tpu.memref_slice %arg2[%mul3A_105, %add3A_103] : memref<76x262144xf32, #tpu.memory_space<hbm>> -> memref<19x512xf32, #tpu.memory_space<hbm>>
      %dma_wait3A_114 = arith.constant 0 : i32
      %dma_wait3A_115 = arith.constant 0 : i32
      %dma_wait3A_116 = tpu.memref_slice %arg5[%dma_wait3A, %dma_wait3A_114, %dma_wait3A_115] : memref<2x19x512xf32, #tpu.memory_space<vmem>> -> memref<1x19x512xf32, #tpu.memory_space<vmem>>
      %dma_wait3A_117 = tpu.memref_squeeze %dma_wait3A_116 : memref<1x19x512xf32, #tpu.memory_space<vmem>> -> memref<19x512xf32, #tpu.memory_space<vmem>>
      %dma_wait3A_118 = tpu.memref_slice %arg2[%mul3A_105, %add3A_103] : memref<76x262144xf32, #tpu.memory_space<hbm>> -> memref<19x512xf32, #tpu.memory_space<hbm>>
      tpu.wait_dma2 semaphore(%arg8 : memref<!tpu.dma_semaphore, #tpu.memory_space<semaphore_mem>>) src(%dma_wait3A_118 : memref<19x512xf32, #tpu.memory_space<hbm>>) dst(%dma_wait3A_117 : memref<19x512xf32, #tpu.memory_space<vmem>>)
      %dma_wait3A_119 = arith.constant 0 : i32
      %dma_wait3A_120 = arith.constant 0 : i32
      %dma_wait3A_121 = tpu.memref_slice %arg6[%dma_wait3A_119, %dma_wait3A_120] : memref<2x512xi32, #tpu.memory_space<vmem>> -> memref<1x512xi32, #tpu.memory_space<vmem>>
      %dma_wait3A_122 = tpu.memref_squeeze %dma_wait3A_121 : memref<1x512xi32, #tpu.memory_space<vmem>> -> memref<512xi32, #tpu.memory_space<vmem>>
      %dma_wait3A_123 = tpu.memref_slice %arg3[%add3A_108] : memref<1048576xi32, #tpu.memory_space<hbm>> -> memref<512xi32, #tpu.memory_space<hbm>>
      %dma_wait3A_124 = arith.constant 0 : i32
      %dma_wait3A_125 = tpu.memref_slice %arg6[%dma_wait3A_119, %dma_wait3A_124] : memref<2x512xi32, #tpu.memory_space<vmem>> -> memref<1x512xi32, #tpu.memory_space<vmem>>
      %dma_wait3A_126 = tpu.memref_squeeze %dma_wait3A_125 : memref<1x512xi32, #tpu.memory_space<vmem>> -> memref<512xi32, #tpu.memory_space<vmem>>
      %dma_wait3A_127 = tpu.memref_slice %arg3[%add3A_108] : memref<1048576xi32, #tpu.memory_space<hbm>> -> memref<512xi32, #tpu.memory_space<hbm>>
      tpu.wait_dma2 semaphore(%arg10 : memref<!tpu.dma_semaphore, #tpu.memory_space<semaphore_mem>>) src(%dma_wait3A_127 : memref<512xi32, #tpu.memory_space<hbm>>) dst(%dma_wait3A_126 : memref<512xi32, #tpu.memory_space<vmem>>)
      %scan3A_128 = arith.constant 0 : i32
      %scan3A_129 = arith.constant 0 : i32
      %scan3A_130 = arith.constant 32 : i32
      %scan3A_131 = arith.addi %scan3A_129, %scan3A_130 : i32
      %scan3A_132 = arith.constant 1 : i32
      %scan3A_133 = scf.for %scan3A_187 = %scan3A_129 to %scan3A_131 step %scan3A_132 iter_args(%scan3A_188 = %scan3A_128) -> (i32)  : i32 {
        %mul3A_189 = arith.constant 1 : i32
        %mul3A_190 = arith.muli %scan3A_187, %mul3A_189 : i32
        %add3A_191 = arith.constant 0 : i32
        %add3A_192 = arith.addi %mul3A_190, %add3A_191 : i32
        %mul3A_193 = arith.constant 16 : i32
        %mul3A_194 = arith.muli %add3A_192, %mul3A_193 : i32
        %get3A = arith.constant 0 : i32
        %get3A_195 = arith.index_cast %get3A : i32 to index
        %get3A_196 = arith.index_cast %mul3A_194 : i32 to index
        %get3A_197 = tpu.vector_load %arg6[%get3A_195, %get3A_196] {strides = array<i32>} : memref<2x512xi32, #tpu.memory_space<vmem>>, vector<16xi32>,
        %get3A_198 = arith.constant 0 : i32
        %get3A_199 = arith.constant 0 : i32
        %get3A_200 = arith.index_cast %get3A_198 : i32 to index
        %get3A_201 = arith.index_cast %get3A_199 : i32 to index
        %get3A_202 = arith.index_cast %mul3A_194 : i32 to index
        %get3A_203 = tpu.vector_load %arg5[%get3A_200, %get3A_201, %get3A_202] {strides = array<i32>} : memref<2x19x512xf32, #tpu.memory_space<vmem>>, vector<16xf32>,
        %exp3A = math.exp %get3A_203 : vector<16xf32>
        %get3A_204 = arith.constant 0 : i32
        %get3A_205 = arith.constant 1 : i32
        %get3A_206 = arith.index_cast %get3A_204 : i32 to index
        %get3A_207 = arith.index_cast %get3A_205 : i32 to index
        %get3A_208 = arith.index_cast %mul3A_194 : i32 to index
        %get3A_209 = tpu.vector_load %arg5[%get3A_206, %get3A_207, %get3A_208] {strides = array<i32>} : memref<2x19x512xf32, #tpu.memory_space<vmem>>, vector<16xf32>,
        %exp3A_210 = math.exp %get3A_209 : vector<16xf32>
        %get3A_211 = arith.constant 0 : i32
        %get3A_212 = arith.constant 2 : i32
        %get3A_213 = arith.index_cast %get3A_211 : i32 to index
        %get3A_214 = arith.index_cast %get3A_212 : i32 to index
        %get3A_215 = arith.index_cast %mul3A_194 : i32 to index
        %get3A_216 = tpu.vector_load %arg5[%get3A_213, %get3A_214, %get3A_215] {strides = array<i32>} : memref<2x19x512xf32, #tpu.memory_space<vmem>>, vector<16xf32>,
        %exp3A_217 = math.exp %get3A_216 : vector<16xf32>
        %get3A_218 = arith.constant 0 : i32
        %get3A_219 = arith.constant 3 : i32
        %get3A_220 = arith.index_cast %get3A_218 : i32 to index
        %get3A_221 = arith.index_cast %get3A_219 : i32 to index
        %get3A_222 = arith.index_cast %mul3A_194 : i32 to index
        %get3A_223 = tpu.vector_load %arg5[%get3A_220, %get3A_221, %get3A_222] {strides = array<i32>} : memref<2x19x512xf32, #tpu.memory_space<vmem>>, vector<16xf32>,
        %exp3A_224 = math.exp %get3A_223 : vector<16xf32>
        %get3A_225 = arith.constant 0 : i32
        %get3A_226 = arith.constant 4 : i32
        %get3A_227 = arith.index_cast %get3A_225 : i32 to index
        %get3A_228 = arith.index_cast %get3A_226 : i32 to index
        %get3A_229 = arith.index_cast %mul3A_194 : i32 to index
        %get3A_230 = tpu.vector_load %arg5[%get3A_227, %get3A_228, %get3A_229] {strides = array<i32>} : memref<2x19x512xf32, #tpu.memory_space<vmem>>, vector<16xf32>,
        %exp3A_231 = math.exp %get3A_230 : vector<16xf32>
        %get3A_232 = arith.constant 0 : i32
        %get3A_233 = arith.constant 5 : i32
        %get3A_234 = arith.index_cast %get3A_232 : i32 to index
        %get3A_235 = arith.index_cast %get3A_233 : i32 to index
        %get3A_236 = arith.index_cast %mul3A_194 : i32 to index
        %get3A_237 = tpu.vector_load %arg5[%get3A_234, %get3A_235, %get3A_236] {strides = array<i32>} : memref<2x19x512xf32, #tpu.memory_space<vmem>>, vector<16xf32>,
        %exp3A_238 = math.exp %get3A_237 : vector<16xf32>
        %get3A_239 = arith.constant 0 : i32
        %get3A_240 = arith.constant 6 : i32
        %get3A_241 = arith.index_cast %get3A_239 : i32 to index
        %get3A_242 = arith.index_cast %get3A_240 : i32 to index
        %get3A_243 = arith.index_cast %mul3A_194 : i32 to index
        %get3A_244 = tpu.vector_load %arg5[%get3A_241, %get3A_242, %get3A_243] {strides = array<i32>} : memref<2x19x512xf32, #tpu.memory_space<vmem>>, vector<16xf32>,
        %exp3A_245 = math.exp %get3A_244 : vector<16xf32>
        %get3A_246 = arith.constant 0 : i32
        %get3A_247 = arith.constant 7 : i32
        %get3A_248 = arith.index_cast %get3A_246 : i32 to index
        %get3A_249 = arith.index_cast %get3A_247 : i32 to index
        %get3A_250 = arith.index_cast %mul3A_194 : i32 to index
        %get3A_251 = tpu.vector_load %arg5[%get3A_248, %get3A_249, %get3A_250] {strides = array<i32>} : memref<2x19x512xf32, #tpu.memory_space<vmem>>, vector<16xf32>,
        %exp3A_252 = math.exp %get3A_251 : vector<16xf32>
        %get3A_253 = arith.constant 0 : i32
        %get3A_254 = arith.constant 8 : i32
        %get3A_255 = arith.index_cast %get3A_253 : i32 to index
        %get3A_256 = arith.index_cast %get3A_254 : i32 to index
        %get3A_257 = arith.index_cast %mul3A_194 : i32 to index
        %get3A_258 = tpu.vector_load %arg5[%get3A_255, %get3A_256, %get3A_257] {strides = array<i32>} : memref<2x19x512xf32, #tpu.memory_space<vmem>>, vector<16xf32>,
        %exp3A_259 = math.exp %get3A_258 : vector<16xf32>
        %get3A_260 = arith.constant 0 : i32
        %get3A_261 = arith.constant 9 : i32
        %get3A_262 = arith.index_cast %get3A_260 : i32 to index
        %get3A_263 = arith.index_cast %get3A_261 : i32 to index
        %get3A_264 = arith.index_cast %mul3A_194 : i32 to index
        %get3A_265 = tpu.vector_load %arg5[%get3A_262, %get3A_263, %get3A_264] {strides = array<i32>} : memref<2x19x512xf32, #tpu.memory_space<vmem>>, vector<16xf32>,
        %exp3A_266 = math.exp %get3A_265 : vector<16xf32>
        %get3A_267 = arith.constant 0 : i32
        %get3A_268 = arith.constant 10 : i32
        %get3A_269 = arith.index_cast %get3A_267 : i32 to index
        %get3A_270 = arith.index_cast %get3A_268 : i32 to index
        %get3A_271 = arith.index_cast %mul3A_194 : i32 to index
        %get3A_272 = tpu.vector_load %arg5[%get3A_269, %get3A_270, %get3A_271] {strides = array<i32>} : memref<2x19x512xf32, #tpu.memory_space<vmem>>, vector<16xf32>,
        %exp3A_273 = math.exp %get3A_272 : vector<16xf32>
        %get3A_274 = arith.constant 0 : i32
        %get3A_275 = arith.constant 11 : i32
        %get3A_276 = arith.index_cast %get3A_274 : i32 to index
        %get3A_277 = arith.index_cast %get3A_275 : i32 to index
        %get3A_278 = arith.index_cast %mul3A_194 : i32 to index
        %get3A_279 = tpu.vector_load %arg5[%get3A_276, %get3A_277, %get3A_278] {strides = array<i32>} : memref<2x19x512xf32, #tpu.memory_space<vmem>>, vector<16xf32>,
        %exp3A_280 = math.exp %get3A_279 : vector<16xf32>
        %get3A_281 = arith.constant 0 : i32
        %get3A_282 = arith.constant 12 : i32
        %get3A_283 = arith.index_cast %get3A_281 : i32 to index
        %get3A_284 = arith.index_cast %get3A_282 : i32 to index
        %get3A_285 = arith.index_cast %mul3A_194 : i32 to index
        %get3A_286 = tpu.vector_load %arg5[%get3A_283, %get3A_284, %get3A_285] {strides = array<i32>} : memref<2x19x512xf32, #tpu.memory_space<vmem>>, vector<16xf32>,
        %exp3A_287 = math.exp %get3A_286 : vector<16xf32>
        %get3A_288 = arith.constant 0 : i32
        %get3A_289 = arith.constant 13 : i32
        %get3A_290 = arith.index_cast %get3A_288 : i32 to index
        %get3A_291 = arith.index_cast %get3A_289 : i32 to index
        %get3A_292 = arith.index_cast %mul3A_194 : i32 to index
        %get3A_293 = tpu.vector_load %arg5[%get3A_290, %get3A_291, %get3A_292] {strides = array<i32>} : memref<2x19x512xf32, #tpu.memory_space<vmem>>, vector<16xf32>,
        %exp3A_294 = math.exp %get3A_293 : vector<16xf32>
        %get3A_295 = arith.constant 0 : i32
        %get3A_296 = arith.constant 14 : i32
        %get3A_297 = arith.index_cast %get3A_295 : i32 to index
        %get3A_298 = arith.index_cast %get3A_296 : i32 to index
        %get3A_299 = arith.index_cast %mul3A_194 : i32 to index
        %get3A_300 = tpu.vector_load %arg5[%get3A_297, %get3A_298, %get3A_299] {strides = array<i32>} : memref<2x19x512xf32, #tpu.memory_space<vmem>>, vector<16xf32>,
        %exp3A_301 = math.exp %get3A_300 : vector<16xf32>
        %get3A_302 = arith.constant 0 : i32
        %get3A_303 = arith.constant 15 : i32
        %get3A_304 = arith.index_cast %get3A_302 : i32 to index
        %get3A_305 = arith.index_cast %get3A_303 : i32 to index
        %get3A_306 = arith.index_cast %mul3A_194 : i32 to index
        %get3A_307 = tpu.vector_load %arg5[%get3A_304, %get3A_305, %get3A_306] {strides = array<i32>} : memref<2x19x512xf32, #tpu.memory_space<vmem>>, vector<16xf32>,
        %exp3A_308 = math.exp %get3A_307 : vector<16xf32>
        %get3A_309 = arith.constant 0 : i32
        %get3A_310 = arith.constant 16 : i32
        %get3A_311 = arith.index_cast %get3A_309 : i32 to index
        %get3A_312 = arith.index_cast %get3A_310 : i32 to index
        %get3A_313 = arith.index_cast %mul3A_194 : i32 to index
        %get3A_314 = tpu.vector_load %arg5[%get3A_311, %get3A_312, %get3A_313] {strides = array<i32>} : memref<2x19x512xf32, #tpu.memory_space<vmem>>, vector<16xf32>,
        %exp3A_315 = math.exp %get3A_314 : vector<16xf32>
        %get3A_316 = arith.constant 0 : i32
        %get3A_317 = arith.constant 17 : i32
        %get3A_318 = arith.index_cast %get3A_316 : i32 to index
        %get3A_319 = arith.index_cast %get3A_317 : i32 to index
        %get3A_320 = arith.index_cast %mul3A_194 : i32 to index
        %get3A_321 = tpu.vector_load %arg5[%get3A_318, %get3A_319, %get3A_320] {strides = array<i32>} : memref<2x19x512xf32, #tpu.memory_space<vmem>>, vector<16xf32>,
        %exp3A_322 = math.exp %get3A_321 : vector<16xf32>
        %get3A_323 = arith.constant 0 : i32
        %get3A_324 = arith.constant 18 : i32
        %get3A_325 = arith.index_cast %get3A_323 : i32 to index
        %get3A_326 = arith.index_cast %get3A_324 : i32 to index
        %get3A_327 = arith.index_cast %mul3A_194 : i32 to index
        %get3A_328 = tpu.vector_load %arg5[%get3A_325, %get3A_326, %get3A_327] {strides = array<i32>} : memref<2x19x512xf32, #tpu.memory_space<vmem>>, vector<16xf32>,
        %exp3A_329 = math.exp %get3A_328 : vector<16xf32>
        %add3A_330 = arith.addf %exp3A, %exp3A_210 : vector<16xf32>
        %add3A_331 = arith.addf %add3A_330, %exp3A_217 : vector<16xf32>
        %add3A_332 = arith.addf %add3A_331, %exp3A_224 : vector<16xf32>
        %add3A_333 = arith.addf %add3A_332, %exp3A_231 : vector<16xf32>
        %add3A_334 = arith.addf %add3A_333, %exp3A_238 : vector<16xf32>
        %add3A_335 = arith.addf %add3A_334, %exp3A_245 : vector<16xf32>
        %add3A_336 = arith.addf %add3A_335, %exp3A_252 : vector<16xf32>
        %add3A_337 = arith.addf %add3A_336, %exp3A_259 : vector<16xf32>
        %add3A_338 = arith.addf %add3A_337, %exp3A_266 : vector<16xf32>
        %add3A_339 = arith.addf %add3A_338, %exp3A_273 : vector<16xf32>
        %add3A_340 = arith.addf %add3A_339, %exp3A_280 : vector<16xf32>
        %add3A_341 = arith.addf %add3A_340, %exp3A_287 : vector<16xf32>
        %add3A_342 = arith.addf %add3A_341, %exp3A_294 : vector<16xf32>
        %add3A_343 = arith.addf %add3A_342, %exp3A_301 : vector<16xf32>
        %add3A_344 = arith.addf %add3A_343, %exp3A_308 : vector<16xf32>
        %add3A_345 = arith.addf %add3A_344, %exp3A_315 : vector<16xf32>
        %add3A_346 = arith.addf %add3A_345, %exp3A_322 : vector<16xf32>
        %add3A_347 = arith.addf %add3A_346, %exp3A_329 : vector<16xf32>
        %div3A_348 = arith.constant 1.280000e+02 : f32
        %div3A_349 = vector.broadcast %div3A_348 : f32 to vector<16xf32>
        %div3A_350 = arith.divf %div3A_349, %add3A_347 : vector<16xf32>
        %mul3A_351 = arith.mulf %exp3A, %div3A_350 : vector<16xf32>
        %eq3A_352 = arith.constant 0 : i32
        %eq3A_353 = vector.broadcast %eq3A_352 : i32 to vector<16xi32>
        %eq3A_354 = arith.cmpi eq, %get3A_197, %eq3A_353 : vector<16xi32>
        %sub3A_355 = arith.constant 1.280000e+02 : f32
        %sub3A_356 = vector.broadcast %sub3A_355 : f32 to vector<16xf32>
        %sub3A_357 = arith.subf %sub3A_356, %mul3A_351 : vector<16xf32>
        %select_n3A_358 = arith.select %eq3A_354, %sub3A_357, %mul3A_351 : vector<16xi1>, vector<16xf32>
        %convert_element_type3A_359 = arith.fptosi %select_n3A_358 : vector<16xf32> to vector<16xi32>
        %min3A = arith.constant 127 : i32
        %min3A_360 = vector.broadcast %min3A : i32 to vector<16xi32>
        %min3A_361 = arith.minsi %convert_element_type3A_359, %min3A_360 : vector<16xi32>
        %shift_left3A = arith.constant 4 : i32
        %shift_left3A_362 = vector.broadcast %shift_left3A : i32 to vector<16xi32>
        %shift_left3A_363 = arith.shli %min3A_361, %shift_left3A_362 : vector<16xi32>
        %add3A_364 = arith.constant 0 : i32
        %add3A_365 = vector.broadcast %add3A_364 : i32 to vector<16xi32>
        %add3A_366 = arith.addi %iota3A, %add3A_365 : vector<16xi32>
        %add3A_367 = arith.addi %shift_left3A_363, %add3A_366 : vector<16xi32>
        %jit3A_368 = arith.constant 65537 : i32
        %jit3A_369 = arith.constant 1 : i32
        %broadcast_in_dim3A = vector.broadcast %jit3A_368 : i32 to vector<16xi32>
        %broadcast_in_dim3A_370 = vector.broadcast %jit3A_369 : i32 to vector<16xi32>
        %select_n3A_371 = arith.select %eq3A_354, %broadcast_in_dim3A, %broadcast_in_dim3A_370 : vector<16xi1>, vector<16xi32>
        tpu.vector_store_idx %arg7[%add3A_367], %select_n3A_371 {add = true} : memref<38912xi32, #tpu.memory_space<vmem>>[vector<16xi32>], vector<16xi32>,
        %mul3A_372 = arith.mulf %exp3A_210, %div3A_350 : vector<16xf32>
        %eq3A_373 = arith.constant 1 : i32
        %eq3A_374 = vector.broadcast %eq3A_373 : i32 to vector<16xi32>
        %eq3A_375 = arith.cmpi eq, %get3A_197, %eq3A_374 : vector<16xi32>
        %sub3A_376 = arith.constant 1.280000e+02 : f32
        %sub3A_377 = vector.broadcast %sub3A_376 : f32 to vector<16xf32>
        %sub3A_378 = arith.subf %sub3A_377, %mul3A_372 : vector<16xf32>
        %select_n3A_379 = arith.select %eq3A_375, %sub3A_378, %mul3A_372 : vector<16xi1>, vector<16xf32>
        %convert_element_type3A_380 = arith.fptosi %select_n3A_379 : vector<16xf32> to vector<16xi32>
        %min3A_381 = arith.constant 127 : i32
        %min3A_382 = vector.broadcast %min3A_381 : i32 to vector<16xi32>
        %min3A_383 = arith.minsi %convert_element_type3A_380, %min3A_382 : vector<16xi32>
        %shift_left3A_384 = arith.constant 4 : i32
        %shift_left3A_385 = vector.broadcast %shift_left3A_384 : i32 to vector<16xi32>
        %shift_left3A_386 = arith.shli %min3A_383, %shift_left3A_385 : vector<16xi32>
        %add3A_387 = arith.constant 2048 : i32
        %add3A_388 = vector.broadcast %add3A_387 : i32 to vector<16xi32>
        %add3A_389 = arith.addi %iota3A, %add3A_388 : vector<16xi32>
        %add3A_390 = arith.addi %shift_left3A_386, %add3A_389 : vector<16xi32>
        %jit3A_391 = arith.constant 65537 : i32
        %jit3A_392 = arith.constant 1 : i32
        %broadcast_in_dim3A_393 = vector.broadcast %jit3A_391 : i32 to vector<16xi32>
        %broadcast_in_dim3A_394 = vector.broadcast %jit3A_392 : i32 to vector<16xi32>
        %select_n3A_395 = arith.select %eq3A_375, %broadcast_in_dim3A_393, %broadcast_in_dim3A_394 : vector<16xi1>, vector<16xi32>
        tpu.vector_store_idx %arg7[%add3A_390], %select_n3A_395 {add = true} : memref<38912xi32, #tpu.memory_space<vmem>>[vector<16xi32>], vector<16xi32>,
        %mul3A_396 = arith.mulf %exp3A_217, %div3A_350 : vector<16xf32>
        %eq3A_397 = arith.constant 2 : i32
        %eq3A_398 = vector.broadcast %eq3A_397 : i32 to vector<16xi32>
        %eq3A_399 = arith.cmpi eq, %get3A_197, %eq3A_398 : vector<16xi32>
        %sub3A_400 = arith.constant 1.280000e+02 : f32
        %sub3A_401 = vector.broadcast %sub3A_400 : f32 to vector<16xf32>
        %sub3A_402 = arith.subf %sub3A_401, %mul3A_396 : vector<16xf32>
        %select_n3A_403 = arith.select %eq3A_399, %sub3A_402, %mul3A_396 : vector<16xi1>, vector<16xf32>
        %convert_element_type3A_404 = arith.fptosi %select_n3A_403 : vector<16xf32> to vector<16xi32>
        %min3A_405 = arith.constant 127 : i32
        %min3A_406 = vector.broadcast %min3A_405 : i32 to vector<16xi32>
        %min3A_407 = arith.minsi %convert_element_type3A_404, %min3A_406 : vector<16xi32>
        %shift_left3A_408 = arith.constant 4 : i32
        %shift_left3A_409 = vector.broadcast %shift_left3A_408 : i32 to vector<16xi32>
        %shift_left3A_410 = arith.shli %min3A_407, %shift_left3A_409 : vector<16xi32>
        %add3A_411 = arith.constant 4096 : i32
        %add3A_412 = vector.broadcast %add3A_411 : i32 to vector<16xi32>
        %add3A_413 = arith.addi %iota3A, %add3A_412 : vector<16xi32>
        %add3A_414 = arith.addi %shift_left3A_410, %add3A_413 : vector<16xi32>
        %jit3A_415 = arith.constant 65537 : i32
        %jit3A_416 = arith.constant 1 : i32
        %broadcast_in_dim3A_417 = vector.broadcast %jit3A_415 : i32 to vector<16xi32>
        %broadcast_in_dim3A_418 = vector.broadcast %jit3A_416 : i32 to vector<16xi32>
        %select_n3A_419 = arith.select %eq3A_399, %broadcast_in_dim3A_417, %broadcast_in_dim3A_418 : vector<16xi1>, vector<16xi32>
        tpu.vector_store_idx %arg7[%add3A_414], %select_n3A_419 {add = true} : memref<38912xi32, #tpu.memory_space<vmem>>[vector<16xi32>], vector<16xi32>,
        %mul3A_420 = arith.mulf %exp3A_224, %div3A_350 : vector<16xf32>
        %eq3A_421 = arith.constant 3 : i32
        %eq3A_422 = vector.broadcast %eq3A_421 : i32 to vector<16xi32>
        %eq3A_423 = arith.cmpi eq, %get3A_197, %eq3A_422 : vector<16xi32>
        %sub3A_424 = arith.constant 1.280000e+02 : f32
        %sub3A_425 = vector.broadcast %sub3A_424 : f32 to vector<16xf32>
        %sub3A_426 = arith.subf %sub3A_425, %mul3A_420 : vector<16xf32>
        %select_n3A_427 = arith.select %eq3A_423, %sub3A_426, %mul3A_420 : vector<16xi1>, vector<16xf32>
        %convert_element_type3A_428 = arith.fptosi %select_n3A_427 : vector<16xf32> to vector<16xi32>
        %min3A_429 = arith.constant 127 : i32
        %min3A_430 = vector.broadcast %min3A_429 : i32 to vector<16xi32>
        %min3A_431 = arith.minsi %convert_element_type3A_428, %min3A_430 : vector<16xi32>
        %shift_left3A_432 = arith.constant 4 : i32
        %shift_left3A_433 = vector.broadcast %shift_left3A_432 : i32 to vector<16xi32>
        %shift_left3A_434 = arith.shli %min3A_431, %shift_left3A_433 : vector<16xi32>
        %add3A_435 = arith.constant 6144 : i32
        %add3A_436 = vector.broadcast %add3A_435 : i32 to vector<16xi32>
        %add3A_437 = arith.addi %iota3A, %add3A_436 : vector<16xi32>
        %add3A_438 = arith.addi %shift_left3A_434, %add3A_437 : vector<16xi32>
        %jit3A_439 = arith.constant 65537 : i32
        %jit3A_440 = arith.constant 1 : i32
        %broadcast_in_dim3A_441 = vector.broadcast %jit3A_439 : i32 to vector<16xi32>
        %broadcast_in_dim3A_442 = vector.broadcast %jit3A_440 : i32 to vector<16xi32>
        %select_n3A_443 = arith.select %eq3A_423, %broadcast_in_dim3A_441, %broadcast_in_dim3A_442 : vector<16xi1>, vector<16xi32>
        tpu.vector_store_idx %arg7[%add3A_438], %select_n3A_443 {add = true} : memref<38912xi32, #tpu.memory_space<vmem>>[vector<16xi32>], vector<16xi32>,
        %mul3A_444 = arith.mulf %exp3A_231, %div3A_350 : vector<16xf32>
        %eq3A_445 = arith.constant 4 : i32
        %eq3A_446 = vector.broadcast %eq3A_445 : i32 to vector<16xi32>
        %eq3A_447 = arith.cmpi eq, %get3A_197, %eq3A_446 : vector<16xi32>
        %sub3A_448 = arith.constant 1.280000e+02 : f32
        %sub3A_449 = vector.broadcast %sub3A_448 : f32 to vector<16xf32>
        %sub3A_450 = arith.subf %sub3A_449, %mul3A_444 : vector<16xf32>
        %select_n3A_451 = arith.select %eq3A_447, %sub3A_450, %mul3A_444 : vector<16xi1>, vector<16xf32>
        %convert_element_type3A_452 = arith.fptosi %select_n3A_451 : vector<16xf32> to vector<16xi32>
        %min3A_453 = arith.constant 127 : i32
        %min3A_454 = vector.broadcast %min3A_453 : i32 to vector<16xi32>
        %min3A_455 = arith.minsi %convert_element_type3A_452, %min3A_454 : vector<16xi32>
        %shift_left3A_456 = arith.constant 4 : i32
        %shift_left3A_457 = vector.broadcast %shift_left3A_456 : i32 to vector<16xi32>
        %shift_left3A_458 = arith.shli %min3A_455, %shift_left3A_457 : vector<16xi32>
        %add3A_459 = arith.constant 8192 : i32
        %add3A_460 = vector.broadcast %add3A_459 : i32 to vector<16xi32>
        %add3A_461 = arith.addi %iota3A, %add3A_460 : vector<16xi32>
        %add3A_462 = arith.addi %shift_left3A_458, %add3A_461 : vector<16xi32>
        %jit3A_463 = arith.constant 65537 : i32
        %jit3A_464 = arith.constant 1 : i32
        %broadcast_in_dim3A_465 = vector.broadcast %jit3A_463 : i32 to vector<16xi32>
        %broadcast_in_dim3A_466 = vector.broadcast %jit3A_464 : i32 to vector<16xi32>
        %select_n3A_467 = arith.select %eq3A_447, %broadcast_in_dim3A_465, %broadcast_in_dim3A_466 : vector<16xi1>, vector<16xi32>
        tpu.vector_store_idx %arg7[%add3A_462], %select_n3A_467 {add = true} : memref<38912xi32, #tpu.memory_space<vmem>>[vector<16xi32>], vector<16xi32>,
        %mul3A_468 = arith.mulf %exp3A_238, %div3A_350 : vector<16xf32>
        %eq3A_469 = arith.constant 5 : i32
        %eq3A_470 = vector.broadcast %eq3A_469 : i32 to vector<16xi32>
        %eq3A_471 = arith.cmpi eq, %get3A_197, %eq3A_470 : vector<16xi32>
        %sub3A_472 = arith.constant 1.280000e+02 : f32
        %sub3A_473 = vector.broadcast %sub3A_472 : f32 to vector<16xf32>
        %sub3A_474 = arith.subf %sub3A_473, %mul3A_468 : vector<16xf32>
        %select_n3A_475 = arith.select %eq3A_471, %sub3A_474, %mul3A_468 : vector<16xi1>, vector<16xf32>
        %convert_element_type3A_476 = arith.fptosi %select_n3A_475 : vector<16xf32> to vector<16xi32>
        %min3A_477 = arith.constant 127 : i32
        %min3A_478 = vector.broadcast %min3A_477 : i32 to vector<16xi32>
        %min3A_479 = arith.minsi %convert_element_type3A_476, %min3A_478 : vector<16xi32>
        %shift_left3A_480 = arith.constant 4 : i32
        %shift_left3A_481 = vector.broadcast %shift_left3A_480 : i32 to vector<16xi32>
        %shift_left3A_482 = arith.shli %min3A_479, %shift_left3A_481 : vector<16xi32>
        %add3A_483 = arith.constant 10240 : i32
        %add3A_484 = vector.broadcast %add3A_483 : i32 to vector<16xi32>
        %add3A_485 = arith.addi %iota3A, %add3A_484 : vector<16xi32>
        %add3A_486 = arith.addi %shift_left3A_482, %add3A_485 : vector<16xi32>
        %jit3A_487 = arith.constant 65537 : i32
        %jit3A_488 = arith.constant 1 : i32
        %broadcast_in_dim3A_489 = vector.broadcast %jit3A_487 : i32 to vector<16xi32>
        %broadcast_in_dim3A_490 = vector.broadcast %jit3A_488 : i32 to vector<16xi32>
        %select_n3A_491 = arith.select %eq3A_471, %broadcast_in_dim3A_489, %broadcast_in_dim3A_490 : vector<16xi1>, vector<16xi32>
        tpu.vector_store_idx %arg7[%add3A_486], %select_n3A_491 {add = true} : memref<38912xi32, #tpu.memory_space<vmem>>[vector<16xi32>], vector<16xi32>,
        %mul3A_492 = arith.mulf %exp3A_245, %div3A_350 : vector<16xf32>
        %eq3A_493 = arith.constant 6 : i32
        %eq3A_494 = vector.broadcast %eq3A_493 : i32 to vector<16xi32>
        %eq3A_495 = arith.cmpi eq, %get3A_197, %eq3A_494 : vector<16xi32>
        %sub3A_496 = arith.constant 1.280000e+02 : f32
        %sub3A_497 = vector.broadcast %sub3A_496 : f32 to vector<16xf32>
        %sub3A_498 = arith.subf %sub3A_497, %mul3A_492 : vector<16xf32>
        %select_n3A_499 = arith.select %eq3A_495, %sub3A_498, %mul3A_492 : vector<16xi1>, vector<16xf32>
        %convert_element_type3A_500 = arith.fptosi %select_n3A_499 : vector<16xf32> to vector<16xi32>
        %min3A_501 = arith.constant 127 : i32
        %min3A_502 = vector.broadcast %min3A_501 : i32 to vector<16xi32>
        %min3A_503 = arith.minsi %convert_element_type3A_500, %min3A_502 : vector<16xi32>
        %shift_left3A_504 = arith.constant 4 : i32
        %shift_left3A_505 = vector.broadcast %shift_left3A_504 : i32 to vector<16xi32>
        %shift_left3A_506 = arith.shli %min3A_503, %shift_left3A_505 : vector<16xi32>
        %add3A_507 = arith.constant 12288 : i32
        %add3A_508 = vector.broadcast %add3A_507 : i32 to vector<16xi32>
        %add3A_509 = arith.addi %iota3A, %add3A_508 : vector<16xi32>
        %add3A_510 = arith.addi %shift_left3A_506, %add3A_509 : vector<16xi32>
        %jit3A_511 = arith.constant 65537 : i32
        %jit3A_512 = arith.constant 1 : i32
        %broadcast_in_dim3A_513 = vector.broadcast %jit3A_511 : i32 to vector<16xi32>
        %broadcast_in_dim3A_514 = vector.broadcast %jit3A_512 : i32 to vector<16xi32>
        %select_n3A_515 = arith.select %eq3A_495, %broadcast_in_dim3A_513, %broadcast_in_dim3A_514 : vector<16xi1>, vector<16xi32>
        tpu.vector_store_idx %arg7[%add3A_510], %select_n3A_515 {add = true} : memref<38912xi32, #tpu.memory_space<vmem>>[vector<16xi32>], vector<16xi32>,
        %mul3A_516 = arith.mulf %exp3A_252, %div3A_350 : vector<16xf32>
        %eq3A_517 = arith.constant 7 : i32
        %eq3A_518 = vector.broadcast %eq3A_517 : i32 to vector<16xi32>
        %eq3A_519 = arith.cmpi eq, %get3A_197, %eq3A_518 : vector<16xi32>
        %sub3A_520 = arith.constant 1.280000e+02 : f32
        %sub3A_521 = vector.broadcast %sub3A_520 : f32 to vector<16xf32>
        %sub3A_522 = arith.subf %sub3A_521, %mul3A_516 : vector<16xf32>
        %select_n3A_523 = arith.select %eq3A_519, %sub3A_522, %mul3A_516 : vector<16xi1>, vector<16xf32>
        %convert_element_type3A_524 = arith.fptosi %select_n3A_523 : vector<16xf32> to vector<16xi32>
        %min3A_525 = arith.constant 127 : i32
        %min3A_526 = vector.broadcast %min3A_525 : i32 to vector<16xi32>
        %min3A_527 = arith.minsi %convert_element_type3A_524, %min3A_526 : vector<16xi32>
        %shift_left3A_528 = arith.constant 4 : i32
        %shift_left3A_529 = vector.broadcast %shift_left3A_528 : i32 to vector<16xi32>
        %shift_left3A_530 = arith.shli %min3A_527, %shift_left3A_529 : vector<16xi32>
        %add3A_531 = arith.constant 14336 : i32
        %add3A_532 = vector.broadcast %add3A_531 : i32 to vector<16xi32>
        %add3A_533 = arith.addi %iota3A, %add3A_532 : vector<16xi32>
        %add3A_534 = arith.addi %shift_left3A_530, %add3A_533 : vector<16xi32>
        %jit3A_535 = arith.constant 65537 : i32
        %jit3A_536 = arith.constant 1 : i32
        %broadcast_in_dim3A_537 = vector.broadcast %jit3A_535 : i32 to vector<16xi32>
        %broadcast_in_dim3A_538 = vector.broadcast %jit3A_536 : i32 to vector<16xi32>
        %select_n3A_539 = arith.select %eq3A_519, %broadcast_in_dim3A_537, %broadcast_in_dim3A_538 : vector<16xi1>, vector<16xi32>
        tpu.vector_store_idx %arg7[%add3A_534], %select_n3A_539 {add = true} : memref<38912xi32, #tpu.memory_space<vmem>>[vector<16xi32>], vector<16xi32>,
        %mul3A_540 = arith.mulf %exp3A_259, %div3A_350 : vector<16xf32>
        %eq3A_541 = arith.constant 8 : i32
        %eq3A_542 = vector.broadcast %eq3A_541 : i32 to vector<16xi32>
        %eq3A_543 = arith.cmpi eq, %get3A_197, %eq3A_542 : vector<16xi32>
        %sub3A_544 = arith.constant 1.280000e+02 : f32
        %sub3A_545 = vector.broadcast %sub3A_544 : f32 to vector<16xf32>
        %sub3A_546 = arith.subf %sub3A_545, %mul3A_540 : vector<16xf32>
        %select_n3A_547 = arith.select %eq3A_543, %sub3A_546, %mul3A_540 : vector<16xi1>, vector<16xf32>
        %convert_element_type3A_548 = arith.fptosi %select_n3A_547 : vector<16xf32> to vector<16xi32>
        %min3A_549 = arith.constant 127 : i32
        %min3A_550 = vector.broadcast %min3A_549 : i32 to vector<16xi32>
        %min3A_551 = arith.minsi %convert_element_type3A_548, %min3A_550 : vector<16xi32>
        %shift_left3A_552 = arith.constant 4 : i32
        %shift_left3A_553 = vector.broadcast %shift_left3A_552 : i32 to vector<16xi32>
        %shift_left3A_554 = arith.shli %min3A_551, %shift_left3A_553 : vector<16xi32>
        %add3A_555 = arith.constant 16384 : i32
        %add3A_556 = vector.broadcast %add3A_555 : i32 to vector<16xi32>
        %add3A_557 = arith.addi %iota3A, %add3A_556 : vector<16xi32>
        %add3A_558 = arith.addi %shift_left3A_554, %add3A_557 : vector<16xi32>
        %jit3A_559 = arith.constant 65537 : i32
        %jit3A_560 = arith.constant 1 : i32
        %broadcast_in_dim3A_561 = vector.broadcast %jit3A_559 : i32 to vector<16xi32>
        %broadcast_in_dim3A_562 = vector.broadcast %jit3A_560 : i32 to vector<16xi32>
        %select_n3A_563 = arith.select %eq3A_543, %broadcast_in_dim3A_561, %broadcast_in_dim3A_562 : vector<16xi1>, vector<16xi32>
        tpu.vector_store_idx %arg7[%add3A_558], %select_n3A_563 {add = true} : memref<38912xi32, #tpu.memory_space<vmem>>[vector<16xi32>], vector<16xi32>,
        %mul3A_564 = arith.mulf %exp3A_266, %div3A_350 : vector<16xf32>
        %eq3A_565 = arith.constant 9 : i32
        %eq3A_566 = vector.broadcast %eq3A_565 : i32 to vector<16xi32>
        %eq3A_567 = arith.cmpi eq, %get3A_197, %eq3A_566 : vector<16xi32>
        %sub3A_568 = arith.constant 1.280000e+02 : f32
        %sub3A_569 = vector.broadcast %sub3A_568 : f32 to vector<16xf32>
        %sub3A_570 = arith.subf %sub3A_569, %mul3A_564 : vector<16xf32>
        %select_n3A_571 = arith.select %eq3A_567, %sub3A_570, %mul3A_564 : vector<16xi1>, vector<16xf32>
        %convert_element_type3A_572 = arith.fptosi %select_n3A_571 : vector<16xf32> to vector<16xi32>
        %min3A_573 = arith.constant 127 : i32
        %min3A_574 = vector.broadcast %min3A_573 : i32 to vector<16xi32>
        %min3A_575 = arith.minsi %convert_element_type3A_572, %min3A_574 : vector<16xi32>
        %shift_left3A_576 = arith.constant 4 : i32
        %shift_left3A_577 = vector.broadcast %shift_left3A_576 : i32 to vector<16xi32>
        %shift_left3A_578 = arith.shli %min3A_575, %shift_left3A_577 : vector<16xi32>
        %add3A_579 = arith.constant 18432 : i32
        %add3A_580 = vector.broadcast %add3A_579 : i32 to vector<16xi32>
        %add3A_581 = arith.addi %iota3A, %add3A_580 : vector<16xi32>
        %add3A_582 = arith.addi %shift_left3A_578, %add3A_581 : vector<16xi32>
        %jit3A_583 = arith.constant 65537 : i32
        %jit3A_584 = arith.constant 1 : i32
        %broadcast_in_dim3A_585 = vector.broadcast %jit3A_583 : i32 to vector<16xi32>
        %broadcast_in_dim3A_586 = vector.broadcast %jit3A_584 : i32 to vector<16xi32>
        %select_n3A_587 = arith.select %eq3A_567, %broadcast_in_dim3A_585, %broadcast_in_dim3A_586 : vector<16xi1>, vector<16xi32>
        tpu.vector_store_idx %arg7[%add3A_582], %select_n3A_587 {add = true} : memref<38912xi32, #tpu.memory_space<vmem>>[vector<16xi32>], vector<16xi32>,
        %mul3A_588 = arith.mulf %exp3A_273, %div3A_350 : vector<16xf32>
        %eq3A_589 = arith.constant 10 : i32
        %eq3A_590 = vector.broadcast %eq3A_589 : i32 to vector<16xi32>
        %eq3A_591 = arith.cmpi eq, %get3A_197, %eq3A_590 : vector<16xi32>
        %sub3A_592 = arith.constant 1.280000e+02 : f32
        %sub3A_593 = vector.broadcast %sub3A_592 : f32 to vector<16xf32>
        %sub3A_594 = arith.subf %sub3A_593, %mul3A_588 : vector<16xf32>
        %select_n3A_595 = arith.select %eq3A_591, %sub3A_594, %mul3A_588 : vector<16xi1>, vector<16xf32>
        %convert_element_type3A_596 = arith.fptosi %select_n3A_595 : vector<16xf32> to vector<16xi32>
        %min3A_597 = arith.constant 127 : i32
        %min3A_598 = vector.broadcast %min3A_597 : i32 to vector<16xi32>
        %min3A_599 = arith.minsi %convert_element_type3A_596, %min3A_598 : vector<16xi32>
        %shift_left3A_600 = arith.constant 4 : i32
        %shift_left3A_601 = vector.broadcast %shift_left3A_600 : i32 to vector<16xi32>
        %shift_left3A_602 = arith.shli %min3A_599, %shift_left3A_601 : vector<16xi32>
        %add3A_603 = arith.constant 20480 : i32
        %add3A_604 = vector.broadcast %add3A_603 : i32 to vector<16xi32>
        %add3A_605 = arith.addi %iota3A, %add3A_604 : vector<16xi32>
        %add3A_606 = arith.addi %shift_left3A_602, %add3A_605 : vector<16xi32>
        %jit3A_607 = arith.constant 65537 : i32
        %jit3A_608 = arith.constant 1 : i32
        %broadcast_in_dim3A_609 = vector.broadcast %jit3A_607 : i32 to vector<16xi32>
        %broadcast_in_dim3A_610 = vector.broadcast %jit3A_608 : i32 to vector<16xi32>
        %select_n3A_611 = arith.select %eq3A_591, %broadcast_in_dim3A_609, %broadcast_in_dim3A_610 : vector<16xi1>, vector<16xi32>
        tpu.vector_store_idx %arg7[%add3A_606], %select_n3A_611 {add = true} : memref<38912xi32, #tpu.memory_space<vmem>>[vector<16xi32>], vector<16xi32>,
        %mul3A_612 = arith.mulf %exp3A_280, %div3A_350 : vector<16xf32>
        %eq3A_613 = arith.constant 11 : i32
        %eq3A_614 = vector.broadcast %eq3A_613 : i32 to vector<16xi32>
        %eq3A_615 = arith.cmpi eq, %get3A_197, %eq3A_614 : vector<16xi32>
        %sub3A_616 = arith.constant 1.280000e+02 : f32
        %sub3A_617 = vector.broadcast %sub3A_616 : f32 to vector<16xf32>
        %sub3A_618 = arith.subf %sub3A_617, %mul3A_612 : vector<16xf32>
        %select_n3A_619 = arith.select %eq3A_615, %sub3A_618, %mul3A_612 : vector<16xi1>, vector<16xf32>
        %convert_element_type3A_620 = arith.fptosi %select_n3A_619 : vector<16xf32> to vector<16xi32>
        %min3A_621 = arith.constant 127 : i32
        %min3A_622 = vector.broadcast %min3A_621 : i32 to vector<16xi32>
        %min3A_623 = arith.minsi %convert_element_type3A_620, %min3A_622 : vector<16xi32>
        %shift_left3A_624 = arith.constant 4 : i32
        %shift_left3A_625 = vector.broadcast %shift_left3A_624 : i32 to vector<16xi32>
        %shift_left3A_626 = arith.shli %min3A_623, %shift_left3A_625 : vector<16xi32>
        %add3A_627 = arith.constant 22528 : i32
        %add3A_628 = vector.broadcast %add3A_627 : i32 to vector<16xi32>
        %add3A_629 = arith.addi %iota3A, %add3A_628 : vector<16xi32>
        %add3A_630 = arith.addi %shift_left3A_626, %add3A_629 : vector<16xi32>
        %jit3A_631 = arith.constant 65537 : i32
        %jit3A_632 = arith.constant 1 : i32
        %broadcast_in_dim3A_633 = vector.broadcast %jit3A_631 : i32 to vector<16xi32>
        %broadcast_in_dim3A_634 = vector.broadcast %jit3A_632 : i32 to vector<16xi32>
        %select_n3A_635 = arith.select %eq3A_615, %broadcast_in_dim3A_633, %broadcast_in_dim3A_634 : vector<16xi1>, vector<16xi32>
        tpu.vector_store_idx %arg7[%add3A_630], %select_n3A_635 {add = true} : memref<38912xi32, #tpu.memory_space<vmem>>[vector<16xi32>], vector<16xi32>,
        %mul3A_636 = arith.mulf %exp3A_287, %div3A_350 : vector<16xf32>
        %eq3A_637 = arith.constant 12 : i32
        %eq3A_638 = vector.broadcast %eq3A_637 : i32 to vector<16xi32>
        %eq3A_639 = arith.cmpi eq, %get3A_197, %eq3A_638 : vector<16xi32>
        %sub3A_640 = arith.constant 1.280000e+02 : f32
        %sub3A_641 = vector.broadcast %sub3A_640 : f32 to vector<16xf32>
        %sub3A_642 = arith.subf %sub3A_641, %mul3A_636 : vector<16xf32>
        %select_n3A_643 = arith.select %eq3A_639, %sub3A_642, %mul3A_636 : vector<16xi1>, vector<16xf32>
        %convert_element_type3A_644 = arith.fptosi %select_n3A_643 : vector<16xf32> to vector<16xi32>
        %min3A_645 = arith.constant 127 : i32
        %min3A_646 = vector.broadcast %min3A_645 : i32 to vector<16xi32>
        %min3A_647 = arith.minsi %convert_element_type3A_644, %min3A_646 : vector<16xi32>
        %shift_left3A_648 = arith.constant 4 : i32
        %shift_left3A_649 = vector.broadcast %shift_left3A_648 : i32 to vector<16xi32>
        %shift_left3A_650 = arith.shli %min3A_647, %shift_left3A_649 : vector<16xi32>
        %add3A_651 = arith.constant 24576 : i32
        %add3A_652 = vector.broadcast %add3A_651 : i32 to vector<16xi32>
        %add3A_653 = arith.addi %iota3A, %add3A_652 : vector<16xi32>
        %add3A_654 = arith.addi %shift_left3A_650, %add3A_653 : vector<16xi32>
        %jit3A_655 = arith.constant 65537 : i32
        %jit3A_656 = arith.constant 1 : i32
        %broadcast_in_dim3A_657 = vector.broadcast %jit3A_655 : i32 to vector<16xi32>
        %broadcast_in_dim3A_658 = vector.broadcast %jit3A_656 : i32 to vector<16xi32>
        %select_n3A_659 = arith.select %eq3A_639, %broadcast_in_dim3A_657, %broadcast_in_dim3A_658 : vector<16xi1>, vector<16xi32>
        tpu.vector_store_idx %arg7[%add3A_654], %select_n3A_659 {add = true} : memref<38912xi32, #tpu.memory_space<vmem>>[vector<16xi32>], vector<16xi32>,
        %mul3A_660 = arith.mulf %exp3A_294, %div3A_350 : vector<16xf32>
        %eq3A_661 = arith.constant 13 : i32
        %eq3A_662 = vector.broadcast %eq3A_661 : i32 to vector<16xi32>
        %eq3A_663 = arith.cmpi eq, %get3A_197, %eq3A_662 : vector<16xi32>
        %sub3A_664 = arith.constant 1.280000e+02 : f32
        %sub3A_665 = vector.broadcast %sub3A_664 : f32 to vector<16xf32>
        %sub3A_666 = arith.subf %sub3A_665, %mul3A_660 : vector<16xf32>
        %select_n3A_667 = arith.select %eq3A_663, %sub3A_666, %mul3A_660 : vector<16xi1>, vector<16xf32>
        %convert_element_type3A_668 = arith.fptosi %select_n3A_667 : vector<16xf32> to vector<16xi32>
        %min3A_669 = arith.constant 127 : i32
        %min3A_670 = vector.broadcast %min3A_669 : i32 to vector<16xi32>
        %min3A_671 = arith.minsi %convert_element_type3A_668, %min3A_670 : vector<16xi32>
        %shift_left3A_672 = arith.constant 4 : i32
        %shift_left3A_673 = vector.broadcast %shift_left3A_672 : i32 to vector<16xi32>
        %shift_left3A_674 = arith.shli %min3A_671, %shift_left3A_673 : vector<16xi32>
        %add3A_675 = arith.constant 26624 : i32
        %add3A_676 = vector.broadcast %add3A_675 : i32 to vector<16xi32>
        %add3A_677 = arith.addi %iota3A, %add3A_676 : vector<16xi32>
        %add3A_678 = arith.addi %shift_left3A_674, %add3A_677 : vector<16xi32>
        %jit3A_679 = arith.constant 65537 : i32
        %jit3A_680 = arith.constant 1 : i32
        %broadcast_in_dim3A_681 = vector.broadcast %jit3A_679 : i32 to vector<16xi32>
        %broadcast_in_dim3A_682 = vector.broadcast %jit3A_680 : i32 to vector<16xi32>
        %select_n3A_683 = arith.select %eq3A_663, %broadcast_in_dim3A_681, %broadcast_in_dim3A_682 : vector<16xi1>, vector<16xi32>
        tpu.vector_store_idx %arg7[%add3A_678], %select_n3A_683 {add = true} : memref<38912xi32, #tpu.memory_space<vmem>>[vector<16xi32>], vector<16xi32>,
        %mul3A_684 = arith.mulf %exp3A_301, %div3A_350 : vector<16xf32>
        %eq3A_685 = arith.constant 14 : i32
        %eq3A_686 = vector.broadcast %eq3A_685 : i32 to vector<16xi32>
        %eq3A_687 = arith.cmpi eq, %get3A_197, %eq3A_686 : vector<16xi32>
        %sub3A_688 = arith.constant 1.280000e+02 : f32
        %sub3A_689 = vector.broadcast %sub3A_688 : f32 to vector<16xf32>
        %sub3A_690 = arith.subf %sub3A_689, %mul3A_684 : vector<16xf32>
        %select_n3A_691 = arith.select %eq3A_687, %sub3A_690, %mul3A_684 : vector<16xi1>, vector<16xf32>
        %convert_element_type3A_692 = arith.fptosi %select_n3A_691 : vector<16xf32> to vector<16xi32>
        %min3A_693 = arith.constant 127 : i32
        %min3A_694 = vector.broadcast %min3A_693 : i32 to vector<16xi32>
        %min3A_695 = arith.minsi %convert_element_type3A_692, %min3A_694 : vector<16xi32>
        %shift_left3A_696 = arith.constant 4 : i32
        %shift_left3A_697 = vector.broadcast %shift_left3A_696 : i32 to vector<16xi32>
        %shift_left3A_698 = arith.shli %min3A_695, %shift_left3A_697 : vector<16xi32>
        %add3A_699 = arith.constant 28672 : i32
        %add3A_700 = vector.broadcast %add3A_699 : i32 to vector<16xi32>
        %add3A_701 = arith.addi %iota3A, %add3A_700 : vector<16xi32>
        %add3A_702 = arith.addi %shift_left3A_698, %add3A_701 : vector<16xi32>
        %jit3A_703 = arith.constant 65537 : i32
        %jit3A_704 = arith.constant 1 : i32
        %broadcast_in_dim3A_705 = vector.broadcast %jit3A_703 : i32 to vector<16xi32>
        %broadcast_in_dim3A_706 = vector.broadcast %jit3A_704 : i32 to vector<16xi32>
        %select_n3A_707 = arith.select %eq3A_687, %broadcast_in_dim3A_705, %broadcast_in_dim3A_706 : vector<16xi1>, vector<16xi32>
        tpu.vector_store_idx %arg7[%add3A_702], %select_n3A_707 {add = true} : memref<38912xi32, #tpu.memory_space<vmem>>[vector<16xi32>], vector<16xi32>,
        %mul3A_708 = arith.mulf %exp3A_308, %div3A_350 : vector<16xf32>
        %eq3A_709 = arith.constant 15 : i32
        %eq3A_710 = vector.broadcast %eq3A_709 : i32 to vector<16xi32>
        %eq3A_711 = arith.cmpi eq, %get3A_197, %eq3A_710 : vector<16xi32>
        %sub3A_712 = arith.constant 1.280000e+02 : f32
        %sub3A_713 = vector.broadcast %sub3A_712 : f32 to vector<16xf32>
        %sub3A_714 = arith.subf %sub3A_713, %mul3A_708 : vector<16xf32>
        %select_n3A_715 = arith.select %eq3A_711, %sub3A_714, %mul3A_708 : vector<16xi1>, vector<16xf32>
        %convert_element_type3A_716 = arith.fptosi %select_n3A_715 : vector<16xf32> to vector<16xi32>
        %min3A_717 = arith.constant 127 : i32
        %min3A_718 = vector.broadcast %min3A_717 : i32 to vector<16xi32>
        %min3A_719 = arith.minsi %convert_element_type3A_716, %min3A_718 : vector<16xi32>
        %shift_left3A_720 = arith.constant 4 : i32
        %shift_left3A_721 = vector.broadcast %shift_left3A_720 : i32 to vector<16xi32>
        %shift_left3A_722 = arith.shli %min3A_719, %shift_left3A_721 : vector<16xi32>
        %add3A_723 = arith.constant 30720 : i32
        %add3A_724 = vector.broadcast %add3A_723 : i32 to vector<16xi32>
        %add3A_725 = arith.addi %iota3A, %add3A_724 : vector<16xi32>
        %add3A_726 = arith.addi %shift_left3A_722, %add3A_725 : vector<16xi32>
        %jit3A_727 = arith.constant 65537 : i32
        %jit3A_728 = arith.constant 1 : i32
        %broadcast_in_dim3A_729 = vector.broadcast %jit3A_727 : i32 to vector<16xi32>
        %broadcast_in_dim3A_730 = vector.broadcast %jit3A_728 : i32 to vector<16xi32>
        %select_n3A_731 = arith.select %eq3A_711, %broadcast_in_dim3A_729, %broadcast_in_dim3A_730 : vector<16xi1>, vector<16xi32>
        tpu.vector_store_idx %arg7[%add3A_726], %select_n3A_731 {add = true} : memref<38912xi32, #tpu.memory_space<vmem>>[vector<16xi32>], vector<16xi32>,
        %mul3A_732 = arith.mulf %exp3A_315, %div3A_350 : vector<16xf32>
        %eq3A_733 = arith.constant 16 : i32
        %eq3A_734 = vector.broadcast %eq3A_733 : i32 to vector<16xi32>
        %eq3A_735 = arith.cmpi eq, %get3A_197, %eq3A_734 : vector<16xi32>
        %sub3A_736 = arith.constant 1.280000e+02 : f32
        %sub3A_737 = vector.broadcast %sub3A_736 : f32 to vector<16xf32>
        %sub3A_738 = arith.subf %sub3A_737, %mul3A_732 : vector<16xf32>
        %select_n3A_739 = arith.select %eq3A_735, %sub3A_738, %mul3A_732 : vector<16xi1>, vector<16xf32>
        %convert_element_type3A_740 = arith.fptosi %select_n3A_739 : vector<16xf32> to vector<16xi32>
        %min3A_741 = arith.constant 127 : i32
        %min3A_742 = vector.broadcast %min3A_741 : i32 to vector<16xi32>
        %min3A_743 = arith.minsi %convert_element_type3A_740, %min3A_742 : vector<16xi32>
        %shift_left3A_744 = arith.constant 4 : i32
        %shift_left3A_745 = vector.broadcast %shift_left3A_744 : i32 to vector<16xi32>
        %shift_left3A_746 = arith.shli %min3A_743, %shift_left3A_745 : vector<16xi32>
        %add3A_747 = arith.constant 32768 : i32
        %add3A_748 = vector.broadcast %add3A_747 : i32 to vector<16xi32>
        %add3A_749 = arith.addi %iota3A, %add3A_748 : vector<16xi32>
        %add3A_750 = arith.addi %shift_left3A_746, %add3A_749 : vector<16xi32>
        %jit3A_751 = arith.constant 65537 : i32
        %jit3A_752 = arith.constant 1 : i32
        %broadcast_in_dim3A_753 = vector.broadcast %jit3A_751 : i32 to vector<16xi32>
        %broadcast_in_dim3A_754 = vector.broadcast %jit3A_752 : i32 to vector<16xi32>
        %select_n3A_755 = arith.select %eq3A_735, %broadcast_in_dim3A_753, %broadcast_in_dim3A_754 : vector<16xi1>, vector<16xi32>
        tpu.vector_store_idx %arg7[%add3A_750], %select_n3A_755 {add = true} : memref<38912xi32, #tpu.memory_space<vmem>>[vector<16xi32>], vector<16xi32>,
        %mul3A_756 = arith.mulf %exp3A_322, %div3A_350 : vector<16xf32>
        %eq3A_757 = arith.constant 17 : i32
        %eq3A_758 = vector.broadcast %eq3A_757 : i32 to vector<16xi32>
        %eq3A_759 = arith.cmpi eq, %get3A_197, %eq3A_758 : vector<16xi32>
        %sub3A_760 = arith.constant 1.280000e+02 : f32
        %sub3A_761 = vector.broadcast %sub3A_760 : f32 to vector<16xf32>
        %sub3A_762 = arith.subf %sub3A_761, %mul3A_756 : vector<16xf32>
        %select_n3A_763 = arith.select %eq3A_759, %sub3A_762, %mul3A_756 : vector<16xi1>, vector<16xf32>
        %convert_element_type3A_764 = arith.fptosi %select_n3A_763 : vector<16xf32> to vector<16xi32>
        %min3A_765 = arith.constant 127 : i32
        %min3A_766 = vector.broadcast %min3A_765 : i32 to vector<16xi32>
        %min3A_767 = arith.minsi %convert_element_type3A_764, %min3A_766 : vector<16xi32>
        %shift_left3A_768 = arith.constant 4 : i32
        %shift_left3A_769 = vector.broadcast %shift_left3A_768 : i32 to vector<16xi32>
        %shift_left3A_770 = arith.shli %min3A_767, %shift_left3A_769 : vector<16xi32>
        %add3A_771 = arith.constant 34816 : i32
        %add3A_772 = vector.broadcast %add3A_771 : i32 to vector<16xi32>
        %add3A_773 = arith.addi %iota3A, %add3A_772 : vector<16xi32>
        %add3A_774 = arith.addi %shift_left3A_770, %add3A_773 : vector<16xi32>
        %jit3A_775 = arith.constant 65537 : i32
        %jit3A_776 = arith.constant 1 : i32
        %broadcast_in_dim3A_777 = vector.broadcast %jit3A_775 : i32 to vector<16xi32>
        %broadcast_in_dim3A_778 = vector.broadcast %jit3A_776 : i32 to vector<16xi32>
        %select_n3A_779 = arith.select %eq3A_759, %broadcast_in_dim3A_777, %broadcast_in_dim3A_778 : vector<16xi1>, vector<16xi32>
        tpu.vector_store_idx %arg7[%add3A_774], %select_n3A_779 {add = true} : memref<38912xi32, #tpu.memory_space<vmem>>[vector<16xi32>], vector<16xi32>,
        %mul3A_780 = arith.mulf %exp3A_329, %div3A_350 : vector<16xf32>
        %eq3A_781 = arith.constant 18 : i32
        %eq3A_782 = vector.broadcast %eq3A_781 : i32 to vector<16xi32>
        %eq3A_783 = arith.cmpi eq, %get3A_197, %eq3A_782 : vector<16xi32>
        %sub3A_784 = arith.constant 1.280000e+02 : f32
        %sub3A_785 = vector.broadcast %sub3A_784 : f32 to vector<16xf32>
        %sub3A_786 = arith.subf %sub3A_785, %mul3A_780 : vector<16xf32>
        %select_n3A_787 = arith.select %eq3A_783, %sub3A_786, %mul3A_780 : vector<16xi1>, vector<16xf32>
        %convert_element_type3A_788 = arith.fptosi %select_n3A_787 : vector<16xf32> to vector<16xi32>
        %min3A_789 = arith.constant 127 : i32
        %min3A_790 = vector.broadcast %min3A_789 : i32 to vector<16xi32>
        %min3A_791 = arith.minsi %convert_element_type3A_788, %min3A_790 : vector<16xi32>
        %shift_left3A_792 = arith.constant 4 : i32
        %shift_left3A_793 = vector.broadcast %shift_left3A_792 : i32 to vector<16xi32>
        %shift_left3A_794 = arith.shli %min3A_791, %shift_left3A_793 : vector<16xi32>
        %add3A_795 = arith.constant 36864 : i32
        %add3A_796 = vector.broadcast %add3A_795 : i32 to vector<16xi32>
        %add3A_797 = arith.addi %iota3A, %add3A_796 : vector<16xi32>
        %add3A_798 = arith.addi %shift_left3A_794, %add3A_797 : vector<16xi32>
        %jit3A_799 = arith.constant 65537 : i32
        %jit3A_800 = arith.constant 1 : i32
        %broadcast_in_dim3A_801 = vector.broadcast %jit3A_799 : i32 to vector<16xi32>
        %broadcast_in_dim3A_802 = vector.broadcast %jit3A_800 : i32 to vector<16xi32>
        %select_n3A_803 = arith.select %eq3A_783, %broadcast_in_dim3A_801, %broadcast_in_dim3A_802 : vector<16xi1>, vector<16xi32>
        tpu.vector_store_idx %arg7[%add3A_798], %select_n3A_803 {add = true} : memref<38912xi32, #tpu.memory_space<vmem>>[vector<16xi32>], vector<16xi32>,
        %scan3A_804 = arith.constant 0 : i32
        scf.yield %scan3A_804 : i32
      }
      %scan3A_134 = arith.constant 32 : i32
      %add3A_135 = arith.constant 2 : i32
      %add3A_136 = arith.addi %add3A_100, %add3A_135 : i32
      %lt3A_137 = arith.constant 64 : i32
      %lt3A_138 = arith.cmpi slt, %add3A_136, %lt3A_137 : i32
      %convert_element_type3A = arith.extui %lt3A_138 : i1 to i32
      %cond3A = arith.constant 0 : i32
      %cond3A_139 = arith.cmpi ne, %convert_element_type3A, %cond3A : i32
      scf.if %cond3A_139 {
        %add3A_187 = arith.constant 2 : i32
        %add3A_188 = arith.addi %add3A_100, %add3A_187 : i32
        %mul3A_189 = arith.constant 512 : i32
        %mul3A_190 = arith.muli %add3A_188, %mul3A_189 : i32
        %add3A_191 = arith.addi %mul3A_32, %mul3A_190 : i32
        %mul3A_192 = arith.constant 19 : i32
        %mul3A_193 = arith.muli %select_n3A, %mul3A_192 : i32
        %mul3A_194 = arith.constant 512 : i32
        %mul3A_195 = arith.muli %add3A_188, %mul3A_194 : i32
        %add3A_196 = arith.addi %add3A_35, %mul3A_195 : i32
        %dma_start3A_197 = arith.constant 0 : i32
        %dma_start3A_198 = arith.constant 0 : i32
        %dma_start3A_199 = arith.constant 0 : i32
        %dma_start3A_200 = tpu.memref_slice %arg5[%dma_start3A_197, %dma_start3A_198, %dma_start3A_199] : memref<2x19x512xf32, #tpu.memory_space<vmem>> -> memref<1x19x512xf32, #tpu.memory_space<vmem>>
        %dma_start3A_201 = tpu.memref_squeeze %dma_start3A_200 : memref<1x19x512xf32, #tpu.memory_space<vmem>> -> memref<19x512xf32, #tpu.memory_space<vmem>>
        %dma_start3A_202 = tpu.memref_slice %arg2[%mul3A_193, %add3A_191] : memref<76x262144xf32, #tpu.memory_space<hbm>> -> memref<19x512xf32, #tpu.memory_space<hbm>>
        %dma_start3A_203 = arith.constant 0 : i32
        %dma_start3A_204 = arith.constant 0 : i32
        %dma_start3A_205 = tpu.memref_slice %arg5[%dma_start3A_197, %dma_start3A_203, %dma_start3A_204] : memref<2x19x512xf32, #tpu.memory_space<vmem>> -> memref<1x19x512xf32, #tpu.memory_space<vmem>>
        %dma_start3A_206 = tpu.memref_squeeze %dma_start3A_205 : memref<1x19x512xf32, #tpu.memory_space<vmem>> -> memref<19x512xf32, #tpu.memory_space<vmem>>
        %dma_start3A_207 = tpu.memref_slice %arg2[%mul3A_193, %add3A_191] : memref<76x262144xf32, #tpu.memory_space<hbm>> -> memref<19x512xf32, #tpu.memory_space<hbm>>
        tpu.enqueue_dma source(%dma_start3A_207 : memref<19x512xf32, #tpu.memory_space<hbm>>) target(%dma_start3A_206 : memref<19x512xf32, #tpu.memory_space<vmem>>) target_semaphore(%arg8 : memref<!tpu.dma_semaphore, #tpu.memory_space<semaphore_mem>>)
        %dma_start3A_208 = arith.constant 0 : i32
        %dma_start3A_209 = arith.constant 0 : i32
        %dma_start3A_210 = tpu.memref_slice %arg6[%dma_start3A_208, %dma_start3A_209] : memref<2x512xi32, #tpu.memory_space<vmem>> -> memref<1x512xi32, #tpu.memory_space<vmem>>
        %dma_start3A_211 = tpu.memref_squeeze %dma_start3A_210 : memref<1x512xi32, #tpu.memory_space<vmem>> -> memref<512xi32, #tpu.memory_space<vmem>>
        %dma_start3A_212 = tpu.memref_slice %arg3[%add3A_196] : memref<1048576xi32, #tpu.memory_space<hbm>> -> memref<512xi32, #tpu.memory_space<hbm>>
        %dma_start3A_213 = arith.constant 0 : i32
        %dma_start3A_214 = tpu.memref_slice %arg6[%dma_start3A_208, %dma_start3A_213] : memref<2x512xi32, #tpu.memory_space<vmem>> -> memref<1x512xi32, #tpu.memory_space<vmem>>
        %dma_start3A_215 = tpu.memref_squeeze %dma_start3A_214 : memref<1x512xi32, #tpu.memory_space<vmem>> -> memref<512xi32, #tpu.memory_space<vmem>>
        %dma_start3A_216 = tpu.memref_slice %arg3[%add3A_196] : memref<1048576xi32, #tpu.memory_space<hbm>> -> memref<512xi32, #tpu.memory_space<hbm>>
        tpu.enqueue_dma source(%dma_start3A_216 : memref<512xi32, #tpu.memory_space<hbm>>) target(%dma_start3A_215 : memref<512xi32, #tpu.memory_space<vmem>>) target_semaphore(%arg10 : memref<!tpu.dma_semaphore, #tpu.memory_space<semaphore_mem>>)
      } else {
      }
      %mul3A_140 = arith.constant 2 : i32
      %mul3A_141 = arith.muli %scan3A_95, %mul3A_140 : i32
      %add3A_142 = arith.constant 1 : i32
      %add3A_143 = arith.addi %mul3A_141, %add3A_142 : i32
      %mul3A_144 = arith.constant 512 : i32
      %mul3A_145 = arith.muli %add3A_143, %mul3A_144 : i32
      %add3A_146 = arith.addi %mul3A_32, %mul3A_145 : i32
      %mul3A_147 = arith.constant 19 : i32
      %mul3A_148 = arith.muli %select_n3A, %mul3A_147 : i32
      %mul3A_149 = arith.constant 512 : i32
      %mul3A_150 = arith.muli %add3A_143, %mul3A_149 : i32
      %add3A_151 = arith.addi %add3A_35, %mul3A_150 : i32
      %dma_wait3A_152 = arith.constant 1 : i32
      %dma_wait3A_153 = arith.constant 0 : i32
      %dma_wait3A_154 = arith.constant 0 : i32
      %dma_wait3A_155 = tpu.memref_slice %arg5[%dma_wait3A_152, %dma_wait3A_153, %dma_wait3A_154] : memref<2x19x512xf32, #tpu.memory_space<vmem>> -> memref<1x19x512xf32, #tpu.memory_space<vmem>>
      %dma_wait3A_156 = tpu.memref_squeeze %dma_wait3A_155 : memref<1x19x512xf32, #tpu.memory_space<vmem>> -> memref<19x512xf32, #tpu.memory_space<vmem>>
      %dma_wait3A_157 = tpu.memref_slice %arg2[%mul3A_148, %add3A_146] : memref<76x262144xf32, #tpu.memory_space<hbm>> -> memref<19x512xf32, #tpu.memory_space<hbm>>
      %dma_wait3A_158 = arith.constant 0 : i32
      %dma_wait3A_159 = arith.constant 0 : i32
      %dma_wait3A_160 = tpu.memref_slice %arg5[%dma_wait3A_152, %dma_wait3A_158, %dma_wait3A_159] : memref<2x19x512xf32, #tpu.memory_space<vmem>> -> memref<1x19x512xf32, #tpu.memory_space<vmem>>
      %dma_wait3A_161 = tpu.memref_squeeze %dma_wait3A_160 : memref<1x19x512xf32, #tpu.memory_space<vmem>> -> memref<19x512xf32, #tpu.memory_space<vmem>>
      %dma_wait3A_162 = tpu.memref_slice %arg2[%mul3A_148, %add3A_146] : memref<76x262144xf32, #tpu.memory_space<hbm>> -> memref<19x512xf32, #tpu.memory_space<hbm>>
      tpu.wait_dma2 semaphore(%arg9 : memref<!tpu.dma_semaphore, #tpu.memory_space<semaphore_mem>>) src(%dma_wait3A_162 : memref<19x512xf32, #tpu.memory_space<hbm>>) dst(%dma_wait3A_161 : memref<19x512xf32, #tpu.memory_space<vmem>>)
      %dma_wait3A_163 = arith.constant 1 : i32
      %dma_wait3A_164 = arith.constant 0 : i32
      %dma_wait3A_165 = tpu.memref_slice %arg6[%dma_wait3A_163, %dma_wait3A_164] : memref<2x512xi32, #tpu.memory_space<vmem>> -> memref<1x512xi32, #tpu.memory_space<vmem>>
      %dma_wait3A_166 = tpu.memref_squeeze %dma_wait3A_165 : memref<1x512xi32, #tpu.memory_space<vmem>> -> memref<512xi32, #tpu.memory_space<vmem>>
      %dma_wait3A_167 = tpu.memref_slice %arg3[%add3A_151] : memref<1048576xi32, #tpu.memory_space<hbm>> -> memref<512xi32, #tpu.memory_space<hbm>>
      %dma_wait3A_168 = arith.constant 0 : i32
      %dma_wait3A_169 = tpu.memref_slice %arg6[%dma_wait3A_163, %dma_wait3A_168] : memref<2x512xi32, #tpu.memory_space<vmem>> -> memref<1x512xi32, #tpu.memory_space<vmem>>
      %dma_wait3A_170 = tpu.memref_squeeze %dma_wait3A_169 : memref<1x512xi32, #tpu.memory_space<vmem>> -> memref<512xi32, #tpu.memory_space<vmem>>
      %dma_wait3A_171 = tpu.memref_slice %arg3[%add3A_151] : memref<1048576xi32, #tpu.memory_space<hbm>> -> memref<512xi32, #tpu.memory_space<hbm>>
      tpu.wait_dma2 semaphore(%arg11 : memref<!tpu.dma_semaphore, #tpu.memory_space<semaphore_mem>>) src(%dma_wait3A_171 : memref<512xi32, #tpu.memory_space<hbm>>) dst(%dma_wait3A_170 : memref<512xi32, #tpu.memory_space<vmem>>)
      %scan3A_172 = arith.constant 0 : i32
      %scan3A_173 = arith.constant 0 : i32
      %scan3A_174 = arith.constant 32 : i32
      %scan3A_175 = arith.addi %scan3A_173, %scan3A_174 : i32
      %scan3A_176 = arith.constant 1 : i32
      %scan3A_177 = scf.for %scan3A_187 = %scan3A_173 to %scan3A_175 step %scan3A_176 iter_args(%scan3A_188 = %scan3A_172) -> (i32)  : i32 {
        %mul3A_189 = arith.constant 1 : i32
        %mul3A_190 = arith.muli %scan3A_187, %mul3A_189 : i32
        %add3A_191 = arith.constant 0 : i32
        %add3A_192 = arith.addi %mul3A_190, %add3A_191 : i32
        %mul3A_193 = arith.constant 16 : i32
        %mul3A_194 = arith.muli %add3A_192, %mul3A_193 : i32
        %get3A = arith.constant 1 : i32
        %get3A_195 = arith.index_cast %get3A : i32 to index
        %get3A_196 = arith.index_cast %mul3A_194 : i32 to index
        %get3A_197 = tpu.vector_load %arg6[%get3A_195, %get3A_196] {strides = array<i32>} : memref<2x512xi32, #tpu.memory_space<vmem>>, vector<16xi32>,
        %get3A_198 = arith.constant 1 : i32
        %get3A_199 = arith.constant 0 : i32
        %get3A_200 = arith.index_cast %get3A_198 : i32 to index
        %get3A_201 = arith.index_cast %get3A_199 : i32 to index
        %get3A_202 = arith.index_cast %mul3A_194 : i32 to index
        %get3A_203 = tpu.vector_load %arg5[%get3A_200, %get3A_201, %get3A_202] {strides = array<i32>} : memref<2x19x512xf32, #tpu.memory_space<vmem>>, vector<16xf32>,
        %exp3A = math.exp %get3A_203 : vector<16xf32>
        %get3A_204 = arith.constant 1 : i32
        %get3A_205 = arith.constant 1 : i32
        %get3A_206 = arith.index_cast %get3A_204 : i32 to index
        %get3A_207 = arith.index_cast %get3A_205 : i32 to index
        %get3A_208 = arith.index_cast %mul3A_194 : i32 to index
        %get3A_209 = tpu.vector_load %arg5[%get3A_206, %get3A_207, %get3A_208] {strides = array<i32>} : memref<2x19x512xf32, #tpu.memory_space<vmem>>, vector<16xf32>,
        %exp3A_210 = math.exp %get3A_209 : vector<16xf32>
        %get3A_211 = arith.constant 1 : i32
        %get3A_212 = arith.constant 2 : i32
        %get3A_213 = arith.index_cast %get3A_211 : i32 to index
        %get3A_214 = arith.index_cast %get3A_212 : i32 to index
        %get3A_215 = arith.index_cast %mul3A_194 : i32 to index
        %get3A_216 = tpu.vector_load %arg5[%get3A_213, %get3A_214, %get3A_215] {strides = array<i32>} : memref<2x19x512xf32, #tpu.memory_space<vmem>>, vector<16xf32>,
        %exp3A_217 = math.exp %get3A_216 : vector<16xf32>
        %get3A_218 = arith.constant 1 : i32
        %get3A_219 = arith.constant 3 : i32
        %get3A_220 = arith.index_cast %get3A_218 : i32 to index
        %get3A_221 = arith.index_cast %get3A_219 : i32 to index
        %get3A_222 = arith.index_cast %mul3A_194 : i32 to index
        %get3A_223 = tpu.vector_load %arg5[%get3A_220, %get3A_221, %get3A_222] {strides = array<i32>} : memref<2x19x512xf32, #tpu.memory_space<vmem>>, vector<16xf32>,
        %exp3A_224 = math.exp %get3A_223 : vector<16xf32>
        %get3A_225 = arith.constant 1 : i32
        %get3A_226 = arith.constant 4 : i32
        %get3A_227 = arith.index_cast %get3A_225 : i32 to index
        %get3A_228 = arith.index_cast %get3A_226 : i32 to index
        %get3A_229 = arith.index_cast %mul3A_194 : i32 to index
        %get3A_230 = tpu.vector_load %arg5[%get3A_227, %get3A_228, %get3A_229] {strides = array<i32>} : memref<2x19x512xf32, #tpu.memory_space<vmem>>, vector<16xf32>,
        %exp3A_231 = math.exp %get3A_230 : vector<16xf32>
        %get3A_232 = arith.constant 1 : i32
        %get3A_233 = arith.constant 5 : i32
        %get3A_234 = arith.index_cast %get3A_232 : i32 to index
        %get3A_235 = arith.index_cast %get3A_233 : i32 to index
        %get3A_236 = arith.index_cast %mul3A_194 : i32 to index
        %get3A_237 = tpu.vector_load %arg5[%get3A_234, %get3A_235, %get3A_236] {strides = array<i32>} : memref<2x19x512xf32, #tpu.memory_space<vmem>>, vector<16xf32>,
        %exp3A_238 = math.exp %get3A_237 : vector<16xf32>
        %get3A_239 = arith.constant 1 : i32
        %get3A_240 = arith.constant 6 : i32
        %get3A_241 = arith.index_cast %get3A_239 : i32 to index
        %get3A_242 = arith.index_cast %get3A_240 : i32 to index
        %get3A_243 = arith.index_cast %mul3A_194 : i32 to index
        %get3A_244 = tpu.vector_load %arg5[%get3A_241, %get3A_242, %get3A_243] {strides = array<i32>} : memref<2x19x512xf32, #tpu.memory_space<vmem>>, vector<16xf32>,
        %exp3A_245 = math.exp %get3A_244 : vector<16xf32>
        %get3A_246 = arith.constant 1 : i32
        %get3A_247 = arith.constant 7 : i32
        %get3A_248 = arith.index_cast %get3A_246 : i32 to index
        %get3A_249 = arith.index_cast %get3A_247 : i32 to index
        %get3A_250 = arith.index_cast %mul3A_194 : i32 to index
        %get3A_251 = tpu.vector_load %arg5[%get3A_248, %get3A_249, %get3A_250] {strides = array<i32>} : memref<2x19x512xf32, #tpu.memory_space<vmem>>, vector<16xf32>,
        %exp3A_252 = math.exp %get3A_251 : vector<16xf32>
        %get3A_253 = arith.constant 1 : i32
        %get3A_254 = arith.constant 8 : i32
        %get3A_255 = arith.index_cast %get3A_253 : i32 to index
        %get3A_256 = arith.index_cast %get3A_254 : i32 to index
        %get3A_257 = arith.index_cast %mul3A_194 : i32 to index
        %get3A_258 = tpu.vector_load %arg5[%get3A_255, %get3A_256, %get3A_257] {strides = array<i32>} : memref<2x19x512xf32, #tpu.memory_space<vmem>>, vector<16xf32>,
        %exp3A_259 = math.exp %get3A_258 : vector<16xf32>
        %get3A_260 = arith.constant 1 : i32
        %get3A_261 = arith.constant 9 : i32
        %get3A_262 = arith.index_cast %get3A_260 : i32 to index
        %get3A_263 = arith.index_cast %get3A_261 : i32 to index
        %get3A_264 = arith.index_cast %mul3A_194 : i32 to index
        %get3A_265 = tpu.vector_load %arg5[%get3A_262, %get3A_263, %get3A_264] {strides = array<i32>} : memref<2x19x512xf32, #tpu.memory_space<vmem>>, vector<16xf32>,
        %exp3A_266 = math.exp %get3A_265 : vector<16xf32>
        %get3A_267 = arith.constant 1 : i32
        %get3A_268 = arith.constant 10 : i32
        %get3A_269 = arith.index_cast %get3A_267 : i32 to index
        %get3A_270 = arith.index_cast %get3A_268 : i32 to index
        %get3A_271 = arith.index_cast %mul3A_194 : i32 to index
        %get3A_272 = tpu.vector_load %arg5[%get3A_269, %get3A_270, %get3A_271] {strides = array<i32>} : memref<2x19x512xf32, #tpu.memory_space<vmem>>, vector<16xf32>,
        %exp3A_273 = math.exp %get3A_272 : vector<16xf32>
        %get3A_274 = arith.constant 1 : i32
        %get3A_275 = arith.constant 11 : i32
        %get3A_276 = arith.index_cast %get3A_274 : i32 to index
        %get3A_277 = arith.index_cast %get3A_275 : i32 to index
        %get3A_278 = arith.index_cast %mul3A_194 : i32 to index
        %get3A_279 = tpu.vector_load %arg5[%get3A_276, %get3A_277, %get3A_278] {strides = array<i32>} : memref<2x19x512xf32, #tpu.memory_space<vmem>>, vector<16xf32>,
        %exp3A_280 = math.exp %get3A_279 : vector<16xf32>
        %get3A_281 = arith.constant 1 : i32
        %get3A_282 = arith.constant 12 : i32
        %get3A_283 = arith.index_cast %get3A_281 : i32 to index
        %get3A_284 = arith.index_cast %get3A_282 : i32 to index
        %get3A_285 = arith.index_cast %mul3A_194 : i32 to index
        %get3A_286 = tpu.vector_load %arg5[%get3A_283, %get3A_284, %get3A_285] {strides = array<i32>} : memref<2x19x512xf32, #tpu.memory_space<vmem>>, vector<16xf32>,
        %exp3A_287 = math.exp %get3A_286 : vector<16xf32>
        %get3A_288 = arith.constant 1 : i32
        %get3A_289 = arith.constant 13 : i32
        %get3A_290 = arith.index_cast %get3A_288 : i32 to index
        %get3A_291 = arith.index_cast %get3A_289 : i32 to index
        %get3A_292 = arith.index_cast %mul3A_194 : i32 to index
        %get3A_293 = tpu.vector_load %arg5[%get3A_290, %get3A_291, %get3A_292] {strides = array<i32>} : memref<2x19x512xf32, #tpu.memory_space<vmem>>, vector<16xf32>,
        %exp3A_294 = math.exp %get3A_293 : vector<16xf32>
        %get3A_295 = arith.constant 1 : i32
        %get3A_296 = arith.constant 14 : i32
        %get3A_297 = arith.index_cast %get3A_295 : i32 to index
        %get3A_298 = arith.index_cast %get3A_296 : i32 to index
        %get3A_299 = arith.index_cast %mul3A_194 : i32 to index
        %get3A_300 = tpu.vector_load %arg5[%get3A_297, %get3A_298, %get3A_299] {strides = array<i32>} : memref<2x19x512xf32, #tpu.memory_space<vmem>>, vector<16xf32>,
        %exp3A_301 = math.exp %get3A_300 : vector<16xf32>
        %get3A_302 = arith.constant 1 : i32
        %get3A_303 = arith.constant 15 : i32
        %get3A_304 = arith.index_cast %get3A_302 : i32 to index
        %get3A_305 = arith.index_cast %get3A_303 : i32 to index
        %get3A_306 = arith.index_cast %mul3A_194 : i32 to index
        %get3A_307 = tpu.vector_load %arg5[%get3A_304, %get3A_305, %get3A_306] {strides = array<i32>} : memref<2x19x512xf32, #tpu.memory_space<vmem>>, vector<16xf32>,
        %exp3A_308 = math.exp %get3A_307 : vector<16xf32>
        %get3A_309 = arith.constant 1 : i32
        %get3A_310 = arith.constant 16 : i32
        %get3A_311 = arith.index_cast %get3A_309 : i32 to index
        %get3A_312 = arith.index_cast %get3A_310 : i32 to index
        %get3A_313 = arith.index_cast %mul3A_194 : i32 to index
        %get3A_314 = tpu.vector_load %arg5[%get3A_311, %get3A_312, %get3A_313] {strides = array<i32>} : memref<2x19x512xf32, #tpu.memory_space<vmem>>, vector<16xf32>,
        %exp3A_315 = math.exp %get3A_314 : vector<16xf32>
        %get3A_316 = arith.constant 1 : i32
        %get3A_317 = arith.constant 17 : i32
        %get3A_318 = arith.index_cast %get3A_316 : i32 to index
        %get3A_319 = arith.index_cast %get3A_317 : i32 to index
        %get3A_320 = arith.index_cast %mul3A_194 : i32 to index
        %get3A_321 = tpu.vector_load %arg5[%get3A_318, %get3A_319, %get3A_320] {strides = array<i32>} : memref<2x19x512xf32, #tpu.memory_space<vmem>>, vector<16xf32>,
        %exp3A_322 = math.exp %get3A_321 : vector<16xf32>
        %get3A_323 = arith.constant 1 : i32
        %get3A_324 = arith.constant 18 : i32
        %get3A_325 = arith.index_cast %get3A_323 : i32 to index
        %get3A_326 = arith.index_cast %get3A_324 : i32 to index
        %get3A_327 = arith.index_cast %mul3A_194 : i32 to index
        %get3A_328 = tpu.vector_load %arg5[%get3A_325, %get3A_326, %get3A_327] {strides = array<i32>} : memref<2x19x512xf32, #tpu.memory_space<vmem>>, vector<16xf32>,
        %exp3A_329 = math.exp %get3A_328 : vector<16xf32>
        %add3A_330 = arith.addf %exp3A, %exp3A_210 : vector<16xf32>
        %add3A_331 = arith.addf %add3A_330, %exp3A_217 : vector<16xf32>
        %add3A_332 = arith.addf %add3A_331, %exp3A_224 : vector<16xf32>
        %add3A_333 = arith.addf %add3A_332, %exp3A_231 : vector<16xf32>
        %add3A_334 = arith.addf %add3A_333, %exp3A_238 : vector<16xf32>
        %add3A_335 = arith.addf %add3A_334, %exp3A_245 : vector<16xf32>
        %add3A_336 = arith.addf %add3A_335, %exp3A_252 : vector<16xf32>
        %add3A_337 = arith.addf %add3A_336, %exp3A_259 : vector<16xf32>
        %add3A_338 = arith.addf %add3A_337, %exp3A_266 : vector<16xf32>
        %add3A_339 = arith.addf %add3A_338, %exp3A_273 : vector<16xf32>
        %add3A_340 = arith.addf %add3A_339, %exp3A_280 : vector<16xf32>
        %add3A_341 = arith.addf %add3A_340, %exp3A_287 : vector<16xf32>
        %add3A_342 = arith.addf %add3A_341, %exp3A_294 : vector<16xf32>
        %add3A_343 = arith.addf %add3A_342, %exp3A_301 : vector<16xf32>
        %add3A_344 = arith.addf %add3A_343, %exp3A_308 : vector<16xf32>
        %add3A_345 = arith.addf %add3A_344, %exp3A_315 : vector<16xf32>
        %add3A_346 = arith.addf %add3A_345, %exp3A_322 : vector<16xf32>
        %add3A_347 = arith.addf %add3A_346, %exp3A_329 : vector<16xf32>
        %div3A_348 = arith.constant 1.280000e+02 : f32
        %div3A_349 = vector.broadcast %div3A_348 : f32 to vector<16xf32>
        %div3A_350 = arith.divf %div3A_349, %add3A_347 : vector<16xf32>
        %mul3A_351 = arith.mulf %exp3A, %div3A_350 : vector<16xf32>
        %eq3A_352 = arith.constant 0 : i32
        %eq3A_353 = vector.broadcast %eq3A_352 : i32 to vector<16xi32>
        %eq3A_354 = arith.cmpi eq, %get3A_197, %eq3A_353 : vector<16xi32>
        %sub3A_355 = arith.constant 1.280000e+02 : f32
        %sub3A_356 = vector.broadcast %sub3A_355 : f32 to vector<16xf32>
        %sub3A_357 = arith.subf %sub3A_356, %mul3A_351 : vector<16xf32>
        %select_n3A_358 = arith.select %eq3A_354, %sub3A_357, %mul3A_351 : vector<16xi1>, vector<16xf32>
        %convert_element_type3A_359 = arith.fptosi %select_n3A_358 : vector<16xf32> to vector<16xi32>
        %min3A = arith.constant 127 : i32
        %min3A_360 = vector.broadcast %min3A : i32 to vector<16xi32>
        %min3A_361 = arith.minsi %convert_element_type3A_359, %min3A_360 : vector<16xi32>
        %shift_left3A = arith.constant 4 : i32
        %shift_left3A_362 = vector.broadcast %shift_left3A : i32 to vector<16xi32>
        %shift_left3A_363 = arith.shli %min3A_361, %shift_left3A_362 : vector<16xi32>
        %add3A_364 = arith.constant 0 : i32
        %add3A_365 = vector.broadcast %add3A_364 : i32 to vector<16xi32>
        %add3A_366 = arith.addi %iota3A, %add3A_365 : vector<16xi32>
        %add3A_367 = arith.addi %shift_left3A_363, %add3A_366 : vector<16xi32>
        %jit3A_368 = arith.constant 65537 : i32
        %jit3A_369 = arith.constant 1 : i32
        %broadcast_in_dim3A = vector.broadcast %jit3A_368 : i32 to vector<16xi32>
        %broadcast_in_dim3A_370 = vector.broadcast %jit3A_369 : i32 to vector<16xi32>
        %select_n3A_371 = arith.select %eq3A_354, %broadcast_in_dim3A, %broadcast_in_dim3A_370 : vector<16xi1>, vector<16xi32>
        tpu.vector_store_idx %arg7[%add3A_367], %select_n3A_371 {add = true} : memref<38912xi32, #tpu.memory_space<vmem>>[vector<16xi32>], vector<16xi32>,
        %mul3A_372 = arith.mulf %exp3A_210, %div3A_350 : vector<16xf32>
        %eq3A_373 = arith.constant 1 : i32
        %eq3A_374 = vector.broadcast %eq3A_373 : i32 to vector<16xi32>
        %eq3A_375 = arith.cmpi eq, %get3A_197, %eq3A_374 : vector<16xi32>
        %sub3A_376 = arith.constant 1.280000e+02 : f32
        %sub3A_377 = vector.broadcast %sub3A_376 : f32 to vector<16xf32>
        %sub3A_378 = arith.subf %sub3A_377, %mul3A_372 : vector<16xf32>
        %select_n3A_379 = arith.select %eq3A_375, %sub3A_378, %mul3A_372 : vector<16xi1>, vector<16xf32>
        %convert_element_type3A_380 = arith.fptosi %select_n3A_379 : vector<16xf32> to vector<16xi32>
        %min3A_381 = arith.constant 127 : i32
        %min3A_382 = vector.broadcast %min3A_381 : i32 to vector<16xi32>
        %min3A_383 = arith.minsi %convert_element_type3A_380, %min3A_382 : vector<16xi32>
        %shift_left3A_384 = arith.constant 4 : i32
        %shift_left3A_385 = vector.broadcast %shift_left3A_384 : i32 to vector<16xi32>
        %shift_left3A_386 = arith.shli %min3A_383, %shift_left3A_385 : vector<16xi32>
        %add3A_387 = arith.constant 2048 : i32
        %add3A_388 = vector.broadcast %add3A_387 : i32 to vector<16xi32>
        %add3A_389 = arith.addi %iota3A, %add3A_388 : vector<16xi32>
        %add3A_390 = arith.addi %shift_left3A_386, %add3A_389 : vector<16xi32>
        %jit3A_391 = arith.constant 65537 : i32
        %jit3A_392 = arith.constant 1 : i32
        %broadcast_in_dim3A_393 = vector.broadcast %jit3A_391 : i32 to vector<16xi32>
        %broadcast_in_dim3A_394 = vector.broadcast %jit3A_392 : i32 to vector<16xi32>
        %select_n3A_395 = arith.select %eq3A_375, %broadcast_in_dim3A_393, %broadcast_in_dim3A_394 : vector<16xi1>, vector<16xi32>
        tpu.vector_store_idx %arg7[%add3A_390], %select_n3A_395 {add = true} : memref<38912xi32, #tpu.memory_space<vmem>>[vector<16xi32>], vector<16xi32>,
        %mul3A_396 = arith.mulf %exp3A_217, %div3A_350 : vector<16xf32>
        %eq3A_397 = arith.constant 2 : i32
        %eq3A_398 = vector.broadcast %eq3A_397 : i32 to vector<16xi32>
        %eq3A_399 = arith.cmpi eq, %get3A_197, %eq3A_398 : vector<16xi32>
        %sub3A_400 = arith.constant 1.280000e+02 : f32
        %sub3A_401 = vector.broadcast %sub3A_400 : f32 to vector<16xf32>
        %sub3A_402 = arith.subf %sub3A_401, %mul3A_396 : vector<16xf32>
        %select_n3A_403 = arith.select %eq3A_399, %sub3A_402, %mul3A_396 : vector<16xi1>, vector<16xf32>
        %convert_element_type3A_404 = arith.fptosi %select_n3A_403 : vector<16xf32> to vector<16xi32>
        %min3A_405 = arith.constant 127 : i32
        %min3A_406 = vector.broadcast %min3A_405 : i32 to vector<16xi32>
        %min3A_407 = arith.minsi %convert_element_type3A_404, %min3A_406 : vector<16xi32>
        %shift_left3A_408 = arith.constant 4 : i32
        %shift_left3A_409 = vector.broadcast %shift_left3A_408 : i32 to vector<16xi32>
        %shift_left3A_410 = arith.shli %min3A_407, %shift_left3A_409 : vector<16xi32>
        %add3A_411 = arith.constant 4096 : i32
        %add3A_412 = vector.broadcast %add3A_411 : i32 to vector<16xi32>
        %add3A_413 = arith.addi %iota3A, %add3A_412 : vector<16xi32>
        %add3A_414 = arith.addi %shift_left3A_410, %add3A_413 : vector<16xi32>
        %jit3A_415 = arith.constant 65537 : i32
        %jit3A_416 = arith.constant 1 : i32
        %broadcast_in_dim3A_417 = vector.broadcast %jit3A_415 : i32 to vector<16xi32>
        %broadcast_in_dim3A_418 = vector.broadcast %jit3A_416 : i32 to vector<16xi32>
        %select_n3A_419 = arith.select %eq3A_399, %broadcast_in_dim3A_417, %broadcast_in_dim3A_418 : vector<16xi1>, vector<16xi32>
        tpu.vector_store_idx %arg7[%add3A_414], %select_n3A_419 {add = true} : memref<38912xi32, #tpu.memory_space<vmem>>[vector<16xi32>], vector<16xi32>,
        %mul3A_420 = arith.mulf %exp3A_224, %div3A_350 : vector<16xf32>
        %eq3A_421 = arith.constant 3 : i32
        %eq3A_422 = vector.broadcast %eq3A_421 : i32 to vector<16xi32>
        %eq3A_423 = arith.cmpi eq, %get3A_197, %eq3A_422 : vector<16xi32>
        %sub3A_424 = arith.constant 1.280000e+02 : f32
        %sub3A_425 = vector.broadcast %sub3A_424 : f32 to vector<16xf32>
        %sub3A_426 = arith.subf %sub3A_425, %mul3A_420 : vector<16xf32>
        %select_n3A_427 = arith.select %eq3A_423, %sub3A_426, %mul3A_420 : vector<16xi1>, vector<16xf32>
        %convert_element_type3A_428 = arith.fptosi %select_n3A_427 : vector<16xf32> to vector<16xi32>
        %min3A_429 = arith.constant 127 : i32
        %min3A_430 = vector.broadcast %min3A_429 : i32 to vector<16xi32>
        %min3A_431 = arith.minsi %convert_element_type3A_428, %min3A_430 : vector<16xi32>
        %shift_left3A_432 = arith.constant 4 : i32
        %shift_left3A_433 = vector.broadcast %shift_left3A_432 : i32 to vector<16xi32>
        %shift_left3A_434 = arith.shli %min3A_431, %shift_left3A_433 : vector<16xi32>
        %add3A_435 = arith.constant 6144 : i32
        %add3A_436 = vector.broadcast %add3A_435 : i32 to vector<16xi32>
        %add3A_437 = arith.addi %iota3A, %add3A_436 : vector<16xi32>
        %add3A_438 = arith.addi %shift_left3A_434, %add3A_437 : vector<16xi32>
        %jit3A_439 = arith.constant 65537 : i32
        %jit3A_440 = arith.constant 1 : i32
        %broadcast_in_dim3A_441 = vector.broadcast %jit3A_439 : i32 to vector<16xi32>
        %broadcast_in_dim3A_442 = vector.broadcast %jit3A_440 : i32 to vector<16xi32>
        %select_n3A_443 = arith.select %eq3A_423, %broadcast_in_dim3A_441, %broadcast_in_dim3A_442 : vector<16xi1>, vector<16xi32>
        tpu.vector_store_idx %arg7[%add3A_438], %select_n3A_443 {add = true} : memref<38912xi32, #tpu.memory_space<vmem>>[vector<16xi32>], vector<16xi32>,
        %mul3A_444 = arith.mulf %exp3A_231, %div3A_350 : vector<16xf32>
        %eq3A_445 = arith.constant 4 : i32
        %eq3A_446 = vector.broadcast %eq3A_445 : i32 to vector<16xi32>
        %eq3A_447 = arith.cmpi eq, %get3A_197, %eq3A_446 : vector<16xi32>
        %sub3A_448 = arith.constant 1.280000e+02 : f32
        %sub3A_449 = vector.broadcast %sub3A_448 : f32 to vector<16xf32>
        %sub3A_450 = arith.subf %sub3A_449, %mul3A_444 : vector<16xf32>
        %select_n3A_451 = arith.select %eq3A_447, %sub3A_450, %mul3A_444 : vector<16xi1>, vector<16xf32>
        %convert_element_type3A_452 = arith.fptosi %select_n3A_451 : vector<16xf32> to vector<16xi32>
        %min3A_453 = arith.constant 127 : i32
        %min3A_454 = vector.broadcast %min3A_453 : i32 to vector<16xi32>
        %min3A_455 = arith.minsi %convert_element_type3A_452, %min3A_454 : vector<16xi32>
        %shift_left3A_456 = arith.constant 4 : i32
        %shift_left3A_457 = vector.broadcast %shift_left3A_456 : i32 to vector<16xi32>
        %shift_left3A_458 = arith.shli %min3A_455, %shift_left3A_457 : vector<16xi32>
        %add3A_459 = arith.constant 8192 : i32
        %add3A_460 = vector.broadcast %add3A_459 : i32 to vector<16xi32>
        %add3A_461 = arith.addi %iota3A, %add3A_460 : vector<16xi32>
        %add3A_462 = arith.addi %shift_left3A_458, %add3A_461 : vector<16xi32>
        %jit3A_463 = arith.constant 65537 : i32
        %jit3A_464 = arith.constant 1 : i32
        %broadcast_in_dim3A_465 = vector.broadcast %jit3A_463 : i32 to vector<16xi32>
        %broadcast_in_dim3A_466 = vector.broadcast %jit3A_464 : i32 to vector<16xi32>
        %select_n3A_467 = arith.select %eq3A_447, %broadcast_in_dim3A_465, %broadcast_in_dim3A_466 : vector<16xi1>, vector<16xi32>
        tpu.vector_store_idx %arg7[%add3A_462], %select_n3A_467 {add = true} : memref<38912xi32, #tpu.memory_space<vmem>>[vector<16xi32>], vector<16xi32>,
        %mul3A_468 = arith.mulf %exp3A_238, %div3A_350 : vector<16xf32>
        %eq3A_469 = arith.constant 5 : i32
        %eq3A_470 = vector.broadcast %eq3A_469 : i32 to vector<16xi32>
        %eq3A_471 = arith.cmpi eq, %get3A_197, %eq3A_470 : vector<16xi32>
        %sub3A_472 = arith.constant 1.280000e+02 : f32
        %sub3A_473 = vector.broadcast %sub3A_472 : f32 to vector<16xf32>
        %sub3A_474 = arith.subf %sub3A_473, %mul3A_468 : vector<16xf32>
        %select_n3A_475 = arith.select %eq3A_471, %sub3A_474, %mul3A_468 : vector<16xi1>, vector<16xf32>
        %convert_element_type3A_476 = arith.fptosi %select_n3A_475 : vector<16xf32> to vector<16xi32>
        %min3A_477 = arith.constant 127 : i32
        %min3A_478 = vector.broadcast %min3A_477 : i32 to vector<16xi32>
        %min3A_479 = arith.minsi %convert_element_type3A_476, %min3A_478 : vector<16xi32>
        %shift_left3A_480 = arith.constant 4 : i32
        %shift_left3A_481 = vector.broadcast %shift_left3A_480 : i32 to vector<16xi32>
        %shift_left3A_482 = arith.shli %min3A_479, %shift_left3A_481 : vector<16xi32>
        %add3A_483 = arith.constant 10240 : i32
        %add3A_484 = vector.broadcast %add3A_483 : i32 to vector<16xi32>
        %add3A_485 = arith.addi %iota3A, %add3A_484 : vector<16xi32>
        %add3A_486 = arith.addi %shift_left3A_482, %add3A_485 : vector<16xi32>
        %jit3A_487 = arith.constant 65537 : i32
        %jit3A_488 = arith.constant 1 : i32
        %broadcast_in_dim3A_489 = vector.broadcast %jit3A_487 : i32 to vector<16xi32>
        %broadcast_in_dim3A_490 = vector.broadcast %jit3A_488 : i32 to vector<16xi32>
        %select_n3A_491 = arith.select %eq3A_471, %broadcast_in_dim3A_489, %broadcast_in_dim3A_490 : vector<16xi1>, vector<16xi32>
        tpu.vector_store_idx %arg7[%add3A_486], %select_n3A_491 {add = true} : memref<38912xi32, #tpu.memory_space<vmem>>[vector<16xi32>], vector<16xi32>,
        %mul3A_492 = arith.mulf %exp3A_245, %div3A_350 : vector<16xf32>
        %eq3A_493 = arith.constant 6 : i32
        %eq3A_494 = vector.broadcast %eq3A_493 : i32 to vector<16xi32>
        %eq3A_495 = arith.cmpi eq, %get3A_197, %eq3A_494 : vector<16xi32>
        %sub3A_496 = arith.constant 1.280000e+02 : f32
        %sub3A_497 = vector.broadcast %sub3A_496 : f32 to vector<16xf32>
        %sub3A_498 = arith.subf %sub3A_497, %mul3A_492 : vector<16xf32>
        %select_n3A_499 = arith.select %eq3A_495, %sub3A_498, %mul3A_492 : vector<16xi1>, vector<16xf32>
        %convert_element_type3A_500 = arith.fptosi %select_n3A_499 : vector<16xf32> to vector<16xi32>
        %min3A_501 = arith.constant 127 : i32
        %min3A_502 = vector.broadcast %min3A_501 : i32 to vector<16xi32>
        %min3A_503 = arith.minsi %convert_element_type3A_500, %min3A_502 : vector<16xi32>
        %shift_left3A_504 = arith.constant 4 : i32
        %shift_left3A_505 = vector.broadcast %shift_left3A_504 : i32 to vector<16xi32>
        %shift_left3A_506 = arith.shli %min3A_503, %shift_left3A_505 : vector<16xi32>
        %add3A_507 = arith.constant 12288 : i32
        %add3A_508 = vector.broadcast %add3A_507 : i32 to vector<16xi32>
        %add3A_509 = arith.addi %iota3A, %add3A_508 : vector<16xi32>
        %add3A_510 = arith.addi %shift_left3A_506, %add3A_509 : vector<16xi32>
        %jit3A_511 = arith.constant 65537 : i32
        %jit3A_512 = arith.constant 1 : i32
        %broadcast_in_dim3A_513 = vector.broadcast %jit3A_511 : i32 to vector<16xi32>
        %broadcast_in_dim3A_514 = vector.broadcast %jit3A_512 : i32 to vector<16xi32>
        %select_n3A_515 = arith.select %eq3A_495, %broadcast_in_dim3A_513, %broadcast_in_dim3A_514 : vector<16xi1>, vector<16xi32>
        tpu.vector_store_idx %arg7[%add3A_510], %select_n3A_515 {add = true} : memref<38912xi32, #tpu.memory_space<vmem>>[vector<16xi32>], vector<16xi32>,
        %mul3A_516 = arith.mulf %exp3A_252, %div3A_350 : vector<16xf32>
        %eq3A_517 = arith.constant 7 : i32
        %eq3A_518 = vector.broadcast %eq3A_517 : i32 to vector<16xi32>
        %eq3A_519 = arith.cmpi eq, %get3A_197, %eq3A_518 : vector<16xi32>
        %sub3A_520 = arith.constant 1.280000e+02 : f32
        %sub3A_521 = vector.broadcast %sub3A_520 : f32 to vector<16xf32>
        %sub3A_522 = arith.subf %sub3A_521, %mul3A_516 : vector<16xf32>
        %select_n3A_523 = arith.select %eq3A_519, %sub3A_522, %mul3A_516 : vector<16xi1>, vector<16xf32>
        %convert_element_type3A_524 = arith.fptosi %select_n3A_523 : vector<16xf32> to vector<16xi32>
        %min3A_525 = arith.constant 127 : i32
        %min3A_526 = vector.broadcast %min3A_525 : i32 to vector<16xi32>
        %min3A_527 = arith.minsi %convert_element_type3A_524, %min3A_526 : vector<16xi32>
        %shift_left3A_528 = arith.constant 4 : i32
        %shift_left3A_529 = vector.broadcast %shift_left3A_528 : i32 to vector<16xi32>
        %shift_left3A_530 = arith.shli %min3A_527, %shift_left3A_529 : vector<16xi32>
        %add3A_531 = arith.constant 14336 : i32
        %add3A_532 = vector.broadcast %add3A_531 : i32 to vector<16xi32>
        %add3A_533 = arith.addi %iota3A, %add3A_532 : vector<16xi32>
        %add3A_534 = arith.addi %shift_left3A_530, %add3A_533 : vector<16xi32>
        %jit3A_535 = arith.constant 65537 : i32
        %jit3A_536 = arith.constant 1 : i32
        %broadcast_in_dim3A_537 = vector.broadcast %jit3A_535 : i32 to vector<16xi32>
        %broadcast_in_dim3A_538 = vector.broadcast %jit3A_536 : i32 to vector<16xi32>
        %select_n3A_539 = arith.select %eq3A_519, %broadcast_in_dim3A_537, %broadcast_in_dim3A_538 : vector<16xi1>, vector<16xi32>
        tpu.vector_store_idx %arg7[%add3A_534], %select_n3A_539 {add = true} : memref<38912xi32, #tpu.memory_space<vmem>>[vector<16xi32>], vector<16xi32>,
        %mul3A_540 = arith.mulf %exp3A_259, %div3A_350 : vector<16xf32>
        %eq3A_541 = arith.constant 8 : i32
        %eq3A_542 = vector.broadcast %eq3A_541 : i32 to vector<16xi32>
        %eq3A_543 = arith.cmpi eq, %get3A_197, %eq3A_542 : vector<16xi32>
        %sub3A_544 = arith.constant 1.280000e+02 : f32
        %sub3A_545 = vector.broadcast %sub3A_544 : f32 to vector<16xf32>
        %sub3A_546 = arith.subf %sub3A_545, %mul3A_540 : vector<16xf32>
        %select_n3A_547 = arith.select %eq3A_543, %sub3A_546, %mul3A_540 : vector<16xi1>, vector<16xf32>
        %convert_element_type3A_548 = arith.fptosi %select_n3A_547 : vector<16xf32> to vector<16xi32>
        %min3A_549 = arith.constant 127 : i32
        %min3A_550 = vector.broadcast %min3A_549 : i32 to vector<16xi32>
        %min3A_551 = arith.minsi %convert_element_type3A_548, %min3A_550 : vector<16xi32>
        %shift_left3A_552 = arith.constant 4 : i32
        %shift_left3A_553 = vector.broadcast %shift_left3A_552 : i32 to vector<16xi32>
        %shift_left3A_554 = arith.shli %min3A_551, %shift_left3A_553 : vector<16xi32>
        %add3A_555 = arith.constant 16384 : i32
        %add3A_556 = vector.broadcast %add3A_555 : i32 to vector<16xi32>
        %add3A_557 = arith.addi %iota3A, %add3A_556 : vector<16xi32>
        %add3A_558 = arith.addi %shift_left3A_554, %add3A_557 : vector<16xi32>
        %jit3A_559 = arith.constant 65537 : i32
        %jit3A_560 = arith.constant 1 : i32
        %broadcast_in_dim3A_561 = vector.broadcast %jit3A_559 : i32 to vector<16xi32>
        %broadcast_in_dim3A_562 = vector.broadcast %jit3A_560 : i32 to vector<16xi32>
        %select_n3A_563 = arith.select %eq3A_543, %broadcast_in_dim3A_561, %broadcast_in_dim3A_562 : vector<16xi1>, vector<16xi32>
        tpu.vector_store_idx %arg7[%add3A_558], %select_n3A_563 {add = true} : memref<38912xi32, #tpu.memory_space<vmem>>[vector<16xi32>], vector<16xi32>,
        %mul3A_564 = arith.mulf %exp3A_266, %div3A_350 : vector<16xf32>
        %eq3A_565 = arith.constant 9 : i32
        %eq3A_566 = vector.broadcast %eq3A_565 : i32 to vector<16xi32>
        %eq3A_567 = arith.cmpi eq, %get3A_197, %eq3A_566 : vector<16xi32>
        %sub3A_568 = arith.constant 1.280000e+02 : f32
        %sub3A_569 = vector.broadcast %sub3A_568 : f32 to vector<16xf32>
        %sub3A_570 = arith.subf %sub3A_569, %mul3A_564 : vector<16xf32>
        %select_n3A_571 = arith.select %eq3A_567, %sub3A_570, %mul3A_564 : vector<16xi1>, vector<16xf32>
        %convert_element_type3A_572 = arith.fptosi %select_n3A_571 : vector<16xf32> to vector<16xi32>
        %min3A_573 = arith.constant 127 : i32
        %min3A_574 = vector.broadcast %min3A_573 : i32 to vector<16xi32>
        %min3A_575 = arith.minsi %convert_element_type3A_572, %min3A_574 : vector<16xi32>
        %shift_left3A_576 = arith.constant 4 : i32
        %shift_left3A_577 = vector.broadcast %shift_left3A_576 : i32 to vector<16xi32>
        %shift_left3A_578 = arith.shli %min3A_575, %shift_left3A_577 : vector<16xi32>
        %add3A_579 = arith.constant 18432 : i32
        %add3A_580 = vector.broadcast %add3A_579 : i32 to vector<16xi32>
        %add3A_581 = arith.addi %iota3A, %add3A_580 : vector<16xi32>
        %add3A_582 = arith.addi %shift_left3A_578, %add3A_581 : vector<16xi32>
        %jit3A_583 = arith.constant 65537 : i32
        %jit3A_584 = arith.constant 1 : i32
        %broadcast_in_dim3A_585 = vector.broadcast %jit3A_583 : i32 to vector<16xi32>
        %broadcast_in_dim3A_586 = vector.broadcast %jit3A_584 : i32 to vector<16xi32>
        %select_n3A_587 = arith.select %eq3A_567, %broadcast_in_dim3A_585, %broadcast_in_dim3A_586 : vector<16xi1>, vector<16xi32>
        tpu.vector_store_idx %arg7[%add3A_582], %select_n3A_587 {add = true} : memref<38912xi32, #tpu.memory_space<vmem>>[vector<16xi32>], vector<16xi32>,
        %mul3A_588 = arith.mulf %exp3A_273, %div3A_350 : vector<16xf32>
        %eq3A_589 = arith.constant 10 : i32
        %eq3A_590 = vector.broadcast %eq3A_589 : i32 to vector<16xi32>
        %eq3A_591 = arith.cmpi eq, %get3A_197, %eq3A_590 : vector<16xi32>
        %sub3A_592 = arith.constant 1.280000e+02 : f32
        %sub3A_593 = vector.broadcast %sub3A_592 : f32 to vector<16xf32>
        %sub3A_594 = arith.subf %sub3A_593, %mul3A_588 : vector<16xf32>
        %select_n3A_595 = arith.select %eq3A_591, %sub3A_594, %mul3A_588 : vector<16xi1>, vector<16xf32>
        %convert_element_type3A_596 = arith.fptosi %select_n3A_595 : vector<16xf32> to vector<16xi32>
        %min3A_597 = arith.constant 127 : i32
        %min3A_598 = vector.broadcast %min3A_597 : i32 to vector<16xi32>
        %min3A_599 = arith.minsi %convert_element_type3A_596, %min3A_598 : vector<16xi32>
        %shift_left3A_600 = arith.constant 4 : i32
        %shift_left3A_601 = vector.broadcast %shift_left3A_600 : i32 to vector<16xi32>
        %shift_left3A_602 = arith.shli %min3A_599, %shift_left3A_601 : vector<16xi32>
        %add3A_603 = arith.constant 20480 : i32
        %add3A_604 = vector.broadcast %add3A_603 : i32 to vector<16xi32>
        %add3A_605 = arith.addi %iota3A, %add3A_604 : vector<16xi32>
        %add3A_606 = arith.addi %shift_left3A_602, %add3A_605 : vector<16xi32>
        %jit3A_607 = arith.constant 65537 : i32
        %jit3A_608 = arith.constant 1 : i32
        %broadcast_in_dim3A_609 = vector.broadcast %jit3A_607 : i32 to vector<16xi32>
        %broadcast_in_dim3A_610 = vector.broadcast %jit3A_608 : i32 to vector<16xi32>
        %select_n3A_611 = arith.select %eq3A_591, %broadcast_in_dim3A_609, %broadcast_in_dim3A_610 : vector<16xi1>, vector<16xi32>
        tpu.vector_store_idx %arg7[%add3A_606], %select_n3A_611 {add = true} : memref<38912xi32, #tpu.memory_space<vmem>>[vector<16xi32>], vector<16xi32>,
        %mul3A_612 = arith.mulf %exp3A_280, %div3A_350 : vector<16xf32>
        %eq3A_613 = arith.constant 11 : i32
        %eq3A_614 = vector.broadcast %eq3A_613 : i32 to vector<16xi32>
        %eq3A_615 = arith.cmpi eq, %get3A_197, %eq3A_614 : vector<16xi32>
        %sub3A_616 = arith.constant 1.280000e+02 : f32
        %sub3A_617 = vector.broadcast %sub3A_616 : f32 to vector<16xf32>
        %sub3A_618 = arith.subf %sub3A_617, %mul3A_612 : vector<16xf32>
        %select_n3A_619 = arith.select %eq3A_615, %sub3A_618, %mul3A_612 : vector<16xi1>, vector<16xf32>
        %convert_element_type3A_620 = arith.fptosi %select_n3A_619 : vector<16xf32> to vector<16xi32>
        %min3A_621 = arith.constant 127 : i32
        %min3A_622 = vector.broadcast %min3A_621 : i32 to vector<16xi32>
        %min3A_623 = arith.minsi %convert_element_type3A_620, %min3A_622 : vector<16xi32>
        %shift_left3A_624 = arith.constant 4 : i32
        %shift_left3A_625 = vector.broadcast %shift_left3A_624 : i32 to vector<16xi32>
        %shift_left3A_626 = arith.shli %min3A_623, %shift_left3A_625 : vector<16xi32>
        %add3A_627 = arith.constant 22528 : i32
        %add3A_628 = vector.broadcast %add3A_627 : i32 to vector<16xi32>
        %add3A_629 = arith.addi %iota3A, %add3A_628 : vector<16xi32>
        %add3A_630 = arith.addi %shift_left3A_626, %add3A_629 : vector<16xi32>
        %jit3A_631 = arith.constant 65537 : i32
        %jit3A_632 = arith.constant 1 : i32
        %broadcast_in_dim3A_633 = vector.broadcast %jit3A_631 : i32 to vector<16xi32>
        %broadcast_in_dim3A_634 = vector.broadcast %jit3A_632 : i32 to vector<16xi32>
        %select_n3A_635 = arith.select %eq3A_615, %broadcast_in_dim3A_633, %broadcast_in_dim3A_634 : vector<16xi1>, vector<16xi32>
        tpu.vector_store_idx %arg7[%add3A_630], %select_n3A_635 {add = true} : memref<38912xi32, #tpu.memory_space<vmem>>[vector<16xi32>], vector<16xi32>,
        %mul3A_636 = arith.mulf %exp3A_287, %div3A_350 : vector<16xf32>
        %eq3A_637 = arith.constant 12 : i32
        %eq3A_638 = vector.broadcast %eq3A_637 : i32 to vector<16xi32>
        %eq3A_639 = arith.cmpi eq, %get3A_197, %eq3A_638 : vector<16xi32>
        %sub3A_640 = arith.constant 1.280000e+02 : f32
        %sub3A_641 = vector.broadcast %sub3A_640 : f32 to vector<16xf32>
        %sub3A_642 = arith.subf %sub3A_641, %mul3A_636 : vector<16xf32>
        %select_n3A_643 = arith.select %eq3A_639, %sub3A_642, %mul3A_636 : vector<16xi1>, vector<16xf32>
        %convert_element_type3A_644 = arith.fptosi %select_n3A_643 : vector<16xf32> to vector<16xi32>
        %min3A_645 = arith.constant 127 : i32
        %min3A_646 = vector.broadcast %min3A_645 : i32 to vector<16xi32>
        %min3A_647 = arith.minsi %convert_element_type3A_644, %min3A_646 : vector<16xi32>
        %shift_left3A_648 = arith.constant 4 : i32
        %shift_left3A_649 = vector.broadcast %shift_left3A_648 : i32 to vector<16xi32>
        %shift_left3A_650 = arith.shli %min3A_647, %shift_left3A_649 : vector<16xi32>
        %add3A_651 = arith.constant 24576 : i32
        %add3A_652 = vector.broadcast %add3A_651 : i32 to vector<16xi32>
        %add3A_653 = arith.addi %iota3A, %add3A_652 : vector<16xi32>
        %add3A_654 = arith.addi %shift_left3A_650, %add3A_653 : vector<16xi32>
        %jit3A_655 = arith.constant 65537 : i32
        %jit3A_656 = arith.constant 1 : i32
        %broadcast_in_dim3A_657 = vector.broadcast %jit3A_655 : i32 to vector<16xi32>
        %broadcast_in_dim3A_658 = vector.broadcast %jit3A_656 : i32 to vector<16xi32>
        %select_n3A_659 = arith.select %eq3A_639, %broadcast_in_dim3A_657, %broadcast_in_dim3A_658 : vector<16xi1>, vector<16xi32>
        tpu.vector_store_idx %arg7[%add3A_654], %select_n3A_659 {add = true} : memref<38912xi32, #tpu.memory_space<vmem>>[vector<16xi32>], vector<16xi32>,
        %mul3A_660 = arith.mulf %exp3A_294, %div3A_350 : vector<16xf32>
        %eq3A_661 = arith.constant 13 : i32
        %eq3A_662 = vector.broadcast %eq3A_661 : i32 to vector<16xi32>
        %eq3A_663 = arith.cmpi eq, %get3A_197, %eq3A_662 : vector<16xi32>
        %sub3A_664 = arith.constant 1.280000e+02 : f32
        %sub3A_665 = vector.broadcast %sub3A_664 : f32 to vector<16xf32>
        %sub3A_666 = arith.subf %sub3A_665, %mul3A_660 : vector<16xf32>
        %select_n3A_667 = arith.select %eq3A_663, %sub3A_666, %mul3A_660 : vector<16xi1>, vector<16xf32>
        %convert_element_type3A_668 = arith.fptosi %select_n3A_667 : vector<16xf32> to vector<16xi32>
        %min3A_669 = arith.constant 127 : i32
        %min3A_670 = vector.broadcast %min3A_669 : i32 to vector<16xi32>
        %min3A_671 = arith.minsi %convert_element_type3A_668, %min3A_670 : vector<16xi32>
        %shift_left3A_672 = arith.constant 4 : i32
        %shift_left3A_673 = vector.broadcast %shift_left3A_672 : i32 to vector<16xi32>
        %shift_left3A_674 = arith.shli %min3A_671, %shift_left3A_673 : vector<16xi32>
        %add3A_675 = arith.constant 26624 : i32
        %add3A_676 = vector.broadcast %add3A_675 : i32 to vector<16xi32>
        %add3A_677 = arith.addi %iota3A, %add3A_676 : vector<16xi32>
        %add3A_678 = arith.addi %shift_left3A_674, %add3A_677 : vector<16xi32>
        %jit3A_679 = arith.constant 65537 : i32
        %jit3A_680 = arith.constant 1 : i32
        %broadcast_in_dim3A_681 = vector.broadcast %jit3A_679 : i32 to vector<16xi32>
        %broadcast_in_dim3A_682 = vector.broadcast %jit3A_680 : i32 to vector<16xi32>
        %select_n3A_683 = arith.select %eq3A_663, %broadcast_in_dim3A_681, %broadcast_in_dim3A_682 : vector<16xi1>, vector<16xi32>
        tpu.vector_store_idx %arg7[%add3A_678], %select_n3A_683 {add = true} : memref<38912xi32, #tpu.memory_space<vmem>>[vector<16xi32>], vector<16xi32>,
        %mul3A_684 = arith.mulf %exp3A_301, %div3A_350 : vector<16xf32>
        %eq3A_685 = arith.constant 14 : i32
        %eq3A_686 = vector.broadcast %eq3A_685 : i32 to vector<16xi32>
        %eq3A_687 = arith.cmpi eq, %get3A_197, %eq3A_686 : vector<16xi32>
        %sub3A_688 = arith.constant 1.280000e+02 : f32
        %sub3A_689 = vector.broadcast %sub3A_688 : f32 to vector<16xf32>
        %sub3A_690 = arith.subf %sub3A_689, %mul3A_684 : vector<16xf32>
        %select_n3A_691 = arith.select %eq3A_687, %sub3A_690, %mul3A_684 : vector<16xi1>, vector<16xf32>
        %convert_element_type3A_692 = arith.fptosi %select_n3A_691 : vector<16xf32> to vector<16xi32>
        %min3A_693 = arith.constant 127 : i32
        %min3A_694 = vector.broadcast %min3A_693 : i32 to vector<16xi32>
        %min3A_695 = arith.minsi %convert_element_type3A_692, %min3A_694 : vector<16xi32>
        %shift_left3A_696 = arith.constant 4 : i32
        %shift_left3A_697 = vector.broadcast %shift_left3A_696 : i32 to vector<16xi32>
        %shift_left3A_698 = arith.shli %min3A_695, %shift_left3A_697 : vector<16xi32>
        %add3A_699 = arith.constant 28672 : i32
        %add3A_700 = vector.broadcast %add3A_699 : i32 to vector<16xi32>
        %add3A_701 = arith.addi %iota3A, %add3A_700 : vector<16xi32>
        %add3A_702 = arith.addi %shift_left3A_698, %add3A_701 : vector<16xi32>
        %jit3A_703 = arith.constant 65537 : i32
        %jit3A_704 = arith.constant 1 : i32
        %broadcast_in_dim3A_705 = vector.broadcast %jit3A_703 : i32 to vector<16xi32>
        %broadcast_in_dim3A_706 = vector.broadcast %jit3A_704 : i32 to vector<16xi32>
        %select_n3A_707 = arith.select %eq3A_687, %broadcast_in_dim3A_705, %broadcast_in_dim3A_706 : vector<16xi1>, vector<16xi32>
        tpu.vector_store_idx %arg7[%add3A_702], %select_n3A_707 {add = true} : memref<38912xi32, #tpu.memory_space<vmem>>[vector<16xi32>], vector<16xi32>,
        %mul3A_708 = arith.mulf %exp3A_308, %div3A_350 : vector<16xf32>
        %eq3A_709 = arith.constant 15 : i32
        %eq3A_710 = vector.broadcast %eq3A_709 : i32 to vector<16xi32>
        %eq3A_711 = arith.cmpi eq, %get3A_197, %eq3A_710 : vector<16xi32>
        %sub3A_712 = arith.constant 1.280000e+02 : f32
        %sub3A_713 = vector.broadcast %sub3A_712 : f32 to vector<16xf32>
        %sub3A_714 = arith.subf %sub3A_713, %mul3A_708 : vector<16xf32>
        %select_n3A_715 = arith.select %eq3A_711, %sub3A_714, %mul3A_708 : vector<16xi1>, vector<16xf32>
        %convert_element_type3A_716 = arith.fptosi %select_n3A_715 : vector<16xf32> to vector<16xi32>
        %min3A_717 = arith.constant 127 : i32
        %min3A_718 = vector.broadcast %min3A_717 : i32 to vector<16xi32>
        %min3A_719 = arith.minsi %convert_element_type3A_716, %min3A_718 : vector<16xi32>
        %shift_left3A_720 = arith.constant 4 : i32
        %shift_left3A_721 = vector.broadcast %shift_left3A_720 : i32 to vector<16xi32>
        %shift_left3A_722 = arith.shli %min3A_719, %shift_left3A_721 : vector<16xi32>
        %add3A_723 = arith.constant 30720 : i32
        %add3A_724 = vector.broadcast %add3A_723 : i32 to vector<16xi32>
        %add3A_725 = arith.addi %iota3A, %add3A_724 : vector<16xi32>
        %add3A_726 = arith.addi %shift_left3A_722, %add3A_725 : vector<16xi32>
        %jit3A_727 = arith.constant 65537 : i32
        %jit3A_728 = arith.constant 1 : i32
        %broadcast_in_dim3A_729 = vector.broadcast %jit3A_727 : i32 to vector<16xi32>
        %broadcast_in_dim3A_730 = vector.broadcast %jit3A_728 : i32 to vector<16xi32>
        %select_n3A_731 = arith.select %eq3A_711, %broadcast_in_dim3A_729, %broadcast_in_dim3A_730 : vector<16xi1>, vector<16xi32>
        tpu.vector_store_idx %arg7[%add3A_726], %select_n3A_731 {add = true} : memref<38912xi32, #tpu.memory_space<vmem>>[vector<16xi32>], vector<16xi32>,
        %mul3A_732 = arith.mulf %exp3A_315, %div3A_350 : vector<16xf32>
        %eq3A_733 = arith.constant 16 : i32
        %eq3A_734 = vector.broadcast %eq3A_733 : i32 to vector<16xi32>
        %eq3A_735 = arith.cmpi eq, %get3A_197, %eq3A_734 : vector<16xi32>
        %sub3A_736 = arith.constant 1.280000e+02 : f32
        %sub3A_737 = vector.broadcast %sub3A_736 : f32 to vector<16xf32>
        %sub3A_738 = arith.subf %sub3A_737, %mul3A_732 : vector<16xf32>
        %select_n3A_739 = arith.select %eq3A_735, %sub3A_738, %mul3A_732 : vector<16xi1>, vector<16xf32>
        %convert_element_type3A_740 = arith.fptosi %select_n3A_739 : vector<16xf32> to vector<16xi32>
        %min3A_741 = arith.constant 127 : i32
        %min3A_742 = vector.broadcast %min3A_741 : i32 to vector<16xi32>
        %min3A_743 = arith.minsi %convert_element_type3A_740, %min3A_742 : vector<16xi32>
        %shift_left3A_744 = arith.constant 4 : i32
        %shift_left3A_745 = vector.broadcast %shift_left3A_744 : i32 to vector<16xi32>
        %shift_left3A_746 = arith.shli %min3A_743, %shift_left3A_745 : vector<16xi32>
        %add3A_747 = arith.constant 32768 : i32
        %add3A_748 = vector.broadcast %add3A_747 : i32 to vector<16xi32>
        %add3A_749 = arith.addi %iota3A, %add3A_748 : vector<16xi32>
        %add3A_750 = arith.addi %shift_left3A_746, %add3A_749 : vector<16xi32>
        %jit3A_751 = arith.constant 65537 : i32
        %jit3A_752 = arith.constant 1 : i32
        %broadcast_in_dim3A_753 = vector.broadcast %jit3A_751 : i32 to vector<16xi32>
        %broadcast_in_dim3A_754 = vector.broadcast %jit3A_752 : i32 to vector<16xi32>
        %select_n3A_755 = arith.select %eq3A_735, %broadcast_in_dim3A_753, %broadcast_in_dim3A_754 : vector<16xi1>, vector<16xi32>
        tpu.vector_store_idx %arg7[%add3A_750], %select_n3A_755 {add = true} : memref<38912xi32, #tpu.memory_space<vmem>>[vector<16xi32>], vector<16xi32>,
        %mul3A_756 = arith.mulf %exp3A_322, %div3A_350 : vector<16xf32>
        %eq3A_757 = arith.constant 17 : i32
        %eq3A_758 = vector.broadcast %eq3A_757 : i32 to vector<16xi32>
        %eq3A_759 = arith.cmpi eq, %get3A_197, %eq3A_758 : vector<16xi32>
        %sub3A_760 = arith.constant 1.280000e+02 : f32
        %sub3A_761 = vector.broadcast %sub3A_760 : f32 to vector<16xf32>
        %sub3A_762 = arith.subf %sub3A_761, %mul3A_756 : vector<16xf32>
        %select_n3A_763 = arith.select %eq3A_759, %sub3A_762, %mul3A_756 : vector<16xi1>, vector<16xf32>
        %convert_element_type3A_764 = arith.fptosi %select_n3A_763 : vector<16xf32> to vector<16xi32>
        %min3A_765 = arith.constant 127 : i32
        %min3A_766 = vector.broadcast %min3A_765 : i32 to vector<16xi32>
        %min3A_767 = arith.minsi %convert_element_type3A_764, %min3A_766 : vector<16xi32>
        %shift_left3A_768 = arith.constant 4 : i32
        %shift_left3A_769 = vector.broadcast %shift_left3A_768 : i32 to vector<16xi32>
        %shift_left3A_770 = arith.shli %min3A_767, %shift_left3A_769 : vector<16xi32>
        %add3A_771 = arith.constant 34816 : i32
        %add3A_772 = vector.broadcast %add3A_771 : i32 to vector<16xi32>
        %add3A_773 = arith.addi %iota3A, %add3A_772 : vector<16xi32>
        %add3A_774 = arith.addi %shift_left3A_770, %add3A_773 : vector<16xi32>
        %jit3A_775 = arith.constant 65537 : i32
        %jit3A_776 = arith.constant 1 : i32
        %broadcast_in_dim3A_777 = vector.broadcast %jit3A_775 : i32 to vector<16xi32>
        %broadcast_in_dim3A_778 = vector.broadcast %jit3A_776 : i32 to vector<16xi32>
        %select_n3A_779 = arith.select %eq3A_759, %broadcast_in_dim3A_777, %broadcast_in_dim3A_778 : vector<16xi1>, vector<16xi32>
        tpu.vector_store_idx %arg7[%add3A_774], %select_n3A_779 {add = true} : memref<38912xi32, #tpu.memory_space<vmem>>[vector<16xi32>], vector<16xi32>,
        %mul3A_780 = arith.mulf %exp3A_329, %div3A_350 : vector<16xf32>
        %eq3A_781 = arith.constant 18 : i32
        %eq3A_782 = vector.broadcast %eq3A_781 : i32 to vector<16xi32>
        %eq3A_783 = arith.cmpi eq, %get3A_197, %eq3A_782 : vector<16xi32>
        %sub3A_784 = arith.constant 1.280000e+02 : f32
        %sub3A_785 = vector.broadcast %sub3A_784 : f32 to vector<16xf32>
        %sub3A_786 = arith.subf %sub3A_785, %mul3A_780 : vector<16xf32>
        %select_n3A_787 = arith.select %eq3A_783, %sub3A_786, %mul3A_780 : vector<16xi1>, vector<16xf32>
        %convert_element_type3A_788 = arith.fptosi %select_n3A_787 : vector<16xf32> to vector<16xi32>
        %min3A_789 = arith.constant 127 : i32
        %min3A_790 = vector.broadcast %min3A_789 : i32 to vector<16xi32>
        %min3A_791 = arith.minsi %convert_element_type3A_788, %min3A_790 : vector<16xi32>
        %shift_left3A_792 = arith.constant 4 : i32
        %shift_left3A_793 = vector.broadcast %shift_left3A_792 : i32 to vector<16xi32>
        %shift_left3A_794 = arith.shli %min3A_791, %shift_left3A_793 : vector<16xi32>
        %add3A_795 = arith.constant 36864 : i32
        %add3A_796 = vector.broadcast %add3A_795 : i32 to vector<16xi32>
        %add3A_797 = arith.addi %iota3A, %add3A_796 : vector<16xi32>
        %add3A_798 = arith.addi %shift_left3A_794, %add3A_797 : vector<16xi32>
        %jit3A_799 = arith.constant 65537 : i32
        %jit3A_800 = arith.constant 1 : i32
        %broadcast_in_dim3A_801 = vector.broadcast %jit3A_799 : i32 to vector<16xi32>
        %broadcast_in_dim3A_802 = vector.broadcast %jit3A_800 : i32 to vector<16xi32>
        %select_n3A_803 = arith.select %eq3A_783, %broadcast_in_dim3A_801, %broadcast_in_dim3A_802 : vector<16xi1>, vector<16xi32>
        tpu.vector_store_idx %arg7[%add3A_798], %select_n3A_803 {add = true} : memref<38912xi32, #tpu.memory_space<vmem>>[vector<16xi32>], vector<16xi32>,
        %scan3A_804 = arith.constant 0 : i32
        scf.yield %scan3A_804 : i32
      }
      %scan3A_178 = arith.constant 32 : i32
      %add3A_179 = arith.constant 2 : i32
      %add3A_180 = arith.addi %add3A_143, %add3A_179 : i32
      %lt3A_181 = arith.constant 64 : i32
      %lt3A_182 = arith.cmpi slt, %add3A_180, %lt3A_181 : i32
      %convert_element_type3A_183 = arith.extui %lt3A_182 : i1 to i32
      %cond3A_184 = arith.constant 0 : i32
      %cond3A_185 = arith.cmpi ne, %convert_element_type3A_183, %cond3A_184 : i32
      scf.if %cond3A_185 {
        %add3A_187 = arith.constant 2 : i32
        %add3A_188 = arith.addi %add3A_143, %add3A_187 : i32
        %mul3A_189 = arith.constant 512 : i32
        %mul3A_190 = arith.muli %add3A_188, %mul3A_189 : i32
        %add3A_191 = arith.addi %mul3A_32, %mul3A_190 : i32
        %mul3A_192 = arith.constant 19 : i32
        %mul3A_193 = arith.muli %select_n3A, %mul3A_192 : i32
        %mul3A_194 = arith.constant 512 : i32
        %mul3A_195 = arith.muli %add3A_188, %mul3A_194 : i32
        %add3A_196 = arith.addi %add3A_35, %mul3A_195 : i32
        %dma_start3A_197 = arith.constant 1 : i32
        %dma_start3A_198 = arith.constant 0 : i32
        %dma_start3A_199 = arith.constant 0 : i32
        %dma_start3A_200 = tpu.memref_slice %arg5[%dma_start3A_197, %dma_start3A_198, %dma_start3A_199] : memref<2x19x512xf32, #tpu.memory_space<vmem>> -> memref<1x19x512xf32, #tpu.memory_space<vmem>>
        %dma_start3A_201 = tpu.memref_squeeze %dma_start3A_200 : memref<1x19x512xf32, #tpu.memory_space<vmem>> -> memref<19x512xf32, #tpu.memory_space<vmem>>
        %dma_start3A_202 = tpu.memref_slice %arg2[%mul3A_193, %add3A_191] : memref<76x262144xf32, #tpu.memory_space<hbm>> -> memref<19x512xf32, #tpu.memory_space<hbm>>
        %dma_start3A_203 = arith.constant 0 : i32
        %dma_start3A_204 = arith.constant 0 : i32
        %dma_start3A_205 = tpu.memref_slice %arg5[%dma_start3A_197, %dma_start3A_203, %dma_start3A_204] : memref<2x19x512xf32, #tpu.memory_space<vmem>> -> memref<1x19x512xf32, #tpu.memory_space<vmem>>
        %dma_start3A_206 = tpu.memref_squeeze %dma_start3A_205 : memref<1x19x512xf32, #tpu.memory_space<vmem>> -> memref<19x512xf32, #tpu.memory_space<vmem>>
        %dma_start3A_207 = tpu.memref_slice %arg2[%mul3A_193, %add3A_191] : memref<76x262144xf32, #tpu.memory_space<hbm>> -> memref<19x512xf32, #tpu.memory_space<hbm>>
        tpu.enqueue_dma source(%dma_start3A_207 : memref<19x512xf32, #tpu.memory_space<hbm>>) target(%dma_start3A_206 : memref<19x512xf32, #tpu.memory_space<vmem>>) target_semaphore(%arg9 : memref<!tpu.dma_semaphore, #tpu.memory_space<semaphore_mem>>)
        %dma_start3A_208 = arith.constant 1 : i32
        %dma_start3A_209 = arith.constant 0 : i32
        %dma_start3A_210 = tpu.memref_slice %arg6[%dma_start3A_208, %dma_start3A_209] : memref<2x512xi32, #tpu.memory_space<vmem>> -> memref<1x512xi32, #tpu.memory_space<vmem>>
        %dma_start3A_211 = tpu.memref_squeeze %dma_start3A_210 : memref<1x512xi32, #tpu.memory_space<vmem>> -> memref<512xi32, #tpu.memory_space<vmem>>
        %dma_start3A_212 = tpu.memref_slice %arg3[%add3A_196] : memref<1048576xi32, #tpu.memory_space<hbm>> -> memref<512xi32, #tpu.memory_space<hbm>>
        %dma_start3A_213 = arith.constant 0 : i32
        %dma_start3A_214 = tpu.memref_slice %arg6[%dma_start3A_208, %dma_start3A_213] : memref<2x512xi32, #tpu.memory_space<vmem>> -> memref<1x512xi32, #tpu.memory_space<vmem>>
        %dma_start3A_215 = tpu.memref_squeeze %dma_start3A_214 : memref<1x512xi32, #tpu.memory_space<vmem>> -> memref<512xi32, #tpu.memory_space<vmem>>
        %dma_start3A_216 = tpu.memref_slice %arg3[%add3A_196] : memref<1048576xi32, #tpu.memory_space<hbm>> -> memref<512xi32, #tpu.memory_space<hbm>>
        tpu.enqueue_dma source(%dma_start3A_216 : memref<512xi32, #tpu.memory_space<hbm>>) target(%dma_start3A_215 : memref<512xi32, #tpu.memory_space<vmem>>) target_semaphore(%arg11 : memref<!tpu.dma_semaphore, #tpu.memory_space<semaphore_mem>>)
      } else {
      }
      %scan3A_186 = arith.constant 0 : i32
      scf.yield %scan3A_186 : i32
    }
    %scan3A_94 = arith.constant 32 : i32
    "tpu.region"() ({
      %run_scoped3A = tpu.sem_alloc : memref<!tpu.dma_semaphore, #tpu.memory_space<semaphore_mem>>
      %dma_start3A_95 = arith.constant 0 : i32
      %dma_start3A_96 = tpu.memref_slice %arg4[%add3A, %dma_start3A_95] : memref<32x38912xi32, #tpu.memory_space<hbm>> -> memref<1x38912xi32, #tpu.memory_space<hbm>>
      %dma_start3A_97 = tpu.memref_squeeze %dma_start3A_96 : memref<1x38912xi32, #tpu.memory_space<hbm>> -> memref<38912xi32, #tpu.memory_space<hbm>>
      %dma_start3A_98 = arith.constant 0 : i32
      %dma_start3A_99 = tpu.memref_slice %arg4[%add3A, %dma_start3A_98] : memref<32x38912xi32, #tpu.memory_space<hbm>> -> memref<1x38912xi32, #tpu.memory_space<hbm>>
      %dma_start3A_100 = tpu.memref_squeeze %dma_start3A_99 : memref<1x38912xi32, #tpu.memory_space<hbm>> -> memref<38912xi32, #tpu.memory_space<hbm>>
      tpu.enqueue_dma source(%arg7 : memref<38912xi32, #tpu.memory_space<vmem>>) target(%dma_start3A_100 : memref<38912xi32, #tpu.memory_space<hbm>>) target_semaphore(%run_scoped3A : memref<!tpu.dma_semaphore, #tpu.memory_space<semaphore_mem>>)
      %dma_wait3A = arith.constant 0 : i32
      %dma_wait3A_101 = tpu.memref_slice %arg4[%add3A, %dma_wait3A] : memref<32x38912xi32, #tpu.memory_space<hbm>> -> memref<1x38912xi32, #tpu.memory_space<hbm>>
      %dma_wait3A_102 = tpu.memref_squeeze %dma_wait3A_101 : memref<1x38912xi32, #tpu.memory_space<hbm>> -> memref<38912xi32, #tpu.memory_space<hbm>>
      %dma_wait3A_103 = arith.constant 0 : i32
      %dma_wait3A_104 = tpu.memref_slice %arg4[%add3A, %dma_wait3A_103] : memref<32x38912xi32, #tpu.memory_space<hbm>> -> memref<1x38912xi32, #tpu.memory_space<hbm>>
      %dma_wait3A_105 = tpu.memref_squeeze %dma_wait3A_104 : memref<1x38912xi32, #tpu.memory_space<hbm>> -> memref<38912xi32, #tpu.memory_space<hbm>>
      tpu.wait_dma2 semaphore(%run_scoped3A : memref<!tpu.dma_semaphore, #tpu.memory_space<semaphore_mem>>) src(%arg7 : memref<38912xi32, #tpu.memory_space<vmem>>) dst(%dma_wait3A_105 : memref<38912xi32, #tpu.memory_space<hbm>>)
      tpu.yield
    }) : () -> ()
    return
  }
}

module attributes {stable_mosaic.version = 14 : i64} {
  func.func @_tc_finish_body(%arg0: memref<32x38912xi32, #tpu.memory_space<vmem>>, %arg1: memref<2048x128xf32, #tpu.memory_space<vmem>>, %arg2: memref<1x1xf32, #tpu.memory_space<vmem>>) attributes {dimension_semantics = [], scalar_prefetch = 0 : i64, scratch_operands = 0 : i64, tpu.core_type = #tpu.core_type<tc>} {
    %get3A = arith.constant 0 : index
    %get3A_0 = arith.constant 0 : index
    %get3A_1 = vector.load %arg0[%get3A, %get3A_0] : memref<32x38912xi32, #tpu.memory_space<vmem>>, vector<32x38912xi32>
    %and3A = arith.constant 65535 : i32
    %and3A_2 = vector.broadcast %and3A : i32 to vector<32x38912xi32>
    %and3A_3 = arith.andi %get3A_1, %and3A_2 : vector<32x38912xi32>
    %convert_element_type3A = arith.sitofp %and3A_3 : vector<32x38912xi32> to vector<32x38912xf32>
    %shift_right_arithmetic3A = arith.constant 16 : i32
    %shift_right_arithmetic3A_4 = vector.broadcast %shift_right_arithmetic3A : i32 to vector<32x38912xi32>
    %shift_right_arithmetic3A_5 = arith.shrsi %get3A_1, %shift_right_arithmetic3A_4 : vector<32x38912xi32>
    %convert_element_type3A_6 = arith.sitofp %shift_right_arithmetic3A_5 : vector<32x38912xi32> to vector<32x38912xf32>
    %reduce_sum3A = arith.constant dense<0.000000e+00> : vector<38912xf32>
    %reduce_sum3A_7 = vector.multi_reduction <add>, %convert_element_type3A, %reduce_sum3A [0] : vector<32x38912xf32> to vector<38912xf32>
    %broadcast_in_dim3A = vector.shape_cast %reduce_sum3A_7 : vector<38912xf32> to vector<1x38912xf32>
    %reduce_sum3A_8 = arith.constant dense<0.000000e+00> : vector<38912xf32>
    %reduce_sum3A_9 = vector.multi_reduction <add>, %convert_element_type3A_6, %reduce_sum3A_8 [0] : vector<32x38912xf32> to vector<38912xf32>
    %broadcast_in_dim3A_10 = vector.shape_cast %reduce_sum3A_9 : vector<38912xf32> to vector<1x38912xf32>
    %get3A_11 = arith.constant 0 : index
    %get3A_12 = arith.constant 0 : index
    %get3A_13 = vector.load %arg1[%get3A_11, %get3A_12] : memref<2048x128xf32, #tpu.memory_space<vmem>>, vector<2048x128xf32>
    %iota3A = tpu.iota {dimensions = array<i32: 1>} : vector<1x128xi32>
    %convert_element_type3A_14 = arith.sitofp %iota3A : vector<1x128xi32> to vector<1x128xf32>
    %add3A = arith.constant 5.000000e-01 : f32
    %add3A_15 = vector.broadcast %add3A : f32 to vector<1x128xf32>
    %add3A_16 = arith.addf %convert_element_type3A_14, %add3A_15 : vector<1x128xf32>
    %mul3A = arith.constant 7.812500e-03 : f32
    %mul3A_17 = vector.broadcast %mul3A : f32 to vector<1x128xf32>
    %mul3A_18 = arith.mulf %add3A_16, %mul3A_17 : vector<1x128xf32>
    %broadcast_in_dim3A_19 = arith.constant 0.000000e+00 : f32
    %broadcast_in_dim3A_20 = vector.broadcast %broadcast_in_dim3A_19 : f32 to vector<1x1xf32>
    %slice3A = vector.extract_strided_slice %broadcast_in_dim3A {offsets = [0, 0], sizes = [1, 2048], strides = [1, 1]} : vector<1x38912xf32> to vector<1x2048xf32>
    %slice3A_21 = vector.extract_strided_slice %broadcast_in_dim3A_10 {offsets = [0, 0], sizes = [1, 2048], strides = [1, 1]} : vector<1x38912xf32> to vector<1x2048xf32>
    %dot_general3A = arith.constant dense<0.000000e+00> : vector<1x128xf32>
    %dot_general3A_22 = tpu.matmul %slice3A, %get3A_13, %dot_general3A {dimension_numbers = #tpu.dot_dimension_numbers<[1], [0], [0], [1], [0, 0, 1, 1], [], []>, transpose_lhs_hint = false} : vector<1x2048xf32>, vector<2048x128xf32>, vector<1x128xf32> -> vector<1x128xf32>
    %dot_general3A_23 = arith.constant dense<0.000000e+00> : vector<1x128xf32>
    %dot_general3A_24 = tpu.matmul %slice3A_21, %get3A_13, %dot_general3A_23 {dimension_numbers = #tpu.dot_dimension_numbers<[1], [0], [0], [1], [0, 0, 1, 1], [], []>, transpose_lhs_hint = false} : vector<1x2048xf32>, vector<2048x128xf32>, vector<1x128xf32> -> vector<1x128xf32>
    %slice3A_25 = vector.extract_strided_slice %dot_general3A_22 {offsets = [0, 1], sizes = [1, 127], strides = [1, 1]} : vector<1x128xf32> to vector<1x127xf32>
    %concatenate3A = tpu.concatenate %slice3A_25, %broadcast_in_dim3A_20 in 1 : vector<1x127xf32>, vector<1x1xf32> -> vector<1x128xf32>
    %slice3A_26 = vector.extract_strided_slice %dot_general3A_24 {offsets = [0, 1], sizes = [1, 127], strides = [1, 1]} : vector<1x128xf32> to vector<1x127xf32>
    %concatenate3A_27 = tpu.concatenate %slice3A_26, %broadcast_in_dim3A_20 in 1 : vector<1x127xf32>, vector<1x1xf32> -> vector<1x128xf32>
    %slice3A_28 = vector.extract_strided_slice %dot_general3A_24 {offsets = [0, 0], sizes = [1, 1], strides = [1, 1]} : vector<1x128xf32> to vector<1x1xf32>
    %add3A_29 = vector.broadcast %slice3A_28 : vector<1x1xf32> to vector<1x128xf32>
    %add3A_30 = arith.addf %add3A_29, %dot_general3A_22 : vector<1x128xf32>
    %sub3A = arith.subf %add3A_30, %dot_general3A_24 : vector<1x128xf32>
    %gt3A = arith.constant 0.000000e+00 : f32
    %gt3A_31 = vector.broadcast %gt3A : f32 to vector<1x128xf32>
    %gt3A_32 = arith.cmpf ogt, %sub3A, %gt3A_31 : vector<1x128xf32>
    %jit3A = arith.constant 1.000000e+00 : f32
    %broadcast_in_dim3A_33 = vector.broadcast %jit3A : f32 to vector<1x128xf32>
    %select_n3A = arith.select %gt3A_32, %sub3A, %broadcast_in_dim3A_33 : vector<1x128xi1>, vector<1x128xf32>
    %gt3A_34 = arith.constant 0.000000e+00 : f32
    %gt3A_35 = vector.broadcast %gt3A_34 : f32 to vector<1x128xf32>
    %gt3A_36 = arith.cmpf ogt, %sub3A, %gt3A_35 : vector<1x128xf32>
    %sub3A_37 = vector.broadcast %slice3A_28 : vector<1x1xf32> to vector<1x128xf32>
    %sub3A_38 = arith.subf %sub3A_37, %dot_general3A_24 : vector<1x128xf32>
    %div3A = arith.divf %sub3A_38, %select_n3A : vector<1x128xf32>
    %jit3A_39 = arith.constant 1.000000e+00 : f32
    %broadcast_in_dim3A_40 = vector.broadcast %jit3A_39 : f32 to vector<1x128xf32>
    %select_n3A_41 = arith.select %gt3A_36, %div3A, %broadcast_in_dim3A_40 : vector<1x128xi1>, vector<1x128xf32>
    %sub3A_42 = arith.constant 1.000000e+00 : f32
    %sub3A_43 = vector.broadcast %sub3A_42 : f32 to vector<1x128xf32>
    %sub3A_44 = arith.subf %sub3A_43, %select_n3A_41 : vector<1x128xf32>
    %add3A_45 = vector.broadcast %slice3A_28 : vector<1x1xf32> to vector<1x128xf32>
    %add3A_46 = arith.addf %add3A_45, %concatenate3A : vector<1x128xf32>
    %sub3A_47 = arith.subf %add3A_46, %concatenate3A_27 : vector<1x128xf32>
    %gt3A_48 = arith.constant 0.000000e+00 : f32
    %gt3A_49 = vector.broadcast %gt3A_48 : f32 to vector<1x128xf32>
    %gt3A_50 = arith.cmpf ogt, %sub3A_47, %gt3A_49 : vector<1x128xf32>
    %jit3A_51 = arith.constant 1.000000e+00 : f32
    %broadcast_in_dim3A_52 = vector.broadcast %jit3A_51 : f32 to vector<1x128xf32>
    %select_n3A_53 = arith.select %gt3A_50, %sub3A_47, %broadcast_in_dim3A_52 : vector<1x128xi1>, vector<1x128xf32>
    %gt3A_54 = arith.constant 0.000000e+00 : f32
    %gt3A_55 = vector.broadcast %gt3A_54 : f32 to vector<1x128xf32>
    %gt3A_56 = arith.cmpf ogt, %sub3A_47, %gt3A_55 : vector<1x128xf32>
    %sub3A_57 = vector.broadcast %slice3A_28 : vector<1x1xf32> to vector<1x128xf32>
    %sub3A_58 = arith.subf %sub3A_57, %concatenate3A_27 : vector<1x128xf32>
    %div3A_59 = arith.divf %sub3A_58, %select_n3A_53 : vector<1x128xf32>
    %jit3A_60 = arith.constant 1.000000e+00 : f32
    %broadcast_in_dim3A_61 = vector.broadcast %jit3A_60 : f32 to vector<1x128xf32>
    %select_n3A_62 = arith.select %gt3A_56, %div3A_59, %broadcast_in_dim3A_61 : vector<1x128xi1>, vector<1x128xf32>
    %sub3A_63 = arith.constant 1.000000e+00 : f32
    %sub3A_64 = vector.broadcast %sub3A_63 : f32 to vector<1x128xf32>
    %sub3A_65 = arith.subf %sub3A_64, %select_n3A_62 : vector<1x128xf32>
    %sub3A_66 = arith.subf %sub3A_44, %sub3A_65 : vector<1x128xf32>
    %mul3A_67 = arith.mulf %mul3A_18, %sub3A_66 : vector<1x128xf32>
    %squeeze3A = vector.extract %slice3A_28[0, 0] : f32 from vector<1x1xf32>
    %gt3A_68 = arith.constant 0.000000e+00 : f32
    %gt3A_69 = arith.cmpf ogt, %squeeze3A, %gt3A_68 : f32
    %convert_element_type3A_70 = arith.extui %gt3A_69 : i1 to i32
    %convert_element_type3A_71 = arith.sitofp %convert_element_type3A_70 : i32 to f32
    %reduce_sum3A_72 = vector.shape_cast %mul3A_67 : vector<1x128xf32> to vector<1x1x128xf32>
    %reduce_sum3A_73 = arith.constant dense<0.000000e+00> : vector<1xf32>
    %reduce_sum3A_74 = vector.multi_reduction <add>, %reduce_sum3A_72, %reduce_sum3A_73 [1, 2] : vector<1x1x128xf32> to vector<1xf32>
    %reduce_sum3A_75 = vector.shape_cast %reduce_sum3A_74 : vector<1xf32> to vector<1x1x1xf32>
    %reduce_sum3A_76 = vector.extract %reduce_sum3A_75[0, 0, 0] : f32 from vector<1x1x1xf32>
    %mul3A_77 = arith.mulf %reduce_sum3A_76, %convert_element_type3A_71 : f32
    %add3A_78 = arith.constant 0.000000e+00 : f32
    %add3A_79 = arith.addf %add3A_78, %mul3A_77 : f32
    %add3A_80 = arith.constant 0.000000e+00 : f32
    %add3A_81 = arith.addf %add3A_80, %convert_element_type3A_71 : f32
    %slice3A_82 = vector.extract_strided_slice %broadcast_in_dim3A {offsets = [0, 2048], sizes = [1, 2048], strides = [1, 1]} : vector<1x38912xf32> to vector<1x2048xf32>
    %slice3A_83 = vector.extract_strided_slice %broadcast_in_dim3A_10 {offsets = [0, 2048], sizes = [1, 2048], strides = [1, 1]} : vector<1x38912xf32> to vector<1x2048xf32>
    %dot_general3A_84 = arith.constant dense<0.000000e+00> : vector<1x128xf32>
    %dot_general3A_85 = tpu.matmul %slice3A_82, %get3A_13, %dot_general3A_84 {dimension_numbers = #tpu.dot_dimension_numbers<[1], [0], [0], [1], [0, 0, 1, 1], [], []>, transpose_lhs_hint = false} : vector<1x2048xf32>, vector<2048x128xf32>, vector<1x128xf32> -> vector<1x128xf32>
    %dot_general3A_86 = arith.constant dense<0.000000e+00> : vector<1x128xf32>
    %dot_general3A_87 = tpu.matmul %slice3A_83, %get3A_13, %dot_general3A_86 {dimension_numbers = #tpu.dot_dimension_numbers<[1], [0], [0], [1], [0, 0, 1, 1], [], []>, transpose_lhs_hint = false} : vector<1x2048xf32>, vector<2048x128xf32>, vector<1x128xf32> -> vector<1x128xf32>
    %slice3A_88 = vector.extract_strided_slice %dot_general3A_85 {offsets = [0, 1], sizes = [1, 127], strides = [1, 1]} : vector<1x128xf32> to vector<1x127xf32>
    %concatenate3A_89 = tpu.concatenate %slice3A_88, %broadcast_in_dim3A_20 in 1 : vector<1x127xf32>, vector<1x1xf32> -> vector<1x128xf32>
    %slice3A_90 = vector.extract_strided_slice %dot_general3A_87 {offsets = [0, 1], sizes = [1, 127], strides = [1, 1]} : vector<1x128xf32> to vector<1x127xf32>
    %concatenate3A_91 = tpu.concatenate %slice3A_90, %broadcast_in_dim3A_20 in 1 : vector<1x127xf32>, vector<1x1xf32> -> vector<1x128xf32>
    %slice3A_92 = vector.extract_strided_slice %dot_general3A_87 {offsets = [0, 0], sizes = [1, 1], strides = [1, 1]} : vector<1x128xf32> to vector<1x1xf32>
    %add3A_93 = vector.broadcast %slice3A_92 : vector<1x1xf32> to vector<1x128xf32>
    %add3A_94 = arith.addf %add3A_93, %dot_general3A_85 : vector<1x128xf32>
    %sub3A_95 = arith.subf %add3A_94, %dot_general3A_87 : vector<1x128xf32>
    %gt3A_96 = arith.constant 0.000000e+00 : f32
    %gt3A_97 = vector.broadcast %gt3A_96 : f32 to vector<1x128xf32>
    %gt3A_98 = arith.cmpf ogt, %sub3A_95, %gt3A_97 : vector<1x128xf32>
    %jit3A_99 = arith.constant 1.000000e+00 : f32
    %broadcast_in_dim3A_100 = vector.broadcast %jit3A_99 : f32 to vector<1x128xf32>
    %select_n3A_101 = arith.select %gt3A_98, %sub3A_95, %broadcast_in_dim3A_100 : vector<1x128xi1>, vector<1x128xf32>
    %gt3A_102 = arith.constant 0.000000e+00 : f32
    %gt3A_103 = vector.broadcast %gt3A_102 : f32 to vector<1x128xf32>
    %gt3A_104 = arith.cmpf ogt, %sub3A_95, %gt3A_103 : vector<1x128xf32>
    %sub3A_105 = vector.broadcast %slice3A_92 : vector<1x1xf32> to vector<1x128xf32>
    %sub3A_106 = arith.subf %sub3A_105, %dot_general3A_87 : vector<1x128xf32>
    %div3A_107 = arith.divf %sub3A_106, %select_n3A_101 : vector<1x128xf32>
    %jit3A_108 = arith.constant 1.000000e+00 : f32
    %broadcast_in_dim3A_109 = vector.broadcast %jit3A_108 : f32 to vector<1x128xf32>
    %select_n3A_110 = arith.select %gt3A_104, %div3A_107, %broadcast_in_dim3A_109 : vector<1x128xi1>, vector<1x128xf32>
    %sub3A_111 = arith.constant 1.000000e+00 : f32
    %sub3A_112 = vector.broadcast %sub3A_111 : f32 to vector<1x128xf32>
    %sub3A_113 = arith.subf %sub3A_112, %select_n3A_110 : vector<1x128xf32>
    %add3A_114 = vector.broadcast %slice3A_92 : vector<1x1xf32> to vector<1x128xf32>
    %add3A_115 = arith.addf %add3A_114, %concatenate3A_89 : vector<1x128xf32>
    %sub3A_116 = arith.subf %add3A_115, %concatenate3A_91 : vector<1x128xf32>
    %gt3A_117 = arith.constant 0.000000e+00 : f32
    %gt3A_118 = vector.broadcast %gt3A_117 : f32 to vector<1x128xf32>
    %gt3A_119 = arith.cmpf ogt, %sub3A_116, %gt3A_118 : vector<1x128xf32>
    %jit3A_120 = arith.constant 1.000000e+00 : f32
    %broadcast_in_dim3A_121 = vector.broadcast %jit3A_120 : f32 to vector<1x128xf32>
    %select_n3A_122 = arith.select %gt3A_119, %sub3A_116, %broadcast_in_dim3A_121 : vector<1x128xi1>, vector<1x128xf32>
    %gt3A_123 = arith.constant 0.000000e+00 : f32
    %gt3A_124 = vector.broadcast %gt3A_123 : f32 to vector<1x128xf32>
    %gt3A_125 = arith.cmpf ogt, %sub3A_116, %gt3A_124 : vector<1x128xf32>
    %sub3A_126 = vector.broadcast %slice3A_92 : vector<1x1xf32> to vector<1x128xf32>
    %sub3A_127 = arith.subf %sub3A_126, %concatenate3A_91 : vector<1x128xf32>
    %div3A_128 = arith.divf %sub3A_127, %select_n3A_122 : vector<1x128xf32>
    %jit3A_129 = arith.constant 1.000000e+00 : f32
    %broadcast_in_dim3A_130 = vector.broadcast %jit3A_129 : f32 to vector<1x128xf32>
    %select_n3A_131 = arith.select %gt3A_125, %div3A_128, %broadcast_in_dim3A_130 : vector<1x128xi1>, vector<1x128xf32>
    %sub3A_132 = arith.constant 1.000000e+00 : f32
    %sub3A_133 = vector.broadcast %sub3A_132 : f32 to vector<1x128xf32>
    %sub3A_134 = arith.subf %sub3A_133, %select_n3A_131 : vector<1x128xf32>
    %sub3A_135 = arith.subf %sub3A_113, %sub3A_134 : vector<1x128xf32>
    %mul3A_136 = arith.mulf %mul3A_18, %sub3A_135 : vector<1x128xf32>
    %squeeze3A_137 = vector.extract %slice3A_92[0, 0] : f32 from vector<1x1xf32>
    %gt3A_138 = arith.constant 0.000000e+00 : f32
    %gt3A_139 = arith.cmpf ogt, %squeeze3A_137, %gt3A_138 : f32
    %convert_element_type3A_140 = arith.extui %gt3A_139 : i1 to i32
    %convert_element_type3A_141 = arith.sitofp %convert_element_type3A_140 : i32 to f32
    %reduce_sum3A_142 = vector.shape_cast %mul3A_136 : vector<1x128xf32> to vector<1x1x128xf32>
    %reduce_sum3A_143 = arith.constant dense<0.000000e+00> : vector<1xf32>
    %reduce_sum3A_144 = vector.multi_reduction <add>, %reduce_sum3A_142, %reduce_sum3A_143 [1, 2] : vector<1x1x128xf32> to vector<1xf32>
    %reduce_sum3A_145 = vector.shape_cast %reduce_sum3A_144 : vector<1xf32> to vector<1x1x1xf32>
    %reduce_sum3A_146 = vector.extract %reduce_sum3A_145[0, 0, 0] : f32 from vector<1x1x1xf32>
    %mul3A_147 = arith.mulf %reduce_sum3A_146, %convert_element_type3A_141 : f32
    %add3A_148 = arith.addf %add3A_79, %mul3A_147 : f32
    %add3A_149 = arith.addf %add3A_81, %convert_element_type3A_141 : f32
    %slice3A_150 = vector.extract_strided_slice %broadcast_in_dim3A {offsets = [0, 4096], sizes = [1, 2048], strides = [1, 1]} : vector<1x38912xf32> to vector<1x2048xf32>
    %slice3A_151 = vector.extract_strided_slice %broadcast_in_dim3A_10 {offsets = [0, 4096], sizes = [1, 2048], strides = [1, 1]} : vector<1x38912xf32> to vector<1x2048xf32>
    %dot_general3A_152 = arith.constant dense<0.000000e+00> : vector<1x128xf32>
    %dot_general3A_153 = tpu.matmul %slice3A_150, %get3A_13, %dot_general3A_152 {dimension_numbers = #tpu.dot_dimension_numbers<[1], [0], [0], [1], [0, 0, 1, 1], [], []>, transpose_lhs_hint = false} : vector<1x2048xf32>, vector<2048x128xf32>, vector<1x128xf32> -> vector<1x128xf32>
    %dot_general3A_154 = arith.constant dense<0.000000e+00> : vector<1x128xf32>
    %dot_general3A_155 = tpu.matmul %slice3A_151, %get3A_13, %dot_general3A_154 {dimension_numbers = #tpu.dot_dimension_numbers<[1], [0], [0], [1], [0, 0, 1, 1], [], []>, transpose_lhs_hint = false} : vector<1x2048xf32>, vector<2048x128xf32>, vector<1x128xf32> -> vector<1x128xf32>
    %slice3A_156 = vector.extract_strided_slice %dot_general3A_153 {offsets = [0, 1], sizes = [1, 127], strides = [1, 1]} : vector<1x128xf32> to vector<1x127xf32>
    %concatenate3A_157 = tpu.concatenate %slice3A_156, %broadcast_in_dim3A_20 in 1 : vector<1x127xf32>, vector<1x1xf32> -> vector<1x128xf32>
    %slice3A_158 = vector.extract_strided_slice %dot_general3A_155 {offsets = [0, 1], sizes = [1, 127], strides = [1, 1]} : vector<1x128xf32> to vector<1x127xf32>
    %concatenate3A_159 = tpu.concatenate %slice3A_158, %broadcast_in_dim3A_20 in 1 : vector<1x127xf32>, vector<1x1xf32> -> vector<1x128xf32>
    %slice3A_160 = vector.extract_strided_slice %dot_general3A_155 {offsets = [0, 0], sizes = [1, 1], strides = [1, 1]} : vector<1x128xf32> to vector<1x1xf32>
    %add3A_161 = vector.broadcast %slice3A_160 : vector<1x1xf32> to vector<1x128xf32>
    %add3A_162 = arith.addf %add3A_161, %dot_general3A_153 : vector<1x128xf32>
    %sub3A_163 = arith.subf %add3A_162, %dot_general3A_155 : vector<1x128xf32>
    %gt3A_164 = arith.constant 0.000000e+00 : f32
    %gt3A_165 = vector.broadcast %gt3A_164 : f32 to vector<1x128xf32>
    %gt3A_166 = arith.cmpf ogt, %sub3A_163, %gt3A_165 : vector<1x128xf32>
    %jit3A_167 = arith.constant 1.000000e+00 : f32
    %broadcast_in_dim3A_168 = vector.broadcast %jit3A_167 : f32 to vector<1x128xf32>
    %select_n3A_169 = arith.select %gt3A_166, %sub3A_163, %broadcast_in_dim3A_168 : vector<1x128xi1>, vector<1x128xf32>
    %gt3A_170 = arith.constant 0.000000e+00 : f32
    %gt3A_171 = vector.broadcast %gt3A_170 : f32 to vector<1x128xf32>
    %gt3A_172 = arith.cmpf ogt, %sub3A_163, %gt3A_171 : vector<1x128xf32>
    %sub3A_173 = vector.broadcast %slice3A_160 : vector<1x1xf32> to vector<1x128xf32>
    %sub3A_174 = arith.subf %sub3A_173, %dot_general3A_155 : vector<1x128xf32>
    %div3A_175 = arith.divf %sub3A_174, %select_n3A_169 : vector<1x128xf32>
    %jit3A_176 = arith.constant 1.000000e+00 : f32
    %broadcast_in_dim3A_177 = vector.broadcast %jit3A_176 : f32 to vector<1x128xf32>
    %select_n3A_178 = arith.select %gt3A_172, %div3A_175, %broadcast_in_dim3A_177 : vector<1x128xi1>, vector<1x128xf32>
    %sub3A_179 = arith.constant 1.000000e+00 : f32
    %sub3A_180 = vector.broadcast %sub3A_179 : f32 to vector<1x128xf32>
    %sub3A_181 = arith.subf %sub3A_180, %select_n3A_178 : vector<1x128xf32>
    %add3A_182 = vector.broadcast %slice3A_160 : vector<1x1xf32> to vector<1x128xf32>
    %add3A_183 = arith.addf %add3A_182, %concatenate3A_157 : vector<1x128xf32>
    %sub3A_184 = arith.subf %add3A_183, %concatenate3A_159 : vector<1x128xf32>
    %gt3A_185 = arith.constant 0.000000e+00 : f32
    %gt3A_186 = vector.broadcast %gt3A_185 : f32 to vector<1x128xf32>
    %gt3A_187 = arith.cmpf ogt, %sub3A_184, %gt3A_186 : vector<1x128xf32>
    %jit3A_188 = arith.constant 1.000000e+00 : f32
    %broadcast_in_dim3A_189 = vector.broadcast %jit3A_188 : f32 to vector<1x128xf32>
    %select_n3A_190 = arith.select %gt3A_187, %sub3A_184, %broadcast_in_dim3A_189 : vector<1x128xi1>, vector<1x128xf32>
    %gt3A_191 = arith.constant 0.000000e+00 : f32
    %gt3A_192 = vector.broadcast %gt3A_191 : f32 to vector<1x128xf32>
    %gt3A_193 = arith.cmpf ogt, %sub3A_184, %gt3A_192 : vector<1x128xf32>
    %sub3A_194 = vector.broadcast %slice3A_160 : vector<1x1xf32> to vector<1x128xf32>
    %sub3A_195 = arith.subf %sub3A_194, %concatenate3A_159 : vector<1x128xf32>
    %div3A_196 = arith.divf %sub3A_195, %select_n3A_190 : vector<1x128xf32>
    %jit3A_197 = arith.constant 1.000000e+00 : f32
    %broadcast_in_dim3A_198 = vector.broadcast %jit3A_197 : f32 to vector<1x128xf32>
    %select_n3A_199 = arith.select %gt3A_193, %div3A_196, %broadcast_in_dim3A_198 : vector<1x128xi1>, vector<1x128xf32>
    %sub3A_200 = arith.constant 1.000000e+00 : f32
    %sub3A_201 = vector.broadcast %sub3A_200 : f32 to vector<1x128xf32>
    %sub3A_202 = arith.subf %sub3A_201, %select_n3A_199 : vector<1x128xf32>
    %sub3A_203 = arith.subf %sub3A_181, %sub3A_202 : vector<1x128xf32>
    %mul3A_204 = arith.mulf %mul3A_18, %sub3A_203 : vector<1x128xf32>
    %squeeze3A_205 = vector.extract %slice3A_160[0, 0] : f32 from vector<1x1xf32>
    %gt3A_206 = arith.constant 0.000000e+00 : f32
    %gt3A_207 = arith.cmpf ogt, %squeeze3A_205, %gt3A_206 : f32
    %convert_element_type3A_208 = arith.extui %gt3A_207 : i1 to i32
    %convert_element_type3A_209 = arith.sitofp %convert_element_type3A_208 : i32 to f32
    %reduce_sum3A_210 = vector.shape_cast %mul3A_204 : vector<1x128xf32> to vector<1x1x128xf32>
    %reduce_sum3A_211 = arith.constant dense<0.000000e+00> : vector<1xf32>
    %reduce_sum3A_212 = vector.multi_reduction <add>, %reduce_sum3A_210, %reduce_sum3A_211 [1, 2] : vector<1x1x128xf32> to vector<1xf32>
    %reduce_sum3A_213 = vector.shape_cast %reduce_sum3A_212 : vector<1xf32> to vector<1x1x1xf32>
    %reduce_sum3A_214 = vector.extract %reduce_sum3A_213[0, 0, 0] : f32 from vector<1x1x1xf32>
    %mul3A_215 = arith.mulf %reduce_sum3A_214, %convert_element_type3A_209 : f32
    %add3A_216 = arith.addf %add3A_148, %mul3A_215 : f32
    %add3A_217 = arith.addf %add3A_149, %convert_element_type3A_209 : f32
    %slice3A_218 = vector.extract_strided_slice %broadcast_in_dim3A {offsets = [0, 6144], sizes = [1, 2048], strides = [1, 1]} : vector<1x38912xf32> to vector<1x2048xf32>
    %slice3A_219 = vector.extract_strided_slice %broadcast_in_dim3A_10 {offsets = [0, 6144], sizes = [1, 2048], strides = [1, 1]} : vector<1x38912xf32> to vector<1x2048xf32>
    %dot_general3A_220 = arith.constant dense<0.000000e+00> : vector<1x128xf32>
    %dot_general3A_221 = tpu.matmul %slice3A_218, %get3A_13, %dot_general3A_220 {dimension_numbers = #tpu.dot_dimension_numbers<[1], [0], [0], [1], [0, 0, 1, 1], [], []>, transpose_lhs_hint = false} : vector<1x2048xf32>, vector<2048x128xf32>, vector<1x128xf32> -> vector<1x128xf32>
    %dot_general3A_222 = arith.constant dense<0.000000e+00> : vector<1x128xf32>
    %dot_general3A_223 = tpu.matmul %slice3A_219, %get3A_13, %dot_general3A_222 {dimension_numbers = #tpu.dot_dimension_numbers<[1], [0], [0], [1], [0, 0, 1, 1], [], []>, transpose_lhs_hint = false} : vector<1x2048xf32>, vector<2048x128xf32>, vector<1x128xf32> -> vector<1x128xf32>
    %slice3A_224 = vector.extract_strided_slice %dot_general3A_221 {offsets = [0, 1], sizes = [1, 127], strides = [1, 1]} : vector<1x128xf32> to vector<1x127xf32>
    %concatenate3A_225 = tpu.concatenate %slice3A_224, %broadcast_in_dim3A_20 in 1 : vector<1x127xf32>, vector<1x1xf32> -> vector<1x128xf32>
    %slice3A_226 = vector.extract_strided_slice %dot_general3A_223 {offsets = [0, 1], sizes = [1, 127], strides = [1, 1]} : vector<1x128xf32> to vector<1x127xf32>
    %concatenate3A_227 = tpu.concatenate %slice3A_226, %broadcast_in_dim3A_20 in 1 : vector<1x127xf32>, vector<1x1xf32> -> vector<1x128xf32>
    %slice3A_228 = vector.extract_strided_slice %dot_general3A_223 {offsets = [0, 0], sizes = [1, 1], strides = [1, 1]} : vector<1x128xf32> to vector<1x1xf32>
    %add3A_229 = vector.broadcast %slice3A_228 : vector<1x1xf32> to vector<1x128xf32>
    %add3A_230 = arith.addf %add3A_229, %dot_general3A_221 : vector<1x128xf32>
    %sub3A_231 = arith.subf %add3A_230, %dot_general3A_223 : vector<1x128xf32>
    %gt3A_232 = arith.constant 0.000000e+00 : f32
    %gt3A_233 = vector.broadcast %gt3A_232 : f32 to vector<1x128xf32>
    %gt3A_234 = arith.cmpf ogt, %sub3A_231, %gt3A_233 : vector<1x128xf32>
    %jit3A_235 = arith.constant 1.000000e+00 : f32
    %broadcast_in_dim3A_236 = vector.broadcast %jit3A_235 : f32 to vector<1x128xf32>
    %select_n3A_237 = arith.select %gt3A_234, %sub3A_231, %broadcast_in_dim3A_236 : vector<1x128xi1>, vector<1x128xf32>
    %gt3A_238 = arith.constant 0.000000e+00 : f32
    %gt3A_239 = vector.broadcast %gt3A_238 : f32 to vector<1x128xf32>
    %gt3A_240 = arith.cmpf ogt, %sub3A_231, %gt3A_239 : vector<1x128xf32>
    %sub3A_241 = vector.broadcast %slice3A_228 : vector<1x1xf32> to vector<1x128xf32>
    %sub3A_242 = arith.subf %sub3A_241, %dot_general3A_223 : vector<1x128xf32>
    %div3A_243 = arith.divf %sub3A_242, %select_n3A_237 : vector<1x128xf32>
    %jit3A_244 = arith.constant 1.000000e+00 : f32
    %broadcast_in_dim3A_245 = vector.broadcast %jit3A_244 : f32 to vector<1x128xf32>
    %select_n3A_246 = arith.select %gt3A_240, %div3A_243, %broadcast_in_dim3A_245 : vector<1x128xi1>, vector<1x128xf32>
    %sub3A_247 = arith.constant 1.000000e+00 : f32
    %sub3A_248 = vector.broadcast %sub3A_247 : f32 to vector<1x128xf32>
    %sub3A_249 = arith.subf %sub3A_248, %select_n3A_246 : vector<1x128xf32>
    %add3A_250 = vector.broadcast %slice3A_228 : vector<1x1xf32> to vector<1x128xf32>
    %add3A_251 = arith.addf %add3A_250, %concatenate3A_225 : vector<1x128xf32>
    %sub3A_252 = arith.subf %add3A_251, %concatenate3A_227 : vector<1x128xf32>
    %gt3A_253 = arith.constant 0.000000e+00 : f32
    %gt3A_254 = vector.broadcast %gt3A_253 : f32 to vector<1x128xf32>
    %gt3A_255 = arith.cmpf ogt, %sub3A_252, %gt3A_254 : vector<1x128xf32>
    %jit3A_256 = arith.constant 1.000000e+00 : f32
    %broadcast_in_dim3A_257 = vector.broadcast %jit3A_256 : f32 to vector<1x128xf32>
    %select_n3A_258 = arith.select %gt3A_255, %sub3A_252, %broadcast_in_dim3A_257 : vector<1x128xi1>, vector<1x128xf32>
    %gt3A_259 = arith.constant 0.000000e+00 : f32
    %gt3A_260 = vector.broadcast %gt3A_259 : f32 to vector<1x128xf32>
    %gt3A_261 = arith.cmpf ogt, %sub3A_252, %gt3A_260 : vector<1x128xf32>
    %sub3A_262 = vector.broadcast %slice3A_228 : vector<1x1xf32> to vector<1x128xf32>
    %sub3A_263 = arith.subf %sub3A_262, %concatenate3A_227 : vector<1x128xf32>
    %div3A_264 = arith.divf %sub3A_263, %select_n3A_258 : vector<1x128xf32>
    %jit3A_265 = arith.constant 1.000000e+00 : f32
    %broadcast_in_dim3A_266 = vector.broadcast %jit3A_265 : f32 to vector<1x128xf32>
    %select_n3A_267 = arith.select %gt3A_261, %div3A_264, %broadcast_in_dim3A_266 : vector<1x128xi1>, vector<1x128xf32>
    %sub3A_268 = arith.constant 1.000000e+00 : f32
    %sub3A_269 = vector.broadcast %sub3A_268 : f32 to vector<1x128xf32>
    %sub3A_270 = arith.subf %sub3A_269, %select_n3A_267 : vector<1x128xf32>
    %sub3A_271 = arith.subf %sub3A_249, %sub3A_270 : vector<1x128xf32>
    %mul3A_272 = arith.mulf %mul3A_18, %sub3A_271 : vector<1x128xf32>
    %squeeze3A_273 = vector.extract %slice3A_228[0, 0] : f32 from vector<1x1xf32>
    %gt3A_274 = arith.constant 0.000000e+00 : f32
    %gt3A_275 = arith.cmpf ogt, %squeeze3A_273, %gt3A_274 : f32
    %convert_element_type3A_276 = arith.extui %gt3A_275 : i1 to i32
    %convert_element_type3A_277 = arith.sitofp %convert_element_type3A_276 : i32 to f32
    %reduce_sum3A_278 = vector.shape_cast %mul3A_272 : vector<1x128xf32> to vector<1x1x128xf32>
    %reduce_sum3A_279 = arith.constant dense<0.000000e+00> : vector<1xf32>
    %reduce_sum3A_280 = vector.multi_reduction <add>, %reduce_sum3A_278, %reduce_sum3A_279 [1, 2] : vector<1x1x128xf32> to vector<1xf32>
    %reduce_sum3A_281 = vector.shape_cast %reduce_sum3A_280 : vector<1xf32> to vector<1x1x1xf32>
    %reduce_sum3A_282 = vector.extract %reduce_sum3A_281[0, 0, 0] : f32 from vector<1x1x1xf32>
    %mul3A_283 = arith.mulf %reduce_sum3A_282, %convert_element_type3A_277 : f32
    %add3A_284 = arith.addf %add3A_216, %mul3A_283 : f32
    %add3A_285 = arith.addf %add3A_217, %convert_element_type3A_277 : f32
    %slice3A_286 = vector.extract_strided_slice %broadcast_in_dim3A {offsets = [0, 8192], sizes = [1, 2048], strides = [1, 1]} : vector<1x38912xf32> to vector<1x2048xf32>
    %slice3A_287 = vector.extract_strided_slice %broadcast_in_dim3A_10 {offsets = [0, 8192], sizes = [1, 2048], strides = [1, 1]} : vector<1x38912xf32> to vector<1x2048xf32>
    %dot_general3A_288 = arith.constant dense<0.000000e+00> : vector<1x128xf32>
    %dot_general3A_289 = tpu.matmul %slice3A_286, %get3A_13, %dot_general3A_288 {dimension_numbers = #tpu.dot_dimension_numbers<[1], [0], [0], [1], [0, 0, 1, 1], [], []>, transpose_lhs_hint = false} : vector<1x2048xf32>, vector<2048x128xf32>, vector<1x128xf32> -> vector<1x128xf32>
    %dot_general3A_290 = arith.constant dense<0.000000e+00> : vector<1x128xf32>
    %dot_general3A_291 = tpu.matmul %slice3A_287, %get3A_13, %dot_general3A_290 {dimension_numbers = #tpu.dot_dimension_numbers<[1], [0], [0], [1], [0, 0, 1, 1], [], []>, transpose_lhs_hint = false} : vector<1x2048xf32>, vector<2048x128xf32>, vector<1x128xf32> -> vector<1x128xf32>
    %slice3A_292 = vector.extract_strided_slice %dot_general3A_289 {offsets = [0, 1], sizes = [1, 127], strides = [1, 1]} : vector<1x128xf32> to vector<1x127xf32>
    %concatenate3A_293 = tpu.concatenate %slice3A_292, %broadcast_in_dim3A_20 in 1 : vector<1x127xf32>, vector<1x1xf32> -> vector<1x128xf32>
    %slice3A_294 = vector.extract_strided_slice %dot_general3A_291 {offsets = [0, 1], sizes = [1, 127], strides = [1, 1]} : vector<1x128xf32> to vector<1x127xf32>
    %concatenate3A_295 = tpu.concatenate %slice3A_294, %broadcast_in_dim3A_20 in 1 : vector<1x127xf32>, vector<1x1xf32> -> vector<1x128xf32>
    %slice3A_296 = vector.extract_strided_slice %dot_general3A_291 {offsets = [0, 0], sizes = [1, 1], strides = [1, 1]} : vector<1x128xf32> to vector<1x1xf32>
    %add3A_297 = vector.broadcast %slice3A_296 : vector<1x1xf32> to vector<1x128xf32>
    %add3A_298 = arith.addf %add3A_297, %dot_general3A_289 : vector<1x128xf32>
    %sub3A_299 = arith.subf %add3A_298, %dot_general3A_291 : vector<1x128xf32>
    %gt3A_300 = arith.constant 0.000000e+00 : f32
    %gt3A_301 = vector.broadcast %gt3A_300 : f32 to vector<1x128xf32>
    %gt3A_302 = arith.cmpf ogt, %sub3A_299, %gt3A_301 : vector<1x128xf32>
    %jit3A_303 = arith.constant 1.000000e+00 : f32
    %broadcast_in_dim3A_304 = vector.broadcast %jit3A_303 : f32 to vector<1x128xf32>
    %select_n3A_305 = arith.select %gt3A_302, %sub3A_299, %broadcast_in_dim3A_304 : vector<1x128xi1>, vector<1x128xf32>
    %gt3A_306 = arith.constant 0.000000e+00 : f32
    %gt3A_307 = vector.broadcast %gt3A_306 : f32 to vector<1x128xf32>
    %gt3A_308 = arith.cmpf ogt, %sub3A_299, %gt3A_307 : vector<1x128xf32>
    %sub3A_309 = vector.broadcast %slice3A_296 : vector<1x1xf32> to vector<1x128xf32>
    %sub3A_310 = arith.subf %sub3A_309, %dot_general3A_291 : vector<1x128xf32>
    %div3A_311 = arith.divf %sub3A_310, %select_n3A_305 : vector<1x128xf32>
    %jit3A_312 = arith.constant 1.000000e+00 : f32
    %broadcast_in_dim3A_313 = vector.broadcast %jit3A_312 : f32 to vector<1x128xf32>
    %select_n3A_314 = arith.select %gt3A_308, %div3A_311, %broadcast_in_dim3A_313 : vector<1x128xi1>, vector<1x128xf32>
    %sub3A_315 = arith.constant 1.000000e+00 : f32
    %sub3A_316 = vector.broadcast %sub3A_315 : f32 to vector<1x128xf32>
    %sub3A_317 = arith.subf %sub3A_316, %select_n3A_314 : vector<1x128xf32>
    %add3A_318 = vector.broadcast %slice3A_296 : vector<1x1xf32> to vector<1x128xf32>
    %add3A_319 = arith.addf %add3A_318, %concatenate3A_293 : vector<1x128xf32>
    %sub3A_320 = arith.subf %add3A_319, %concatenate3A_295 : vector<1x128xf32>
    %gt3A_321 = arith.constant 0.000000e+00 : f32
    %gt3A_322 = vector.broadcast %gt3A_321 : f32 to vector<1x128xf32>
    %gt3A_323 = arith.cmpf ogt, %sub3A_320, %gt3A_322 : vector<1x128xf32>
    %jit3A_324 = arith.constant 1.000000e+00 : f32
    %broadcast_in_dim3A_325 = vector.broadcast %jit3A_324 : f32 to vector<1x128xf32>
    %select_n3A_326 = arith.select %gt3A_323, %sub3A_320, %broadcast_in_dim3A_325 : vector<1x128xi1>, vector<1x128xf32>
    %gt3A_327 = arith.constant 0.000000e+00 : f32
    %gt3A_328 = vector.broadcast %gt3A_327 : f32 to vector<1x128xf32>
    %gt3A_329 = arith.cmpf ogt, %sub3A_320, %gt3A_328 : vector<1x128xf32>
    %sub3A_330 = vector.broadcast %slice3A_296 : vector<1x1xf32> to vector<1x128xf32>
    %sub3A_331 = arith.subf %sub3A_330, %concatenate3A_295 : vector<1x128xf32>
    %div3A_332 = arith.divf %sub3A_331, %select_n3A_326 : vector<1x128xf32>
    %jit3A_333 = arith.constant 1.000000e+00 : f32
    %broadcast_in_dim3A_334 = vector.broadcast %jit3A_333 : f32 to vector<1x128xf32>
    %select_n3A_335 = arith.select %gt3A_329, %div3A_332, %broadcast_in_dim3A_334 : vector<1x128xi1>, vector<1x128xf32>
    %sub3A_336 = arith.constant 1.000000e+00 : f32
    %sub3A_337 = vector.broadcast %sub3A_336 : f32 to vector<1x128xf32>
    %sub3A_338 = arith.subf %sub3A_337, %select_n3A_335 : vector<1x128xf32>
    %sub3A_339 = arith.subf %sub3A_317, %sub3A_338 : vector<1x128xf32>
    %mul3A_340 = arith.mulf %mul3A_18, %sub3A_339 : vector<1x128xf32>
    %squeeze3A_341 = vector.extract %slice3A_296[0, 0] : f32 from vector<1x1xf32>
    %gt3A_342 = arith.constant 0.000000e+00 : f32
    %gt3A_343 = arith.cmpf ogt, %squeeze3A_341, %gt3A_342 : f32
    %convert_element_type3A_344 = arith.extui %gt3A_343 : i1 to i32
    %convert_element_type3A_345 = arith.sitofp %convert_element_type3A_344 : i32 to f32
    %reduce_sum3A_346 = vector.shape_cast %mul3A_340 : vector<1x128xf32> to vector<1x1x128xf32>
    %reduce_sum3A_347 = arith.constant dense<0.000000e+00> : vector<1xf32>
    %reduce_sum3A_348 = vector.multi_reduction <add>, %reduce_sum3A_346, %reduce_sum3A_347 [1, 2] : vector<1x1x128xf32> to vector<1xf32>
    %reduce_sum3A_349 = vector.shape_cast %reduce_sum3A_348 : vector<1xf32> to vector<1x1x1xf32>
    %reduce_sum3A_350 = vector.extract %reduce_sum3A_349[0, 0, 0] : f32 from vector<1x1x1xf32>
    %mul3A_351 = arith.mulf %reduce_sum3A_350, %convert_element_type3A_345 : f32
    %add3A_352 = arith.addf %add3A_284, %mul3A_351 : f32
    %add3A_353 = arith.addf %add3A_285, %convert_element_type3A_345 : f32
    %slice3A_354 = vector.extract_strided_slice %broadcast_in_dim3A {offsets = [0, 10240], sizes = [1, 2048], strides = [1, 1]} : vector<1x38912xf32> to vector<1x2048xf32>
    %slice3A_355 = vector.extract_strided_slice %broadcast_in_dim3A_10 {offsets = [0, 10240], sizes = [1, 2048], strides = [1, 1]} : vector<1x38912xf32> to vector<1x2048xf32>
    %dot_general3A_356 = arith.constant dense<0.000000e+00> : vector<1x128xf32>
    %dot_general3A_357 = tpu.matmul %slice3A_354, %get3A_13, %dot_general3A_356 {dimension_numbers = #tpu.dot_dimension_numbers<[1], [0], [0], [1], [0, 0, 1, 1], [], []>, transpose_lhs_hint = false} : vector<1x2048xf32>, vector<2048x128xf32>, vector<1x128xf32> -> vector<1x128xf32>
    %dot_general3A_358 = arith.constant dense<0.000000e+00> : vector<1x128xf32>
    %dot_general3A_359 = tpu.matmul %slice3A_355, %get3A_13, %dot_general3A_358 {dimension_numbers = #tpu.dot_dimension_numbers<[1], [0], [0], [1], [0, 0, 1, 1], [], []>, transpose_lhs_hint = false} : vector<1x2048xf32>, vector<2048x128xf32>, vector<1x128xf32> -> vector<1x128xf32>
    %slice3A_360 = vector.extract_strided_slice %dot_general3A_357 {offsets = [0, 1], sizes = [1, 127], strides = [1, 1]} : vector<1x128xf32> to vector<1x127xf32>
    %concatenate3A_361 = tpu.concatenate %slice3A_360, %broadcast_in_dim3A_20 in 1 : vector<1x127xf32>, vector<1x1xf32> -> vector<1x128xf32>
    %slice3A_362 = vector.extract_strided_slice %dot_general3A_359 {offsets = [0, 1], sizes = [1, 127], strides = [1, 1]} : vector<1x128xf32> to vector<1x127xf32>
    %concatenate3A_363 = tpu.concatenate %slice3A_362, %broadcast_in_dim3A_20 in 1 : vector<1x127xf32>, vector<1x1xf32> -> vector<1x128xf32>
    %slice3A_364 = vector.extract_strided_slice %dot_general3A_359 {offsets = [0, 0], sizes = [1, 1], strides = [1, 1]} : vector<1x128xf32> to vector<1x1xf32>
    %add3A_365 = vector.broadcast %slice3A_364 : vector<1x1xf32> to vector<1x128xf32>
    %add3A_366 = arith.addf %add3A_365, %dot_general3A_357 : vector<1x128xf32>
    %sub3A_367 = arith.subf %add3A_366, %dot_general3A_359 : vector<1x128xf32>
    %gt3A_368 = arith.constant 0.000000e+00 : f32
    %gt3A_369 = vector.broadcast %gt3A_368 : f32 to vector<1x128xf32>
    %gt3A_370 = arith.cmpf ogt, %sub3A_367, %gt3A_369 : vector<1x128xf32>
    %jit3A_371 = arith.constant 1.000000e+00 : f32
    %broadcast_in_dim3A_372 = vector.broadcast %jit3A_371 : f32 to vector<1x128xf32>
    %select_n3A_373 = arith.select %gt3A_370, %sub3A_367, %broadcast_in_dim3A_372 : vector<1x128xi1>, vector<1x128xf32>
    %gt3A_374 = arith.constant 0.000000e+00 : f32
    %gt3A_375 = vector.broadcast %gt3A_374 : f32 to vector<1x128xf32>
    %gt3A_376 = arith.cmpf ogt, %sub3A_367, %gt3A_375 : vector<1x128xf32>
    %sub3A_377 = vector.broadcast %slice3A_364 : vector<1x1xf32> to vector<1x128xf32>
    %sub3A_378 = arith.subf %sub3A_377, %dot_general3A_359 : vector<1x128xf32>
    %div3A_379 = arith.divf %sub3A_378, %select_n3A_373 : vector<1x128xf32>
    %jit3A_380 = arith.constant 1.000000e+00 : f32
    %broadcast_in_dim3A_381 = vector.broadcast %jit3A_380 : f32 to vector<1x128xf32>
    %select_n3A_382 = arith.select %gt3A_376, %div3A_379, %broadcast_in_dim3A_381 : vector<1x128xi1>, vector<1x128xf32>
    %sub3A_383 = arith.constant 1.000000e+00 : f32
    %sub3A_384 = vector.broadcast %sub3A_383 : f32 to vector<1x128xf32>
    %sub3A_385 = arith.subf %sub3A_384, %select_n3A_382 : vector<1x128xf32>
    %add3A_386 = vector.broadcast %slice3A_364 : vector<1x1xf32> to vector<1x128xf32>
    %add3A_387 = arith.addf %add3A_386, %concatenate3A_361 : vector<1x128xf32>
    %sub3A_388 = arith.subf %add3A_387, %concatenate3A_363 : vector<1x128xf32>
    %gt3A_389 = arith.constant 0.000000e+00 : f32
    %gt3A_390 = vector.broadcast %gt3A_389 : f32 to vector<1x128xf32>
    %gt3A_391 = arith.cmpf ogt, %sub3A_388, %gt3A_390 : vector<1x128xf32>
    %jit3A_392 = arith.constant 1.000000e+00 : f32
    %broadcast_in_dim3A_393 = vector.broadcast %jit3A_392 : f32 to vector<1x128xf32>
    %select_n3A_394 = arith.select %gt3A_391, %sub3A_388, %broadcast_in_dim3A_393 : vector<1x128xi1>, vector<1x128xf32>
    %gt3A_395 = arith.constant 0.000000e+00 : f32
    %gt3A_396 = vector.broadcast %gt3A_395 : f32 to vector<1x128xf32>
    %gt3A_397 = arith.cmpf ogt, %sub3A_388, %gt3A_396 : vector<1x128xf32>
    %sub3A_398 = vector.broadcast %slice3A_364 : vector<1x1xf32> to vector<1x128xf32>
    %sub3A_399 = arith.subf %sub3A_398, %concatenate3A_363 : vector<1x128xf32>
    %div3A_400 = arith.divf %sub3A_399, %select_n3A_394 : vector<1x128xf32>
    %jit3A_401 = arith.constant 1.000000e+00 : f32
    %broadcast_in_dim3A_402 = vector.broadcast %jit3A_401 : f32 to vector<1x128xf32>
    %select_n3A_403 = arith.select %gt3A_397, %div3A_400, %broadcast_in_dim3A_402 : vector<1x128xi1>, vector<1x128xf32>
    %sub3A_404 = arith.constant 1.000000e+00 : f32
    %sub3A_405 = vector.broadcast %sub3A_404 : f32 to vector<1x128xf32>
    %sub3A_406 = arith.subf %sub3A_405, %select_n3A_403 : vector<1x128xf32>
    %sub3A_407 = arith.subf %sub3A_385, %sub3A_406 : vector<1x128xf32>
    %mul3A_408 = arith.mulf %mul3A_18, %sub3A_407 : vector<1x128xf32>
    %squeeze3A_409 = vector.extract %slice3A_364[0, 0] : f32 from vector<1x1xf32>
    %gt3A_410 = arith.constant 0.000000e+00 : f32
    %gt3A_411 = arith.cmpf ogt, %squeeze3A_409, %gt3A_410 : f32
    %convert_element_type3A_412 = arith.extui %gt3A_411 : i1 to i32
    %convert_element_type3A_413 = arith.sitofp %convert_element_type3A_412 : i32 to f32
    %reduce_sum3A_414 = vector.shape_cast %mul3A_408 : vector<1x128xf32> to vector<1x1x128xf32>
    %reduce_sum3A_415 = arith.constant dense<0.000000e+00> : vector<1xf32>
    %reduce_sum3A_416 = vector.multi_reduction <add>, %reduce_sum3A_414, %reduce_sum3A_415 [1, 2] : vector<1x1x128xf32> to vector<1xf32>
    %reduce_sum3A_417 = vector.shape_cast %reduce_sum3A_416 : vector<1xf32> to vector<1x1x1xf32>
    %reduce_sum3A_418 = vector.extract %reduce_sum3A_417[0, 0, 0] : f32 from vector<1x1x1xf32>
    %mul3A_419 = arith.mulf %reduce_sum3A_418, %convert_element_type3A_413 : f32
    %add3A_420 = arith.addf %add3A_352, %mul3A_419 : f32
    %add3A_421 = arith.addf %add3A_353, %convert_element_type3A_413 : f32
    %slice3A_422 = vector.extract_strided_slice %broadcast_in_dim3A {offsets = [0, 12288], sizes = [1, 2048], strides = [1, 1]} : vector<1x38912xf32> to vector<1x2048xf32>
    %slice3A_423 = vector.extract_strided_slice %broadcast_in_dim3A_10 {offsets = [0, 12288], sizes = [1, 2048], strides = [1, 1]} : vector<1x38912xf32> to vector<1x2048xf32>
    %dot_general3A_424 = arith.constant dense<0.000000e+00> : vector<1x128xf32>
    %dot_general3A_425 = tpu.matmul %slice3A_422, %get3A_13, %dot_general3A_424 {dimension_numbers = #tpu.dot_dimension_numbers<[1], [0], [0], [1], [0, 0, 1, 1], [], []>, transpose_lhs_hint = false} : vector<1x2048xf32>, vector<2048x128xf32>, vector<1x128xf32> -> vector<1x128xf32>
    %dot_general3A_426 = arith.constant dense<0.000000e+00> : vector<1x128xf32>
    %dot_general3A_427 = tpu.matmul %slice3A_423, %get3A_13, %dot_general3A_426 {dimension_numbers = #tpu.dot_dimension_numbers<[1], [0], [0], [1], [0, 0, 1, 1], [], []>, transpose_lhs_hint = false} : vector<1x2048xf32>, vector<2048x128xf32>, vector<1x128xf32> -> vector<1x128xf32>
    %slice3A_428 = vector.extract_strided_slice %dot_general3A_425 {offsets = [0, 1], sizes = [1, 127], strides = [1, 1]} : vector<1x128xf32> to vector<1x127xf32>
    %concatenate3A_429 = tpu.concatenate %slice3A_428, %broadcast_in_dim3A_20 in 1 : vector<1x127xf32>, vector<1x1xf32> -> vector<1x128xf32>
    %slice3A_430 = vector.extract_strided_slice %dot_general3A_427 {offsets = [0, 1], sizes = [1, 127], strides = [1, 1]} : vector<1x128xf32> to vector<1x127xf32>
    %concatenate3A_431 = tpu.concatenate %slice3A_430, %broadcast_in_dim3A_20 in 1 : vector<1x127xf32>, vector<1x1xf32> -> vector<1x128xf32>
    %slice3A_432 = vector.extract_strided_slice %dot_general3A_427 {offsets = [0, 0], sizes = [1, 1], strides = [1, 1]} : vector<1x128xf32> to vector<1x1xf32>
    %add3A_433 = vector.broadcast %slice3A_432 : vector<1x1xf32> to vector<1x128xf32>
    %add3A_434 = arith.addf %add3A_433, %dot_general3A_425 : vector<1x128xf32>
    %sub3A_435 = arith.subf %add3A_434, %dot_general3A_427 : vector<1x128xf32>
    %gt3A_436 = arith.constant 0.000000e+00 : f32
    %gt3A_437 = vector.broadcast %gt3A_436 : f32 to vector<1x128xf32>
    %gt3A_438 = arith.cmpf ogt, %sub3A_435, %gt3A_437 : vector<1x128xf32>
    %jit3A_439 = arith.constant 1.000000e+00 : f32
    %broadcast_in_dim3A_440 = vector.broadcast %jit3A_439 : f32 to vector<1x128xf32>
    %select_n3A_441 = arith.select %gt3A_438, %sub3A_435, %broadcast_in_dim3A_440 : vector<1x128xi1>, vector<1x128xf32>
    %gt3A_442 = arith.constant 0.000000e+00 : f32
    %gt3A_443 = vector.broadcast %gt3A_442 : f32 to vector<1x128xf32>
    %gt3A_444 = arith.cmpf ogt, %sub3A_435, %gt3A_443 : vector<1x128xf32>
    %sub3A_445 = vector.broadcast %slice3A_432 : vector<1x1xf32> to vector<1x128xf32>
    %sub3A_446 = arith.subf %sub3A_445, %dot_general3A_427 : vector<1x128xf32>
    %div3A_447 = arith.divf %sub3A_446, %select_n3A_441 : vector<1x128xf32>
    %jit3A_448 = arith.constant 1.000000e+00 : f32
    %broadcast_in_dim3A_449 = vector.broadcast %jit3A_448 : f32 to vector<1x128xf32>
    %select_n3A_450 = arith.select %gt3A_444, %div3A_447, %broadcast_in_dim3A_449 : vector<1x128xi1>, vector<1x128xf32>
    %sub3A_451 = arith.constant 1.000000e+00 : f32
    %sub3A_452 = vector.broadcast %sub3A_451 : f32 to vector<1x128xf32>
    %sub3A_453 = arith.subf %sub3A_452, %select_n3A_450 : vector<1x128xf32>
    %add3A_454 = vector.broadcast %slice3A_432 : vector<1x1xf32> to vector<1x128xf32>
    %add3A_455 = arith.addf %add3A_454, %concatenate3A_429 : vector<1x128xf32>
    %sub3A_456 = arith.subf %add3A_455, %concatenate3A_431 : vector<1x128xf32>
    %gt3A_457 = arith.constant 0.000000e+00 : f32
    %gt3A_458 = vector.broadcast %gt3A_457 : f32 to vector<1x128xf32>
    %gt3A_459 = arith.cmpf ogt, %sub3A_456, %gt3A_458 : vector<1x128xf32>
    %jit3A_460 = arith.constant 1.000000e+00 : f32
    %broadcast_in_dim3A_461 = vector.broadcast %jit3A_460 : f32 to vector<1x128xf32>
    %select_n3A_462 = arith.select %gt3A_459, %sub3A_456, %broadcast_in_dim3A_461 : vector<1x128xi1>, vector<1x128xf32>
    %gt3A_463 = arith.constant 0.000000e+00 : f32
    %gt3A_464 = vector.broadcast %gt3A_463 : f32 to vector<1x128xf32>
    %gt3A_465 = arith.cmpf ogt, %sub3A_456, %gt3A_464 : vector<1x128xf32>
    %sub3A_466 = vector.broadcast %slice3A_432 : vector<1x1xf32> to vector<1x128xf32>
    %sub3A_467 = arith.subf %sub3A_466, %concatenate3A_431 : vector<1x128xf32>
    %div3A_468 = arith.divf %sub3A_467, %select_n3A_462 : vector<1x128xf32>
    %jit3A_469 = arith.constant 1.000000e+00 : f32
    %broadcast_in_dim3A_470 = vector.broadcast %jit3A_469 : f32 to vector<1x128xf32>
    %select_n3A_471 = arith.select %gt3A_465, %div3A_468, %broadcast_in_dim3A_470 : vector<1x128xi1>, vector<1x128xf32>
    %sub3A_472 = arith.constant 1.000000e+00 : f32
    %sub3A_473 = vector.broadcast %sub3A_472 : f32 to vector<1x128xf32>
    %sub3A_474 = arith.subf %sub3A_473, %select_n3A_471 : vector<1x128xf32>
    %sub3A_475 = arith.subf %sub3A_453, %sub3A_474 : vector<1x128xf32>
    %mul3A_476 = arith.mulf %mul3A_18, %sub3A_475 : vector<1x128xf32>
    %squeeze3A_477 = vector.extract %slice3A_432[0, 0] : f32 from vector<1x1xf32>
    %gt3A_478 = arith.constant 0.000000e+00 : f32
    %gt3A_479 = arith.cmpf ogt, %squeeze3A_477, %gt3A_478 : f32
    %convert_element_type3A_480 = arith.extui %gt3A_479 : i1 to i32
    %convert_element_type3A_481 = arith.sitofp %convert_element_type3A_480 : i32 to f32
    %reduce_sum3A_482 = vector.shape_cast %mul3A_476 : vector<1x128xf32> to vector<1x1x128xf32>
    %reduce_sum3A_483 = arith.constant dense<0.000000e+00> : vector<1xf32>
    %reduce_sum3A_484 = vector.multi_reduction <add>, %reduce_sum3A_482, %reduce_sum3A_483 [1, 2] : vector<1x1x128xf32> to vector<1xf32>
    %reduce_sum3A_485 = vector.shape_cast %reduce_sum3A_484 : vector<1xf32> to vector<1x1x1xf32>
    %reduce_sum3A_486 = vector.extract %reduce_sum3A_485[0, 0, 0] : f32 from vector<1x1x1xf32>
    %mul3A_487 = arith.mulf %reduce_sum3A_486, %convert_element_type3A_481 : f32
    %add3A_488 = arith.addf %add3A_420, %mul3A_487 : f32
    %add3A_489 = arith.addf %add3A_421, %convert_element_type3A_481 : f32
    %slice3A_490 = vector.extract_strided_slice %broadcast_in_dim3A {offsets = [0, 14336], sizes = [1, 2048], strides = [1, 1]} : vector<1x38912xf32> to vector<1x2048xf32>
    %slice3A_491 = vector.extract_strided_slice %broadcast_in_dim3A_10 {offsets = [0, 14336], sizes = [1, 2048], strides = [1, 1]} : vector<1x38912xf32> to vector<1x2048xf32>
    %dot_general3A_492 = arith.constant dense<0.000000e+00> : vector<1x128xf32>
    %dot_general3A_493 = tpu.matmul %slice3A_490, %get3A_13, %dot_general3A_492 {dimension_numbers = #tpu.dot_dimension_numbers<[1], [0], [0], [1], [0, 0, 1, 1], [], []>, transpose_lhs_hint = false} : vector<1x2048xf32>, vector<2048x128xf32>, vector<1x128xf32> -> vector<1x128xf32>
    %dot_general3A_494 = arith.constant dense<0.000000e+00> : vector<1x128xf32>
    %dot_general3A_495 = tpu.matmul %slice3A_491, %get3A_13, %dot_general3A_494 {dimension_numbers = #tpu.dot_dimension_numbers<[1], [0], [0], [1], [0, 0, 1, 1], [], []>, transpose_lhs_hint = false} : vector<1x2048xf32>, vector<2048x128xf32>, vector<1x128xf32> -> vector<1x128xf32>
    %slice3A_496 = vector.extract_strided_slice %dot_general3A_493 {offsets = [0, 1], sizes = [1, 127], strides = [1, 1]} : vector<1x128xf32> to vector<1x127xf32>
    %concatenate3A_497 = tpu.concatenate %slice3A_496, %broadcast_in_dim3A_20 in 1 : vector<1x127xf32>, vector<1x1xf32> -> vector<1x128xf32>
    %slice3A_498 = vector.extract_strided_slice %dot_general3A_495 {offsets = [0, 1], sizes = [1, 127], strides = [1, 1]} : vector<1x128xf32> to vector<1x127xf32>
    %concatenate3A_499 = tpu.concatenate %slice3A_498, %broadcast_in_dim3A_20 in 1 : vector<1x127xf32>, vector<1x1xf32> -> vector<1x128xf32>
    %slice3A_500 = vector.extract_strided_slice %dot_general3A_495 {offsets = [0, 0], sizes = [1, 1], strides = [1, 1]} : vector<1x128xf32> to vector<1x1xf32>
    %add3A_501 = vector.broadcast %slice3A_500 : vector<1x1xf32> to vector<1x128xf32>
    %add3A_502 = arith.addf %add3A_501, %dot_general3A_493 : vector<1x128xf32>
    %sub3A_503 = arith.subf %add3A_502, %dot_general3A_495 : vector<1x128xf32>
    %gt3A_504 = arith.constant 0.000000e+00 : f32
    %gt3A_505 = vector.broadcast %gt3A_504 : f32 to vector<1x128xf32>
    %gt3A_506 = arith.cmpf ogt, %sub3A_503, %gt3A_505 : vector<1x128xf32>
    %jit3A_507 = arith.constant 1.000000e+00 : f32
    %broadcast_in_dim3A_508 = vector.broadcast %jit3A_507 : f32 to vector<1x128xf32>
    %select_n3A_509 = arith.select %gt3A_506, %sub3A_503, %broadcast_in_dim3A_508 : vector<1x128xi1>, vector<1x128xf32>
    %gt3A_510 = arith.constant 0.000000e+00 : f32
    %gt3A_511 = vector.broadcast %gt3A_510 : f32 to vector<1x128xf32>
    %gt3A_512 = arith.cmpf ogt, %sub3A_503, %gt3A_511 : vector<1x128xf32>
    %sub3A_513 = vector.broadcast %slice3A_500 : vector<1x1xf32> to vector<1x128xf32>
    %sub3A_514 = arith.subf %sub3A_513, %dot_general3A_495 : vector<1x128xf32>
    %div3A_515 = arith.divf %sub3A_514, %select_n3A_509 : vector<1x128xf32>
    %jit3A_516 = arith.constant 1.000000e+00 : f32
    %broadcast_in_dim3A_517 = vector.broadcast %jit3A_516 : f32 to vector<1x128xf32>
    %select_n3A_518 = arith.select %gt3A_512, %div3A_515, %broadcast_in_dim3A_517 : vector<1x128xi1>, vector<1x128xf32>
    %sub3A_519 = arith.constant 1.000000e+00 : f32
    %sub3A_520 = vector.broadcast %sub3A_519 : f32 to vector<1x128xf32>
    %sub3A_521 = arith.subf %sub3A_520, %select_n3A_518 : vector<1x128xf32>
    %add3A_522 = vector.broadcast %slice3A_500 : vector<1x1xf32> to vector<1x128xf32>
    %add3A_523 = arith.addf %add3A_522, %concatenate3A_497 : vector<1x128xf32>
    %sub3A_524 = arith.subf %add3A_523, %concatenate3A_499 : vector<1x128xf32>
    %gt3A_525 = arith.constant 0.000000e+00 : f32
    %gt3A_526 = vector.broadcast %gt3A_525 : f32 to vector<1x128xf32>
    %gt3A_527 = arith.cmpf ogt, %sub3A_524, %gt3A_526 : vector<1x128xf32>
    %jit3A_528 = arith.constant 1.000000e+00 : f32
    %broadcast_in_dim3A_529 = vector.broadcast %jit3A_528 : f32 to vector<1x128xf32>
    %select_n3A_530 = arith.select %gt3A_527, %sub3A_524, %broadcast_in_dim3A_529 : vector<1x128xi1>, vector<1x128xf32>
    %gt3A_531 = arith.constant 0.000000e+00 : f32
    %gt3A_532 = vector.broadcast %gt3A_531 : f32 to vector<1x128xf32>
    %gt3A_533 = arith.cmpf ogt, %sub3A_524, %gt3A_532 : vector<1x128xf32>
    %sub3A_534 = vector.broadcast %slice3A_500 : vector<1x1xf32> to vector<1x128xf32>
    %sub3A_535 = arith.subf %sub3A_534, %concatenate3A_499 : vector<1x128xf32>
    %div3A_536 = arith.divf %sub3A_535, %select_n3A_530 : vector<1x128xf32>
    %jit3A_537 = arith.constant 1.000000e+00 : f32
    %broadcast_in_dim3A_538 = vector.broadcast %jit3A_537 : f32 to vector<1x128xf32>
    %select_n3A_539 = arith.select %gt3A_533, %div3A_536, %broadcast_in_dim3A_538 : vector<1x128xi1>, vector<1x128xf32>
    %sub3A_540 = arith.constant 1.000000e+00 : f32
    %sub3A_541 = vector.broadcast %sub3A_540 : f32 to vector<1x128xf32>
    %sub3A_542 = arith.subf %sub3A_541, %select_n3A_539 : vector<1x128xf32>
    %sub3A_543 = arith.subf %sub3A_521, %sub3A_542 : vector<1x128xf32>
    %mul3A_544 = arith.mulf %mul3A_18, %sub3A_543 : vector<1x128xf32>
    %squeeze3A_545 = vector.extract %slice3A_500[0, 0] : f32 from vector<1x1xf32>
    %gt3A_546 = arith.constant 0.000000e+00 : f32
    %gt3A_547 = arith.cmpf ogt, %squeeze3A_545, %gt3A_546 : f32
    %convert_element_type3A_548 = arith.extui %gt3A_547 : i1 to i32
    %convert_element_type3A_549 = arith.sitofp %convert_element_type3A_548 : i32 to f32
    %reduce_sum3A_550 = vector.shape_cast %mul3A_544 : vector<1x128xf32> to vector<1x1x128xf32>
    %reduce_sum3A_551 = arith.constant dense<0.000000e+00> : vector<1xf32>
    %reduce_sum3A_552 = vector.multi_reduction <add>, %reduce_sum3A_550, %reduce_sum3A_551 [1, 2] : vector<1x1x128xf32> to vector<1xf32>
    %reduce_sum3A_553 = vector.shape_cast %reduce_sum3A_552 : vector<1xf32> to vector<1x1x1xf32>
    %reduce_sum3A_554 = vector.extract %reduce_sum3A_553[0, 0, 0] : f32 from vector<1x1x1xf32>
    %mul3A_555 = arith.mulf %reduce_sum3A_554, %convert_element_type3A_549 : f32
    %add3A_556 = arith.addf %add3A_488, %mul3A_555 : f32
    %add3A_557 = arith.addf %add3A_489, %convert_element_type3A_549 : f32
    %slice3A_558 = vector.extract_strided_slice %broadcast_in_dim3A {offsets = [0, 16384], sizes = [1, 2048], strides = [1, 1]} : vector<1x38912xf32> to vector<1x2048xf32>
    %slice3A_559 = vector.extract_strided_slice %broadcast_in_dim3A_10 {offsets = [0, 16384], sizes = [1, 2048], strides = [1, 1]} : vector<1x38912xf32> to vector<1x2048xf32>
    %dot_general3A_560 = arith.constant dense<0.000000e+00> : vector<1x128xf32>
    %dot_general3A_561 = tpu.matmul %slice3A_558, %get3A_13, %dot_general3A_560 {dimension_numbers = #tpu.dot_dimension_numbers<[1], [0], [0], [1], [0, 0, 1, 1], [], []>, transpose_lhs_hint = false} : vector<1x2048xf32>, vector<2048x128xf32>, vector<1x128xf32> -> vector<1x128xf32>
    %dot_general3A_562 = arith.constant dense<0.000000e+00> : vector<1x128xf32>
    %dot_general3A_563 = tpu.matmul %slice3A_559, %get3A_13, %dot_general3A_562 {dimension_numbers = #tpu.dot_dimension_numbers<[1], [0], [0], [1], [0, 0, 1, 1], [], []>, transpose_lhs_hint = false} : vector<1x2048xf32>, vector<2048x128xf32>, vector<1x128xf32> -> vector<1x128xf32>
    %slice3A_564 = vector.extract_strided_slice %dot_general3A_561 {offsets = [0, 1], sizes = [1, 127], strides = [1, 1]} : vector<1x128xf32> to vector<1x127xf32>
    %concatenate3A_565 = tpu.concatenate %slice3A_564, %broadcast_in_dim3A_20 in 1 : vector<1x127xf32>, vector<1x1xf32> -> vector<1x128xf32>
    %slice3A_566 = vector.extract_strided_slice %dot_general3A_563 {offsets = [0, 1], sizes = [1, 127], strides = [1, 1]} : vector<1x128xf32> to vector<1x127xf32>
    %concatenate3A_567 = tpu.concatenate %slice3A_566, %broadcast_in_dim3A_20 in 1 : vector<1x127xf32>, vector<1x1xf32> -> vector<1x128xf32>
    %slice3A_568 = vector.extract_strided_slice %dot_general3A_563 {offsets = [0, 0], sizes = [1, 1], strides = [1, 1]} : vector<1x128xf32> to vector<1x1xf32>
    %add3A_569 = vector.broadcast %slice3A_568 : vector<1x1xf32> to vector<1x128xf32>
    %add3A_570 = arith.addf %add3A_569, %dot_general3A_561 : vector<1x128xf32>
    %sub3A_571 = arith.subf %add3A_570, %dot_general3A_563 : vector<1x128xf32>
    %gt3A_572 = arith.constant 0.000000e+00 : f32
    %gt3A_573 = vector.broadcast %gt3A_572 : f32 to vector<1x128xf32>
    %gt3A_574 = arith.cmpf ogt, %sub3A_571, %gt3A_573 : vector<1x128xf32>
    %jit3A_575 = arith.constant 1.000000e+00 : f32
    %broadcast_in_dim3A_576 = vector.broadcast %jit3A_575 : f32 to vector<1x128xf32>
    %select_n3A_577 = arith.select %gt3A_574, %sub3A_571, %broadcast_in_dim3A_576 : vector<1x128xi1>, vector<1x128xf32>
    %gt3A_578 = arith.constant 0.000000e+00 : f32
    %gt3A_579 = vector.broadcast %gt3A_578 : f32 to vector<1x128xf32>
    %gt3A_580 = arith.cmpf ogt, %sub3A_571, %gt3A_579 : vector<1x128xf32>
    %sub3A_581 = vector.broadcast %slice3A_568 : vector<1x1xf32> to vector<1x128xf32>
    %sub3A_582 = arith.subf %sub3A_581, %dot_general3A_563 : vector<1x128xf32>
    %div3A_583 = arith.divf %sub3A_582, %select_n3A_577 : vector<1x128xf32>
    %jit3A_584 = arith.constant 1.000000e+00 : f32
    %broadcast_in_dim3A_585 = vector.broadcast %jit3A_584 : f32 to vector<1x128xf32>
    %select_n3A_586 = arith.select %gt3A_580, %div3A_583, %broadcast_in_dim3A_585 : vector<1x128xi1>, vector<1x128xf32>
    %sub3A_587 = arith.constant 1.000000e+00 : f32
    %sub3A_588 = vector.broadcast %sub3A_587 : f32 to vector<1x128xf32>
    %sub3A_589 = arith.subf %sub3A_588, %select_n3A_586 : vector<1x128xf32>
    %add3A_590 = vector.broadcast %slice3A_568 : vector<1x1xf32> to vector<1x128xf32>
    %add3A_591 = arith.addf %add3A_590, %concatenate3A_565 : vector<1x128xf32>
    %sub3A_592 = arith.subf %add3A_591, %concatenate3A_567 : vector<1x128xf32>
    %gt3A_593 = arith.constant 0.000000e+00 : f32
    %gt3A_594 = vector.broadcast %gt3A_593 : f32 to vector<1x128xf32>
    %gt3A_595 = arith.cmpf ogt, %sub3A_592, %gt3A_594 : vector<1x128xf32>
    %jit3A_596 = arith.constant 1.000000e+00 : f32
    %broadcast_in_dim3A_597 = vector.broadcast %jit3A_596 : f32 to vector<1x128xf32>
    %select_n3A_598 = arith.select %gt3A_595, %sub3A_592, %broadcast_in_dim3A_597 : vector<1x128xi1>, vector<1x128xf32>
    %gt3A_599 = arith.constant 0.000000e+00 : f32
    %gt3A_600 = vector.broadcast %gt3A_599 : f32 to vector<1x128xf32>
    %gt3A_601 = arith.cmpf ogt, %sub3A_592, %gt3A_600 : vector<1x128xf32>
    %sub3A_602 = vector.broadcast %slice3A_568 : vector<1x1xf32> to vector<1x128xf32>
    %sub3A_603 = arith.subf %sub3A_602, %concatenate3A_567 : vector<1x128xf32>
    %div3A_604 = arith.divf %sub3A_603, %select_n3A_598 : vector<1x128xf32>
    %jit3A_605 = arith.constant 1.000000e+00 : f32
    %broadcast_in_dim3A_606 = vector.broadcast %jit3A_605 : f32 to vector<1x128xf32>
    %select_n3A_607 = arith.select %gt3A_601, %div3A_604, %broadcast_in_dim3A_606 : vector<1x128xi1>, vector<1x128xf32>
    %sub3A_608 = arith.constant 1.000000e+00 : f32
    %sub3A_609 = vector.broadcast %sub3A_608 : f32 to vector<1x128xf32>
    %sub3A_610 = arith.subf %sub3A_609, %select_n3A_607 : vector<1x128xf32>
    %sub3A_611 = arith.subf %sub3A_589, %sub3A_610 : vector<1x128xf32>
    %mul3A_612 = arith.mulf %mul3A_18, %sub3A_611 : vector<1x128xf32>
    %squeeze3A_613 = vector.extract %slice3A_568[0, 0] : f32 from vector<1x1xf32>
    %gt3A_614 = arith.constant 0.000000e+00 : f32
    %gt3A_615 = arith.cmpf ogt, %squeeze3A_613, %gt3A_614 : f32
    %convert_element_type3A_616 = arith.extui %gt3A_615 : i1 to i32
    %convert_element_type3A_617 = arith.sitofp %convert_element_type3A_616 : i32 to f32
    %reduce_sum3A_618 = vector.shape_cast %mul3A_612 : vector<1x128xf32> to vector<1x1x128xf32>
    %reduce_sum3A_619 = arith.constant dense<0.000000e+00> : vector<1xf32>
    %reduce_sum3A_620 = vector.multi_reduction <add>, %reduce_sum3A_618, %reduce_sum3A_619 [1, 2] : vector<1x1x128xf32> to vector<1xf32>
    %reduce_sum3A_621 = vector.shape_cast %reduce_sum3A_620 : vector<1xf32> to vector<1x1x1xf32>
    %reduce_sum3A_622 = vector.extract %reduce_sum3A_621[0, 0, 0] : f32 from vector<1x1x1xf32>
    %mul3A_623 = arith.mulf %reduce_sum3A_622, %convert_element_type3A_617 : f32
    %add3A_624 = arith.addf %add3A_556, %mul3A_623 : f32
    %add3A_625 = arith.addf %add3A_557, %convert_element_type3A_617 : f32
    %slice3A_626 = vector.extract_strided_slice %broadcast_in_dim3A {offsets = [0, 18432], sizes = [1, 2048], strides = [1, 1]} : vector<1x38912xf32> to vector<1x2048xf32>
    %slice3A_627 = vector.extract_strided_slice %broadcast_in_dim3A_10 {offsets = [0, 18432], sizes = [1, 2048], strides = [1, 1]} : vector<1x38912xf32> to vector<1x2048xf32>
    %dot_general3A_628 = arith.constant dense<0.000000e+00> : vector<1x128xf32>
    %dot_general3A_629 = tpu.matmul %slice3A_626, %get3A_13, %dot_general3A_628 {dimension_numbers = #tpu.dot_dimension_numbers<[1], [0], [0], [1], [0, 0, 1, 1], [], []>, transpose_lhs_hint = false} : vector<1x2048xf32>, vector<2048x128xf32>, vector<1x128xf32> -> vector<1x128xf32>
    %dot_general3A_630 = arith.constant dense<0.000000e+00> : vector<1x128xf32>
    %dot_general3A_631 = tpu.matmul %slice3A_627, %get3A_13, %dot_general3A_630 {dimension_numbers = #tpu.dot_dimension_numbers<[1], [0], [0], [1], [0, 0, 1, 1], [], []>, transpose_lhs_hint = false} : vector<1x2048xf32>, vector<2048x128xf32>, vector<1x128xf32> -> vector<1x128xf32>
    %slice3A_632 = vector.extract_strided_slice %dot_general3A_629 {offsets = [0, 1], sizes = [1, 127], strides = [1, 1]} : vector<1x128xf32> to vector<1x127xf32>
    %concatenate3A_633 = tpu.concatenate %slice3A_632, %broadcast_in_dim3A_20 in 1 : vector<1x127xf32>, vector<1x1xf32> -> vector<1x128xf32>
    %slice3A_634 = vector.extract_strided_slice %dot_general3A_631 {offsets = [0, 1], sizes = [1, 127], strides = [1, 1]} : vector<1x128xf32> to vector<1x127xf32>
    %concatenate3A_635 = tpu.concatenate %slice3A_634, %broadcast_in_dim3A_20 in 1 : vector<1x127xf32>, vector<1x1xf32> -> vector<1x128xf32>
    %slice3A_636 = vector.extract_strided_slice %dot_general3A_631 {offsets = [0, 0], sizes = [1, 1], strides = [1, 1]} : vector<1x128xf32> to vector<1x1xf32>
    %add3A_637 = vector.broadcast %slice3A_636 : vector<1x1xf32> to vector<1x128xf32>
    %add3A_638 = arith.addf %add3A_637, %dot_general3A_629 : vector<1x128xf32>
    %sub3A_639 = arith.subf %add3A_638, %dot_general3A_631 : vector<1x128xf32>
    %gt3A_640 = arith.constant 0.000000e+00 : f32
    %gt3A_641 = vector.broadcast %gt3A_640 : f32 to vector<1x128xf32>
    %gt3A_642 = arith.cmpf ogt, %sub3A_639, %gt3A_641 : vector<1x128xf32>
    %jit3A_643 = arith.constant 1.000000e+00 : f32
    %broadcast_in_dim3A_644 = vector.broadcast %jit3A_643 : f32 to vector<1x128xf32>
    %select_n3A_645 = arith.select %gt3A_642, %sub3A_639, %broadcast_in_dim3A_644 : vector<1x128xi1>, vector<1x128xf32>
    %gt3A_646 = arith.constant 0.000000e+00 : f32
    %gt3A_647 = vector.broadcast %gt3A_646 : f32 to vector<1x128xf32>
    %gt3A_648 = arith.cmpf ogt, %sub3A_639, %gt3A_647 : vector<1x128xf32>
    %sub3A_649 = vector.broadcast %slice3A_636 : vector<1x1xf32> to vector<1x128xf32>
    %sub3A_650 = arith.subf %sub3A_649, %dot_general3A_631 : vector<1x128xf32>
    %div3A_651 = arith.divf %sub3A_650, %select_n3A_645 : vector<1x128xf32>
    %jit3A_652 = arith.constant 1.000000e+00 : f32
    %broadcast_in_dim3A_653 = vector.broadcast %jit3A_652 : f32 to vector<1x128xf32>
    %select_n3A_654 = arith.select %gt3A_648, %div3A_651, %broadcast_in_dim3A_653 : vector<1x128xi1>, vector<1x128xf32>
    %sub3A_655 = arith.constant 1.000000e+00 : f32
    %sub3A_656 = vector.broadcast %sub3A_655 : f32 to vector<1x128xf32>
    %sub3A_657 = arith.subf %sub3A_656, %select_n3A_654 : vector<1x128xf32>
    %add3A_658 = vector.broadcast %slice3A_636 : vector<1x1xf32> to vector<1x128xf32>
    %add3A_659 = arith.addf %add3A_658, %concatenate3A_633 : vector<1x128xf32>
    %sub3A_660 = arith.subf %add3A_659, %concatenate3A_635 : vector<1x128xf32>
    %gt3A_661 = arith.constant 0.000000e+00 : f32
    %gt3A_662 = vector.broadcast %gt3A_661 : f32 to vector<1x128xf32>
    %gt3A_663 = arith.cmpf ogt, %sub3A_660, %gt3A_662 : vector<1x128xf32>
    %jit3A_664 = arith.constant 1.000000e+00 : f32
    %broadcast_in_dim3A_665 = vector.broadcast %jit3A_664 : f32 to vector<1x128xf32>
    %select_n3A_666 = arith.select %gt3A_663, %sub3A_660, %broadcast_in_dim3A_665 : vector<1x128xi1>, vector<1x128xf32>
    %gt3A_667 = arith.constant 0.000000e+00 : f32
    %gt3A_668 = vector.broadcast %gt3A_667 : f32 to vector<1x128xf32>
    %gt3A_669 = arith.cmpf ogt, %sub3A_660, %gt3A_668 : vector<1x128xf32>
    %sub3A_670 = vector.broadcast %slice3A_636 : vector<1x1xf32> to vector<1x128xf32>
    %sub3A_671 = arith.subf %sub3A_670, %concatenate3A_635 : vector<1x128xf32>
    %div3A_672 = arith.divf %sub3A_671, %select_n3A_666 : vector<1x128xf32>
    %jit3A_673 = arith.constant 1.000000e+00 : f32
    %broadcast_in_dim3A_674 = vector.broadcast %jit3A_673 : f32 to vector<1x128xf32>
    %select_n3A_675 = arith.select %gt3A_669, %div3A_672, %broadcast_in_dim3A_674 : vector<1x128xi1>, vector<1x128xf32>
    %sub3A_676 = arith.constant 1.000000e+00 : f32
    %sub3A_677 = vector.broadcast %sub3A_676 : f32 to vector<1x128xf32>
    %sub3A_678 = arith.subf %sub3A_677, %select_n3A_675 : vector<1x128xf32>
    %sub3A_679 = arith.subf %sub3A_657, %sub3A_678 : vector<1x128xf32>
    %mul3A_680 = arith.mulf %mul3A_18, %sub3A_679 : vector<1x128xf32>
    %squeeze3A_681 = vector.extract %slice3A_636[0, 0] : f32 from vector<1x1xf32>
    %gt3A_682 = arith.constant 0.000000e+00 : f32
    %gt3A_683 = arith.cmpf ogt, %squeeze3A_681, %gt3A_682 : f32
    %convert_element_type3A_684 = arith.extui %gt3A_683 : i1 to i32
    %convert_element_type3A_685 = arith.sitofp %convert_element_type3A_684 : i32 to f32
    %reduce_sum3A_686 = vector.shape_cast %mul3A_680 : vector<1x128xf32> to vector<1x1x128xf32>
    %reduce_sum3A_687 = arith.constant dense<0.000000e+00> : vector<1xf32>
    %reduce_sum3A_688 = vector.multi_reduction <add>, %reduce_sum3A_686, %reduce_sum3A_687 [1, 2] : vector<1x1x128xf32> to vector<1xf32>
    %reduce_sum3A_689 = vector.shape_cast %reduce_sum3A_688 : vector<1xf32> to vector<1x1x1xf32>
    %reduce_sum3A_690 = vector.extract %reduce_sum3A_689[0, 0, 0] : f32 from vector<1x1x1xf32>
    %mul3A_691 = arith.mulf %reduce_sum3A_690, %convert_element_type3A_685 : f32
    %add3A_692 = arith.addf %add3A_624, %mul3A_691 : f32
    %add3A_693 = arith.addf %add3A_625, %convert_element_type3A_685 : f32
    %slice3A_694 = vector.extract_strided_slice %broadcast_in_dim3A {offsets = [0, 20480], sizes = [1, 2048], strides = [1, 1]} : vector<1x38912xf32> to vector<1x2048xf32>
    %slice3A_695 = vector.extract_strided_slice %broadcast_in_dim3A_10 {offsets = [0, 20480], sizes = [1, 2048], strides = [1, 1]} : vector<1x38912xf32> to vector<1x2048xf32>
    %dot_general3A_696 = arith.constant dense<0.000000e+00> : vector<1x128xf32>
    %dot_general3A_697 = tpu.matmul %slice3A_694, %get3A_13, %dot_general3A_696 {dimension_numbers = #tpu.dot_dimension_numbers<[1], [0], [0], [1], [0, 0, 1, 1], [], []>, transpose_lhs_hint = false} : vector<1x2048xf32>, vector<2048x128xf32>, vector<1x128xf32> -> vector<1x128xf32>
    %dot_general3A_698 = arith.constant dense<0.000000e+00> : vector<1x128xf32>
    %dot_general3A_699 = tpu.matmul %slice3A_695, %get3A_13, %dot_general3A_698 {dimension_numbers = #tpu.dot_dimension_numbers<[1], [0], [0], [1], [0, 0, 1, 1], [], []>, transpose_lhs_hint = false} : vector<1x2048xf32>, vector<2048x128xf32>, vector<1x128xf32> -> vector<1x128xf32>
    %slice3A_700 = vector.extract_strided_slice %dot_general3A_697 {offsets = [0, 1], sizes = [1, 127], strides = [1, 1]} : vector<1x128xf32> to vector<1x127xf32>
    %concatenate3A_701 = tpu.concatenate %slice3A_700, %broadcast_in_dim3A_20 in 1 : vector<1x127xf32>, vector<1x1xf32> -> vector<1x128xf32>
    %slice3A_702 = vector.extract_strided_slice %dot_general3A_699 {offsets = [0, 1], sizes = [1, 127], strides = [1, 1]} : vector<1x128xf32> to vector<1x127xf32>
    %concatenate3A_703 = tpu.concatenate %slice3A_702, %broadcast_in_dim3A_20 in 1 : vector<1x127xf32>, vector<1x1xf32> -> vector<1x128xf32>
    %slice3A_704 = vector.extract_strided_slice %dot_general3A_699 {offsets = [0, 0], sizes = [1, 1], strides = [1, 1]} : vector<1x128xf32> to vector<1x1xf32>
    %add3A_705 = vector.broadcast %slice3A_704 : vector<1x1xf32> to vector<1x128xf32>
    %add3A_706 = arith.addf %add3A_705, %dot_general3A_697 : vector<1x128xf32>
    %sub3A_707 = arith.subf %add3A_706, %dot_general3A_699 : vector<1x128xf32>
    %gt3A_708 = arith.constant 0.000000e+00 : f32
    %gt3A_709 = vector.broadcast %gt3A_708 : f32 to vector<1x128xf32>
    %gt3A_710 = arith.cmpf ogt, %sub3A_707, %gt3A_709 : vector<1x128xf32>
    %jit3A_711 = arith.constant 1.000000e+00 : f32
    %broadcast_in_dim3A_712 = vector.broadcast %jit3A_711 : f32 to vector<1x128xf32>
    %select_n3A_713 = arith.select %gt3A_710, %sub3A_707, %broadcast_in_dim3A_712 : vector<1x128xi1>, vector<1x128xf32>
    %gt3A_714 = arith.constant 0.000000e+00 : f32
    %gt3A_715 = vector.broadcast %gt3A_714 : f32 to vector<1x128xf32>
    %gt3A_716 = arith.cmpf ogt, %sub3A_707, %gt3A_715 : vector<1x128xf32>
    %sub3A_717 = vector.broadcast %slice3A_704 : vector<1x1xf32> to vector<1x128xf32>
    %sub3A_718 = arith.subf %sub3A_717, %dot_general3A_699 : vector<1x128xf32>
    %div3A_719 = arith.divf %sub3A_718, %select_n3A_713 : vector<1x128xf32>
    %jit3A_720 = arith.constant 1.000000e+00 : f32
    %broadcast_in_dim3A_721 = vector.broadcast %jit3A_720 : f32 to vector<1x128xf32>
    %select_n3A_722 = arith.select %gt3A_716, %div3A_719, %broadcast_in_dim3A_721 : vector<1x128xi1>, vector<1x128xf32>
    %sub3A_723 = arith.constant 1.000000e+00 : f32
    %sub3A_724 = vector.broadcast %sub3A_723 : f32 to vector<1x128xf32>
    %sub3A_725 = arith.subf %sub3A_724, %select_n3A_722 : vector<1x128xf32>
    %add3A_726 = vector.broadcast %slice3A_704 : vector<1x1xf32> to vector<1x128xf32>
    %add3A_727 = arith.addf %add3A_726, %concatenate3A_701 : vector<1x128xf32>
    %sub3A_728 = arith.subf %add3A_727, %concatenate3A_703 : vector<1x128xf32>
    %gt3A_729 = arith.constant 0.000000e+00 : f32
    %gt3A_730 = vector.broadcast %gt3A_729 : f32 to vector<1x128xf32>
    %gt3A_731 = arith.cmpf ogt, %sub3A_728, %gt3A_730 : vector<1x128xf32>
    %jit3A_732 = arith.constant 1.000000e+00 : f32
    %broadcast_in_dim3A_733 = vector.broadcast %jit3A_732 : f32 to vector<1x128xf32>
    %select_n3A_734 = arith.select %gt3A_731, %sub3A_728, %broadcast_in_dim3A_733 : vector<1x128xi1>, vector<1x128xf32>
    %gt3A_735 = arith.constant 0.000000e+00 : f32
    %gt3A_736 = vector.broadcast %gt3A_735 : f32 to vector<1x128xf32>
    %gt3A_737 = arith.cmpf ogt, %sub3A_728, %gt3A_736 : vector<1x128xf32>
    %sub3A_738 = vector.broadcast %slice3A_704 : vector<1x1xf32> to vector<1x128xf32>
    %sub3A_739 = arith.subf %sub3A_738, %concatenate3A_703 : vector<1x128xf32>
    %div3A_740 = arith.divf %sub3A_739, %select_n3A_734 : vector<1x128xf32>
    %jit3A_741 = arith.constant 1.000000e+00 : f32
    %broadcast_in_dim3A_742 = vector.broadcast %jit3A_741 : f32 to vector<1x128xf32>
    %select_n3A_743 = arith.select %gt3A_737, %div3A_740, %broadcast_in_dim3A_742 : vector<1x128xi1>, vector<1x128xf32>
    %sub3A_744 = arith.constant 1.000000e+00 : f32
    %sub3A_745 = vector.broadcast %sub3A_744 : f32 to vector<1x128xf32>
    %sub3A_746 = arith.subf %sub3A_745, %select_n3A_743 : vector<1x128xf32>
    %sub3A_747 = arith.subf %sub3A_725, %sub3A_746 : vector<1x128xf32>
    %mul3A_748 = arith.mulf %mul3A_18, %sub3A_747 : vector<1x128xf32>
    %squeeze3A_749 = vector.extract %slice3A_704[0, 0] : f32 from vector<1x1xf32>
    %gt3A_750 = arith.constant 0.000000e+00 : f32
    %gt3A_751 = arith.cmpf ogt, %squeeze3A_749, %gt3A_750 : f32
    %convert_element_type3A_752 = arith.extui %gt3A_751 : i1 to i32
    %convert_element_type3A_753 = arith.sitofp %convert_element_type3A_752 : i32 to f32
    %reduce_sum3A_754 = vector.shape_cast %mul3A_748 : vector<1x128xf32> to vector<1x1x128xf32>
    %reduce_sum3A_755 = arith.constant dense<0.000000e+00> : vector<1xf32>
    %reduce_sum3A_756 = vector.multi_reduction <add>, %reduce_sum3A_754, %reduce_sum3A_755 [1, 2] : vector<1x1x128xf32> to vector<1xf32>
    %reduce_sum3A_757 = vector.shape_cast %reduce_sum3A_756 : vector<1xf32> to vector<1x1x1xf32>
    %reduce_sum3A_758 = vector.extract %reduce_sum3A_757[0, 0, 0] : f32 from vector<1x1x1xf32>
    %mul3A_759 = arith.mulf %reduce_sum3A_758, %convert_element_type3A_753 : f32
    %add3A_760 = arith.addf %add3A_692, %mul3A_759 : f32
    %add3A_761 = arith.addf %add3A_693, %convert_element_type3A_753 : f32
    %slice3A_762 = vector.extract_strided_slice %broadcast_in_dim3A {offsets = [0, 22528], sizes = [1, 2048], strides = [1, 1]} : vector<1x38912xf32> to vector<1x2048xf32>
    %slice3A_763 = vector.extract_strided_slice %broadcast_in_dim3A_10 {offsets = [0, 22528], sizes = [1, 2048], strides = [1, 1]} : vector<1x38912xf32> to vector<1x2048xf32>
    %dot_general3A_764 = arith.constant dense<0.000000e+00> : vector<1x128xf32>
    %dot_general3A_765 = tpu.matmul %slice3A_762, %get3A_13, %dot_general3A_764 {dimension_numbers = #tpu.dot_dimension_numbers<[1], [0], [0], [1], [0, 0, 1, 1], [], []>, transpose_lhs_hint = false} : vector<1x2048xf32>, vector<2048x128xf32>, vector<1x128xf32> -> vector<1x128xf32>
    %dot_general3A_766 = arith.constant dense<0.000000e+00> : vector<1x128xf32>
    %dot_general3A_767 = tpu.matmul %slice3A_763, %get3A_13, %dot_general3A_766 {dimension_numbers = #tpu.dot_dimension_numbers<[1], [0], [0], [1], [0, 0, 1, 1], [], []>, transpose_lhs_hint = false} : vector<1x2048xf32>, vector<2048x128xf32>, vector<1x128xf32> -> vector<1x128xf32>
    %slice3A_768 = vector.extract_strided_slice %dot_general3A_765 {offsets = [0, 1], sizes = [1, 127], strides = [1, 1]} : vector<1x128xf32> to vector<1x127xf32>
    %concatenate3A_769 = tpu.concatenate %slice3A_768, %broadcast_in_dim3A_20 in 1 : vector<1x127xf32>, vector<1x1xf32> -> vector<1x128xf32>
    %slice3A_770 = vector.extract_strided_slice %dot_general3A_767 {offsets = [0, 1], sizes = [1, 127], strides = [1, 1]} : vector<1x128xf32> to vector<1x127xf32>
    %concatenate3A_771 = tpu.concatenate %slice3A_770, %broadcast_in_dim3A_20 in 1 : vector<1x127xf32>, vector<1x1xf32> -> vector<1x128xf32>
    %slice3A_772 = vector.extract_strided_slice %dot_general3A_767 {offsets = [0, 0], sizes = [1, 1], strides = [1, 1]} : vector<1x128xf32> to vector<1x1xf32>
    %add3A_773 = vector.broadcast %slice3A_772 : vector<1x1xf32> to vector<1x128xf32>
    %add3A_774 = arith.addf %add3A_773, %dot_general3A_765 : vector<1x128xf32>
    %sub3A_775 = arith.subf %add3A_774, %dot_general3A_767 : vector<1x128xf32>
    %gt3A_776 = arith.constant 0.000000e+00 : f32
    %gt3A_777 = vector.broadcast %gt3A_776 : f32 to vector<1x128xf32>
    %gt3A_778 = arith.cmpf ogt, %sub3A_775, %gt3A_777 : vector<1x128xf32>
    %jit3A_779 = arith.constant 1.000000e+00 : f32
    %broadcast_in_dim3A_780 = vector.broadcast %jit3A_779 : f32 to vector<1x128xf32>
    %select_n3A_781 = arith.select %gt3A_778, %sub3A_775, %broadcast_in_dim3A_780 : vector<1x128xi1>, vector<1x128xf32>
    %gt3A_782 = arith.constant 0.000000e+00 : f32
    %gt3A_783 = vector.broadcast %gt3A_782 : f32 to vector<1x128xf32>
    %gt3A_784 = arith.cmpf ogt, %sub3A_775, %gt3A_783 : vector<1x128xf32>
    %sub3A_785 = vector.broadcast %slice3A_772 : vector<1x1xf32> to vector<1x128xf32>
    %sub3A_786 = arith.subf %sub3A_785, %dot_general3A_767 : vector<1x128xf32>
    %div3A_787 = arith.divf %sub3A_786, %select_n3A_781 : vector<1x128xf32>
    %jit3A_788 = arith.constant 1.000000e+00 : f32
    %broadcast_in_dim3A_789 = vector.broadcast %jit3A_788 : f32 to vector<1x128xf32>
    %select_n3A_790 = arith.select %gt3A_784, %div3A_787, %broadcast_in_dim3A_789 : vector<1x128xi1>, vector<1x128xf32>
    %sub3A_791 = arith.constant 1.000000e+00 : f32
    %sub3A_792 = vector.broadcast %sub3A_791 : f32 to vector<1x128xf32>
    %sub3A_793 = arith.subf %sub3A_792, %select_n3A_790 : vector<1x128xf32>
    %add3A_794 = vector.broadcast %slice3A_772 : vector<1x1xf32> to vector<1x128xf32>
    %add3A_795 = arith.addf %add3A_794, %concatenate3A_769 : vector<1x128xf32>
    %sub3A_796 = arith.subf %add3A_795, %concatenate3A_771 : vector<1x128xf32>
    %gt3A_797 = arith.constant 0.000000e+00 : f32
    %gt3A_798 = vector.broadcast %gt3A_797 : f32 to vector<1x128xf32>
    %gt3A_799 = arith.cmpf ogt, %sub3A_796, %gt3A_798 : vector<1x128xf32>
    %jit3A_800 = arith.constant 1.000000e+00 : f32
    %broadcast_in_dim3A_801 = vector.broadcast %jit3A_800 : f32 to vector<1x128xf32>
    %select_n3A_802 = arith.select %gt3A_799, %sub3A_796, %broadcast_in_dim3A_801 : vector<1x128xi1>, vector<1x128xf32>
    %gt3A_803 = arith.constant 0.000000e+00 : f32
    %gt3A_804 = vector.broadcast %gt3A_803 : f32 to vector<1x128xf32>
    %gt3A_805 = arith.cmpf ogt, %sub3A_796, %gt3A_804 : vector<1x128xf32>
    %sub3A_806 = vector.broadcast %slice3A_772 : vector<1x1xf32> to vector<1x128xf32>
    %sub3A_807 = arith.subf %sub3A_806, %concatenate3A_771 : vector<1x128xf32>
    %div3A_808 = arith.divf %sub3A_807, %select_n3A_802 : vector<1x128xf32>
    %jit3A_809 = arith.constant 1.000000e+00 : f32
    %broadcast_in_dim3A_810 = vector.broadcast %jit3A_809 : f32 to vector<1x128xf32>
    %select_n3A_811 = arith.select %gt3A_805, %div3A_808, %broadcast_in_dim3A_810 : vector<1x128xi1>, vector<1x128xf32>
    %sub3A_812 = arith.constant 1.000000e+00 : f32
    %sub3A_813 = vector.broadcast %sub3A_812 : f32 to vector<1x128xf32>
    %sub3A_814 = arith.subf %sub3A_813, %select_n3A_811 : vector<1x128xf32>
    %sub3A_815 = arith.subf %sub3A_793, %sub3A_814 : vector<1x128xf32>
    %mul3A_816 = arith.mulf %mul3A_18, %sub3A_815 : vector<1x128xf32>
    %squeeze3A_817 = vector.extract %slice3A_772[0, 0] : f32 from vector<1x1xf32>
    %gt3A_818 = arith.constant 0.000000e+00 : f32
    %gt3A_819 = arith.cmpf ogt, %squeeze3A_817, %gt3A_818 : f32
    %convert_element_type3A_820 = arith.extui %gt3A_819 : i1 to i32
    %convert_element_type3A_821 = arith.sitofp %convert_element_type3A_820 : i32 to f32
    %reduce_sum3A_822 = vector.shape_cast %mul3A_816 : vector<1x128xf32> to vector<1x1x128xf32>
    %reduce_sum3A_823 = arith.constant dense<0.000000e+00> : vector<1xf32>
    %reduce_sum3A_824 = vector.multi_reduction <add>, %reduce_sum3A_822, %reduce_sum3A_823 [1, 2] : vector<1x1x128xf32> to vector<1xf32>
    %reduce_sum3A_825 = vector.shape_cast %reduce_sum3A_824 : vector<1xf32> to vector<1x1x1xf32>
    %reduce_sum3A_826 = vector.extract %reduce_sum3A_825[0, 0, 0] : f32 from vector<1x1x1xf32>
    %mul3A_827 = arith.mulf %reduce_sum3A_826, %convert_element_type3A_821 : f32
    %add3A_828 = arith.addf %add3A_760, %mul3A_827 : f32
    %add3A_829 = arith.addf %add3A_761, %convert_element_type3A_821 : f32
    %slice3A_830 = vector.extract_strided_slice %broadcast_in_dim3A {offsets = [0, 24576], sizes = [1, 2048], strides = [1, 1]} : vector<1x38912xf32> to vector<1x2048xf32>
    %slice3A_831 = vector.extract_strided_slice %broadcast_in_dim3A_10 {offsets = [0, 24576], sizes = [1, 2048], strides = [1, 1]} : vector<1x38912xf32> to vector<1x2048xf32>
    %dot_general3A_832 = arith.constant dense<0.000000e+00> : vector<1x128xf32>
    %dot_general3A_833 = tpu.matmul %slice3A_830, %get3A_13, %dot_general3A_832 {dimension_numbers = #tpu.dot_dimension_numbers<[1], [0], [0], [1], [0, 0, 1, 1], [], []>, transpose_lhs_hint = false} : vector<1x2048xf32>, vector<2048x128xf32>, vector<1x128xf32> -> vector<1x128xf32>
    %dot_general3A_834 = arith.constant dense<0.000000e+00> : vector<1x128xf32>
    %dot_general3A_835 = tpu.matmul %slice3A_831, %get3A_13, %dot_general3A_834 {dimension_numbers = #tpu.dot_dimension_numbers<[1], [0], [0], [1], [0, 0, 1, 1], [], []>, transpose_lhs_hint = false} : vector<1x2048xf32>, vector<2048x128xf32>, vector<1x128xf32> -> vector<1x128xf32>
    %slice3A_836 = vector.extract_strided_slice %dot_general3A_833 {offsets = [0, 1], sizes = [1, 127], strides = [1, 1]} : vector<1x128xf32> to vector<1x127xf32>
    %concatenate3A_837 = tpu.concatenate %slice3A_836, %broadcast_in_dim3A_20 in 1 : vector<1x127xf32>, vector<1x1xf32> -> vector<1x128xf32>
    %slice3A_838 = vector.extract_strided_slice %dot_general3A_835 {offsets = [0, 1], sizes = [1, 127], strides = [1, 1]} : vector<1x128xf32> to vector<1x127xf32>
    %concatenate3A_839 = tpu.concatenate %slice3A_838, %broadcast_in_dim3A_20 in 1 : vector<1x127xf32>, vector<1x1xf32> -> vector<1x128xf32>
    %slice3A_840 = vector.extract_strided_slice %dot_general3A_835 {offsets = [0, 0], sizes = [1, 1], strides = [1, 1]} : vector<1x128xf32> to vector<1x1xf32>
    %add3A_841 = vector.broadcast %slice3A_840 : vector<1x1xf32> to vector<1x128xf32>
    %add3A_842 = arith.addf %add3A_841, %dot_general3A_833 : vector<1x128xf32>
    %sub3A_843 = arith.subf %add3A_842, %dot_general3A_835 : vector<1x128xf32>
    %gt3A_844 = arith.constant 0.000000e+00 : f32
    %gt3A_845 = vector.broadcast %gt3A_844 : f32 to vector<1x128xf32>
    %gt3A_846 = arith.cmpf ogt, %sub3A_843, %gt3A_845 : vector<1x128xf32>
    %jit3A_847 = arith.constant 1.000000e+00 : f32
    %broadcast_in_dim3A_848 = vector.broadcast %jit3A_847 : f32 to vector<1x128xf32>
    %select_n3A_849 = arith.select %gt3A_846, %sub3A_843, %broadcast_in_dim3A_848 : vector<1x128xi1>, vector<1x128xf32>
    %gt3A_850 = arith.constant 0.000000e+00 : f32
    %gt3A_851 = vector.broadcast %gt3A_850 : f32 to vector<1x128xf32>
    %gt3A_852 = arith.cmpf ogt, %sub3A_843, %gt3A_851 : vector<1x128xf32>
    %sub3A_853 = vector.broadcast %slice3A_840 : vector<1x1xf32> to vector<1x128xf32>
    %sub3A_854 = arith.subf %sub3A_853, %dot_general3A_835 : vector<1x128xf32>
    %div3A_855 = arith.divf %sub3A_854, %select_n3A_849 : vector<1x128xf32>
    %jit3A_856 = arith.constant 1.000000e+00 : f32
    %broadcast_in_dim3A_857 = vector.broadcast %jit3A_856 : f32 to vector<1x128xf32>
    %select_n3A_858 = arith.select %gt3A_852, %div3A_855, %broadcast_in_dim3A_857 : vector<1x128xi1>, vector<1x128xf32>
    %sub3A_859 = arith.constant 1.000000e+00 : f32
    %sub3A_860 = vector.broadcast %sub3A_859 : f32 to vector<1x128xf32>
    %sub3A_861 = arith.subf %sub3A_860, %select_n3A_858 : vector<1x128xf32>
    %add3A_862 = vector.broadcast %slice3A_840 : vector<1x1xf32> to vector<1x128xf32>
    %add3A_863 = arith.addf %add3A_862, %concatenate3A_837 : vector<1x128xf32>
    %sub3A_864 = arith.subf %add3A_863, %concatenate3A_839 : vector<1x128xf32>
    %gt3A_865 = arith.constant 0.000000e+00 : f32
    %gt3A_866 = vector.broadcast %gt3A_865 : f32 to vector<1x128xf32>
    %gt3A_867 = arith.cmpf ogt, %sub3A_864, %gt3A_866 : vector<1x128xf32>
    %jit3A_868 = arith.constant 1.000000e+00 : f32
    %broadcast_in_dim3A_869 = vector.broadcast %jit3A_868 : f32 to vector<1x128xf32>
    %select_n3A_870 = arith.select %gt3A_867, %sub3A_864, %broadcast_in_dim3A_869 : vector<1x128xi1>, vector<1x128xf32>
    %gt3A_871 = arith.constant 0.000000e+00 : f32
    %gt3A_872 = vector.broadcast %gt3A_871 : f32 to vector<1x128xf32>
    %gt3A_873 = arith.cmpf ogt, %sub3A_864, %gt3A_872 : vector<1x128xf32>
    %sub3A_874 = vector.broadcast %slice3A_840 : vector<1x1xf32> to vector<1x128xf32>
    %sub3A_875 = arith.subf %sub3A_874, %concatenate3A_839 : vector<1x128xf32>
    %div3A_876 = arith.divf %sub3A_875, %select_n3A_870 : vector<1x128xf32>
    %jit3A_877 = arith.constant 1.000000e+00 : f32
    %broadcast_in_dim3A_878 = vector.broadcast %jit3A_877 : f32 to vector<1x128xf32>
    %select_n3A_879 = arith.select %gt3A_873, %div3A_876, %broadcast_in_dim3A_878 : vector<1x128xi1>, vector<1x128xf32>
    %sub3A_880 = arith.constant 1.000000e+00 : f32
    %sub3A_881 = vector.broadcast %sub3A_880 : f32 to vector<1x128xf32>
    %sub3A_882 = arith.subf %sub3A_881, %select_n3A_879 : vector<1x128xf32>
    %sub3A_883 = arith.subf %sub3A_861, %sub3A_882 : vector<1x128xf32>
    %mul3A_884 = arith.mulf %mul3A_18, %sub3A_883 : vector<1x128xf32>
    %squeeze3A_885 = vector.extract %slice3A_840[0, 0] : f32 from vector<1x1xf32>
    %gt3A_886 = arith.constant 0.000000e+00 : f32
    %gt3A_887 = arith.cmpf ogt, %squeeze3A_885, %gt3A_886 : f32
    %convert_element_type3A_888 = arith.extui %gt3A_887 : i1 to i32
    %convert_element_type3A_889 = arith.sitofp %convert_element_type3A_888 : i32 to f32
    %reduce_sum3A_890 = vector.shape_cast %mul3A_884 : vector<1x128xf32> to vector<1x1x128xf32>
    %reduce_sum3A_891 = arith.constant dense<0.000000e+00> : vector<1xf32>
    %reduce_sum3A_892 = vector.multi_reduction <add>, %reduce_sum3A_890, %reduce_sum3A_891 [1, 2] : vector<1x1x128xf32> to vector<1xf32>
    %reduce_sum3A_893 = vector.shape_cast %reduce_sum3A_892 : vector<1xf32> to vector<1x1x1xf32>
    %reduce_sum3A_894 = vector.extract %reduce_sum3A_893[0, 0, 0] : f32 from vector<1x1x1xf32>
    %mul3A_895 = arith.mulf %reduce_sum3A_894, %convert_element_type3A_889 : f32
    %add3A_896 = arith.addf %add3A_828, %mul3A_895 : f32
    %add3A_897 = arith.addf %add3A_829, %convert_element_type3A_889 : f32
    %slice3A_898 = vector.extract_strided_slice %broadcast_in_dim3A {offsets = [0, 26624], sizes = [1, 2048], strides = [1, 1]} : vector<1x38912xf32> to vector<1x2048xf32>
    %slice3A_899 = vector.extract_strided_slice %broadcast_in_dim3A_10 {offsets = [0, 26624], sizes = [1, 2048], strides = [1, 1]} : vector<1x38912xf32> to vector<1x2048xf32>
    %dot_general3A_900 = arith.constant dense<0.000000e+00> : vector<1x128xf32>
    %dot_general3A_901 = tpu.matmul %slice3A_898, %get3A_13, %dot_general3A_900 {dimension_numbers = #tpu.dot_dimension_numbers<[1], [0], [0], [1], [0, 0, 1, 1], [], []>, transpose_lhs_hint = false} : vector<1x2048xf32>, vector<2048x128xf32>, vector<1x128xf32> -> vector<1x128xf32>
    %dot_general3A_902 = arith.constant dense<0.000000e+00> : vector<1x128xf32>
    %dot_general3A_903 = tpu.matmul %slice3A_899, %get3A_13, %dot_general3A_902 {dimension_numbers = #tpu.dot_dimension_numbers<[1], [0], [0], [1], [0, 0, 1, 1], [], []>, transpose_lhs_hint = false} : vector<1x2048xf32>, vector<2048x128xf32>, vector<1x128xf32> -> vector<1x128xf32>
    %slice3A_904 = vector.extract_strided_slice %dot_general3A_901 {offsets = [0, 1], sizes = [1, 127], strides = [1, 1]} : vector<1x128xf32> to vector<1x127xf32>
    %concatenate3A_905 = tpu.concatenate %slice3A_904, %broadcast_in_dim3A_20 in 1 : vector<1x127xf32>, vector<1x1xf32> -> vector<1x128xf32>
    %slice3A_906 = vector.extract_strided_slice %dot_general3A_903 {offsets = [0, 1], sizes = [1, 127], strides = [1, 1]} : vector<1x128xf32> to vector<1x127xf32>
    %concatenate3A_907 = tpu.concatenate %slice3A_906, %broadcast_in_dim3A_20 in 1 : vector<1x127xf32>, vector<1x1xf32> -> vector<1x128xf32>
    %slice3A_908 = vector.extract_strided_slice %dot_general3A_903 {offsets = [0, 0], sizes = [1, 1], strides = [1, 1]} : vector<1x128xf32> to vector<1x1xf32>
    %add3A_909 = vector.broadcast %slice3A_908 : vector<1x1xf32> to vector<1x128xf32>
    %add3A_910 = arith.addf %add3A_909, %dot_general3A_901 : vector<1x128xf32>
    %sub3A_911 = arith.subf %add3A_910, %dot_general3A_903 : vector<1x128xf32>
    %gt3A_912 = arith.constant 0.000000e+00 : f32
    %gt3A_913 = vector.broadcast %gt3A_912 : f32 to vector<1x128xf32>
    %gt3A_914 = arith.cmpf ogt, %sub3A_911, %gt3A_913 : vector<1x128xf32>
    %jit3A_915 = arith.constant 1.000000e+00 : f32
    %broadcast_in_dim3A_916 = vector.broadcast %jit3A_915 : f32 to vector<1x128xf32>
    %select_n3A_917 = arith.select %gt3A_914, %sub3A_911, %broadcast_in_dim3A_916 : vector<1x128xi1>, vector<1x128xf32>
    %gt3A_918 = arith.constant 0.000000e+00 : f32
    %gt3A_919 = vector.broadcast %gt3A_918 : f32 to vector<1x128xf32>
    %gt3A_920 = arith.cmpf ogt, %sub3A_911, %gt3A_919 : vector<1x128xf32>
    %sub3A_921 = vector.broadcast %slice3A_908 : vector<1x1xf32> to vector<1x128xf32>
    %sub3A_922 = arith.subf %sub3A_921, %dot_general3A_903 : vector<1x128xf32>
    %div3A_923 = arith.divf %sub3A_922, %select_n3A_917 : vector<1x128xf32>
    %jit3A_924 = arith.constant 1.000000e+00 : f32
    %broadcast_in_dim3A_925 = vector.broadcast %jit3A_924 : f32 to vector<1x128xf32>
    %select_n3A_926 = arith.select %gt3A_920, %div3A_923, %broadcast_in_dim3A_925 : vector<1x128xi1>, vector<1x128xf32>
    %sub3A_927 = arith.constant 1.000000e+00 : f32
    %sub3A_928 = vector.broadcast %sub3A_927 : f32 to vector<1x128xf32>
    %sub3A_929 = arith.subf %sub3A_928, %select_n3A_926 : vector<1x128xf32>
    %add3A_930 = vector.broadcast %slice3A_908 : vector<1x1xf32> to vector<1x128xf32>
    %add3A_931 = arith.addf %add3A_930, %concatenate3A_905 : vector<1x128xf32>
    %sub3A_932 = arith.subf %add3A_931, %concatenate3A_907 : vector<1x128xf32>
    %gt3A_933 = arith.constant 0.000000e+00 : f32
    %gt3A_934 = vector.broadcast %gt3A_933 : f32 to vector<1x128xf32>
    %gt3A_935 = arith.cmpf ogt, %sub3A_932, %gt3A_934 : vector<1x128xf32>
    %jit3A_936 = arith.constant 1.000000e+00 : f32
    %broadcast_in_dim3A_937 = vector.broadcast %jit3A_936 : f32 to vector<1x128xf32>
    %select_n3A_938 = arith.select %gt3A_935, %sub3A_932, %broadcast_in_dim3A_937 : vector<1x128xi1>, vector<1x128xf32>
    %gt3A_939 = arith.constant 0.000000e+00 : f32
    %gt3A_940 = vector.broadcast %gt3A_939 : f32 to vector<1x128xf32>
    %gt3A_941 = arith.cmpf ogt, %sub3A_932, %gt3A_940 : vector<1x128xf32>
    %sub3A_942 = vector.broadcast %slice3A_908 : vector<1x1xf32> to vector<1x128xf32>
    %sub3A_943 = arith.subf %sub3A_942, %concatenate3A_907 : vector<1x128xf32>
    %div3A_944 = arith.divf %sub3A_943, %select_n3A_938 : vector<1x128xf32>
    %jit3A_945 = arith.constant 1.000000e+00 : f32
    %broadcast_in_dim3A_946 = vector.broadcast %jit3A_945 : f32 to vector<1x128xf32>
    %select_n3A_947 = arith.select %gt3A_941, %div3A_944, %broadcast_in_dim3A_946 : vector<1x128xi1>, vector<1x128xf32>
    %sub3A_948 = arith.constant 1.000000e+00 : f32
    %sub3A_949 = vector.broadcast %sub3A_948 : f32 to vector<1x128xf32>
    %sub3A_950 = arith.subf %sub3A_949, %select_n3A_947 : vector<1x128xf32>
    %sub3A_951 = arith.subf %sub3A_929, %sub3A_950 : vector<1x128xf32>
    %mul3A_952 = arith.mulf %mul3A_18, %sub3A_951 : vector<1x128xf32>
    %squeeze3A_953 = vector.extract %slice3A_908[0, 0] : f32 from vector<1x1xf32>
    %gt3A_954 = arith.constant 0.000000e+00 : f32
    %gt3A_955 = arith.cmpf ogt, %squeeze3A_953, %gt3A_954 : f32
    %convert_element_type3A_956 = arith.extui %gt3A_955 : i1 to i32
    %convert_element_type3A_957 = arith.sitofp %convert_element_type3A_956 : i32 to f32
    %reduce_sum3A_958 = vector.shape_cast %mul3A_952 : vector<1x128xf32> to vector<1x1x128xf32>
    %reduce_sum3A_959 = arith.constant dense<0.000000e+00> : vector<1xf32>
    %reduce_sum3A_960 = vector.multi_reduction <add>, %reduce_sum3A_958, %reduce_sum3A_959 [1, 2] : vector<1x1x128xf32> to vector<1xf32>
    %reduce_sum3A_961 = vector.shape_cast %reduce_sum3A_960 : vector<1xf32> to vector<1x1x1xf32>
    %reduce_sum3A_962 = vector.extract %reduce_sum3A_961[0, 0, 0] : f32 from vector<1x1x1xf32>
    %mul3A_963 = arith.mulf %reduce_sum3A_962, %convert_element_type3A_957 : f32
    %add3A_964 = arith.addf %add3A_896, %mul3A_963 : f32
    %add3A_965 = arith.addf %add3A_897, %convert_element_type3A_957 : f32
    %slice3A_966 = vector.extract_strided_slice %broadcast_in_dim3A {offsets = [0, 28672], sizes = [1, 2048], strides = [1, 1]} : vector<1x38912xf32> to vector<1x2048xf32>
    %slice3A_967 = vector.extract_strided_slice %broadcast_in_dim3A_10 {offsets = [0, 28672], sizes = [1, 2048], strides = [1, 1]} : vector<1x38912xf32> to vector<1x2048xf32>
    %dot_general3A_968 = arith.constant dense<0.000000e+00> : vector<1x128xf32>
    %dot_general3A_969 = tpu.matmul %slice3A_966, %get3A_13, %dot_general3A_968 {dimension_numbers = #tpu.dot_dimension_numbers<[1], [0], [0], [1], [0, 0, 1, 1], [], []>, transpose_lhs_hint = false} : vector<1x2048xf32>, vector<2048x128xf32>, vector<1x128xf32> -> vector<1x128xf32>
    %dot_general3A_970 = arith.constant dense<0.000000e+00> : vector<1x128xf32>
    %dot_general3A_971 = tpu.matmul %slice3A_967, %get3A_13, %dot_general3A_970 {dimension_numbers = #tpu.dot_dimension_numbers<[1], [0], [0], [1], [0, 0, 1, 1], [], []>, transpose_lhs_hint = false} : vector<1x2048xf32>, vector<2048x128xf32>, vector<1x128xf32> -> vector<1x128xf32>
    %slice3A_972 = vector.extract_strided_slice %dot_general3A_969 {offsets = [0, 1], sizes = [1, 127], strides = [1, 1]} : vector<1x128xf32> to vector<1x127xf32>
    %concatenate3A_973 = tpu.concatenate %slice3A_972, %broadcast_in_dim3A_20 in 1 : vector<1x127xf32>, vector<1x1xf32> -> vector<1x128xf32>
    %slice3A_974 = vector.extract_strided_slice %dot_general3A_971 {offsets = [0, 1], sizes = [1, 127], strides = [1, 1]} : vector<1x128xf32> to vector<1x127xf32>
    %concatenate3A_975 = tpu.concatenate %slice3A_974, %broadcast_in_dim3A_20 in 1 : vector<1x127xf32>, vector<1x1xf32> -> vector<1x128xf32>
    %slice3A_976 = vector.extract_strided_slice %dot_general3A_971 {offsets = [0, 0], sizes = [1, 1], strides = [1, 1]} : vector<1x128xf32> to vector<1x1xf32>
    %add3A_977 = vector.broadcast %slice3A_976 : vector<1x1xf32> to vector<1x128xf32>
    %add3A_978 = arith.addf %add3A_977, %dot_general3A_969 : vector<1x128xf32>
    %sub3A_979 = arith.subf %add3A_978, %dot_general3A_971 : vector<1x128xf32>
    %gt3A_980 = arith.constant 0.000000e+00 : f32
    %gt3A_981 = vector.broadcast %gt3A_980 : f32 to vector<1x128xf32>
    %gt3A_982 = arith.cmpf ogt, %sub3A_979, %gt3A_981 : vector<1x128xf32>
    %jit3A_983 = arith.constant 1.000000e+00 : f32
    %broadcast_in_dim3A_984 = vector.broadcast %jit3A_983 : f32 to vector<1x128xf32>
    %select_n3A_985 = arith.select %gt3A_982, %sub3A_979, %broadcast_in_dim3A_984 : vector<1x128xi1>, vector<1x128xf32>
    %gt3A_986 = arith.constant 0.000000e+00 : f32
    %gt3A_987 = vector.broadcast %gt3A_986 : f32 to vector<1x128xf32>
    %gt3A_988 = arith.cmpf ogt, %sub3A_979, %gt3A_987 : vector<1x128xf32>
    %sub3A_989 = vector.broadcast %slice3A_976 : vector<1x1xf32> to vector<1x128xf32>
    %sub3A_990 = arith.subf %sub3A_989, %dot_general3A_971 : vector<1x128xf32>
    %div3A_991 = arith.divf %sub3A_990, %select_n3A_985 : vector<1x128xf32>
    %jit3A_992 = arith.constant 1.000000e+00 : f32
    %broadcast_in_dim3A_993 = vector.broadcast %jit3A_992 : f32 to vector<1x128xf32>
    %select_n3A_994 = arith.select %gt3A_988, %div3A_991, %broadcast_in_dim3A_993 : vector<1x128xi1>, vector<1x128xf32>
    %sub3A_995 = arith.constant 1.000000e+00 : f32
    %sub3A_996 = vector.broadcast %sub3A_995 : f32 to vector<1x128xf32>
    %sub3A_997 = arith.subf %sub3A_996, %select_n3A_994 : vector<1x128xf32>
    %add3A_998 = vector.broadcast %slice3A_976 : vector<1x1xf32> to vector<1x128xf32>
    %add3A_999 = arith.addf %add3A_998, %concatenate3A_973 : vector<1x128xf32>
    %sub3A_1000 = arith.subf %add3A_999, %concatenate3A_975 : vector<1x128xf32>
    %gt3A_1001 = arith.constant 0.000000e+00 : f32
    %gt3A_1002 = vector.broadcast %gt3A_1001 : f32 to vector<1x128xf32>
    %gt3A_1003 = arith.cmpf ogt, %sub3A_1000, %gt3A_1002 : vector<1x128xf32>
    %jit3A_1004 = arith.constant 1.000000e+00 : f32
    %broadcast_in_dim3A_1005 = vector.broadcast %jit3A_1004 : f32 to vector<1x128xf32>
    %select_n3A_1006 = arith.select %gt3A_1003, %sub3A_1000, %broadcast_in_dim3A_1005 : vector<1x128xi1>, vector<1x128xf32>
    %gt3A_1007 = arith.constant 0.000000e+00 : f32
    %gt3A_1008 = vector.broadcast %gt3A_1007 : f32 to vector<1x128xf32>
    %gt3A_1009 = arith.cmpf ogt, %sub3A_1000, %gt3A_1008 : vector<1x128xf32>
    %sub3A_1010 = vector.broadcast %slice3A_976 : vector<1x1xf32> to vector<1x128xf32>
    %sub3A_1011 = arith.subf %sub3A_1010, %concatenate3A_975 : vector<1x128xf32>
    %div3A_1012 = arith.divf %sub3A_1011, %select_n3A_1006 : vector<1x128xf32>
    %jit3A_1013 = arith.constant 1.000000e+00 : f32
    %broadcast_in_dim3A_1014 = vector.broadcast %jit3A_1013 : f32 to vector<1x128xf32>
    %select_n3A_1015 = arith.select %gt3A_1009, %div3A_1012, %broadcast_in_dim3A_1014 : vector<1x128xi1>, vector<1x128xf32>
    %sub3A_1016 = arith.constant 1.000000e+00 : f32
    %sub3A_1017 = vector.broadcast %sub3A_1016 : f32 to vector<1x128xf32>
    %sub3A_1018 = arith.subf %sub3A_1017, %select_n3A_1015 : vector<1x128xf32>
    %sub3A_1019 = arith.subf %sub3A_997, %sub3A_1018 : vector<1x128xf32>
    %mul3A_1020 = arith.mulf %mul3A_18, %sub3A_1019 : vector<1x128xf32>
    %squeeze3A_1021 = vector.extract %slice3A_976[0, 0] : f32 from vector<1x1xf32>
    %gt3A_1022 = arith.constant 0.000000e+00 : f32
    %gt3A_1023 = arith.cmpf ogt, %squeeze3A_1021, %gt3A_1022 : f32
    %convert_element_type3A_1024 = arith.extui %gt3A_1023 : i1 to i32
    %convert_element_type3A_1025 = arith.sitofp %convert_element_type3A_1024 : i32 to f32
    %reduce_sum3A_1026 = vector.shape_cast %mul3A_1020 : vector<1x128xf32> to vector<1x1x128xf32>
    %reduce_sum3A_1027 = arith.constant dense<0.000000e+00> : vector<1xf32>
    %reduce_sum3A_1028 = vector.multi_reduction <add>, %reduce_sum3A_1026, %reduce_sum3A_1027 [1, 2] : vector<1x1x128xf32> to vector<1xf32>
    %reduce_sum3A_1029 = vector.shape_cast %reduce_sum3A_1028 : vector<1xf32> to vector<1x1x1xf32>
    %reduce_sum3A_1030 = vector.extract %reduce_sum3A_1029[0, 0, 0] : f32 from vector<1x1x1xf32>
    %mul3A_1031 = arith.mulf %reduce_sum3A_1030, %convert_element_type3A_1025 : f32
    %add3A_1032 = arith.addf %add3A_964, %mul3A_1031 : f32
    %add3A_1033 = arith.addf %add3A_965, %convert_element_type3A_1025 : f32
    %slice3A_1034 = vector.extract_strided_slice %broadcast_in_dim3A {offsets = [0, 30720], sizes = [1, 2048], strides = [1, 1]} : vector<1x38912xf32> to vector<1x2048xf32>
    %slice3A_1035 = vector.extract_strided_slice %broadcast_in_dim3A_10 {offsets = [0, 30720], sizes = [1, 2048], strides = [1, 1]} : vector<1x38912xf32> to vector<1x2048xf32>
    %dot_general3A_1036 = arith.constant dense<0.000000e+00> : vector<1x128xf32>
    %dot_general3A_1037 = tpu.matmul %slice3A_1034, %get3A_13, %dot_general3A_1036 {dimension_numbers = #tpu.dot_dimension_numbers<[1], [0], [0], [1], [0, 0, 1, 1], [], []>, transpose_lhs_hint = false} : vector<1x2048xf32>, vector<2048x128xf32>, vector<1x128xf32> -> vector<1x128xf32>
    %dot_general3A_1038 = arith.constant dense<0.000000e+00> : vector<1x128xf32>
    %dot_general3A_1039 = tpu.matmul %slice3A_1035, %get3A_13, %dot_general3A_1038 {dimension_numbers = #tpu.dot_dimension_numbers<[1], [0], [0], [1], [0, 0, 1, 1], [], []>, transpose_lhs_hint = false} : vector<1x2048xf32>, vector<2048x128xf32>, vector<1x128xf32> -> vector<1x128xf32>
    %slice3A_1040 = vector.extract_strided_slice %dot_general3A_1037 {offsets = [0, 1], sizes = [1, 127], strides = [1, 1]} : vector<1x128xf32> to vector<1x127xf32>
    %concatenate3A_1041 = tpu.concatenate %slice3A_1040, %broadcast_in_dim3A_20 in 1 : vector<1x127xf32>, vector<1x1xf32> -> vector<1x128xf32>
    %slice3A_1042 = vector.extract_strided_slice %dot_general3A_1039 {offsets = [0, 1], sizes = [1, 127], strides = [1, 1]} : vector<1x128xf32> to vector<1x127xf32>
    %concatenate3A_1043 = tpu.concatenate %slice3A_1042, %broadcast_in_dim3A_20 in 1 : vector<1x127xf32>, vector<1x1xf32> -> vector<1x128xf32>
    %slice3A_1044 = vector.extract_strided_slice %dot_general3A_1039 {offsets = [0, 0], sizes = [1, 1], strides = [1, 1]} : vector<1x128xf32> to vector<1x1xf32>
    %add3A_1045 = vector.broadcast %slice3A_1044 : vector<1x1xf32> to vector<1x128xf32>
    %add3A_1046 = arith.addf %add3A_1045, %dot_general3A_1037 : vector<1x128xf32>
    %sub3A_1047 = arith.subf %add3A_1046, %dot_general3A_1039 : vector<1x128xf32>
    %gt3A_1048 = arith.constant 0.000000e+00 : f32
    %gt3A_1049 = vector.broadcast %gt3A_1048 : f32 to vector<1x128xf32>
    %gt3A_1050 = arith.cmpf ogt, %sub3A_1047, %gt3A_1049 : vector<1x128xf32>
    %jit3A_1051 = arith.constant 1.000000e+00 : f32
    %broadcast_in_dim3A_1052 = vector.broadcast %jit3A_1051 : f32 to vector<1x128xf32>
    %select_n3A_1053 = arith.select %gt3A_1050, %sub3A_1047, %broadcast_in_dim3A_1052 : vector<1x128xi1>, vector<1x128xf32>
    %gt3A_1054 = arith.constant 0.000000e+00 : f32
    %gt3A_1055 = vector.broadcast %gt3A_1054 : f32 to vector<1x128xf32>
    %gt3A_1056 = arith.cmpf ogt, %sub3A_1047, %gt3A_1055 : vector<1x128xf32>
    %sub3A_1057 = vector.broadcast %slice3A_1044 : vector<1x1xf32> to vector<1x128xf32>
    %sub3A_1058 = arith.subf %sub3A_1057, %dot_general3A_1039 : vector<1x128xf32>
    %div3A_1059 = arith.divf %sub3A_1058, %select_n3A_1053 : vector<1x128xf32>
    %jit3A_1060 = arith.constant 1.000000e+00 : f32
    %broadcast_in_dim3A_1061 = vector.broadcast %jit3A_1060 : f32 to vector<1x128xf32>
    %select_n3A_1062 = arith.select %gt3A_1056, %div3A_1059, %broadcast_in_dim3A_1061 : vector<1x128xi1>, vector<1x128xf32>
    %sub3A_1063 = arith.constant 1.000000e+00 : f32
    %sub3A_1064 = vector.broadcast %sub3A_1063 : f32 to vector<1x128xf32>
    %sub3A_1065 = arith.subf %sub3A_1064, %select_n3A_1062 : vector<1x128xf32>
    %add3A_1066 = vector.broadcast %slice3A_1044 : vector<1x1xf32> to vector<1x128xf32>
    %add3A_1067 = arith.addf %add3A_1066, %concatenate3A_1041 : vector<1x128xf32>
    %sub3A_1068 = arith.subf %add3A_1067, %concatenate3A_1043 : vector<1x128xf32>
    %gt3A_1069 = arith.constant 0.000000e+00 : f32
    %gt3A_1070 = vector.broadcast %gt3A_1069 : f32 to vector<1x128xf32>
    %gt3A_1071 = arith.cmpf ogt, %sub3A_1068, %gt3A_1070 : vector<1x128xf32>
    %jit3A_1072 = arith.constant 1.000000e+00 : f32
    %broadcast_in_dim3A_1073 = vector.broadcast %jit3A_1072 : f32 to vector<1x128xf32>
    %select_n3A_1074 = arith.select %gt3A_1071, %sub3A_1068, %broadcast_in_dim3A_1073 : vector<1x128xi1>, vector<1x128xf32>
    %gt3A_1075 = arith.constant 0.000000e+00 : f32
    %gt3A_1076 = vector.broadcast %gt3A_1075 : f32 to vector<1x128xf32>
    %gt3A_1077 = arith.cmpf ogt, %sub3A_1068, %gt3A_1076 : vector<1x128xf32>
    %sub3A_1078 = vector.broadcast %slice3A_1044 : vector<1x1xf32> to vector<1x128xf32>
    %sub3A_1079 = arith.subf %sub3A_1078, %concatenate3A_1043 : vector<1x128xf32>
    %div3A_1080 = arith.divf %sub3A_1079, %select_n3A_1074 : vector<1x128xf32>
    %jit3A_1081 = arith.constant 1.000000e+00 : f32
    %broadcast_in_dim3A_1082 = vector.broadcast %jit3A_1081 : f32 to vector<1x128xf32>
    %select_n3A_1083 = arith.select %gt3A_1077, %div3A_1080, %broadcast_in_dim3A_1082 : vector<1x128xi1>, vector<1x128xf32>
    %sub3A_1084 = arith.constant 1.000000e+00 : f32
    %sub3A_1085 = vector.broadcast %sub3A_1084 : f32 to vector<1x128xf32>
    %sub3A_1086 = arith.subf %sub3A_1085, %select_n3A_1083 : vector<1x128xf32>
    %sub3A_1087 = arith.subf %sub3A_1065, %sub3A_1086 : vector<1x128xf32>
    %mul3A_1088 = arith.mulf %mul3A_18, %sub3A_1087 : vector<1x128xf32>
    %squeeze3A_1089 = vector.extract %slice3A_1044[0, 0] : f32 from vector<1x1xf32>
    %gt3A_1090 = arith.constant 0.000000e+00 : f32
    %gt3A_1091 = arith.cmpf ogt, %squeeze3A_1089, %gt3A_1090 : f32
    %convert_element_type3A_1092 = arith.extui %gt3A_1091 : i1 to i32
    %convert_element_type3A_1093 = arith.sitofp %convert_element_type3A_1092 : i32 to f32
    %reduce_sum3A_1094 = vector.shape_cast %mul3A_1088 : vector<1x128xf32> to vector<1x1x128xf32>
    %reduce_sum3A_1095 = arith.constant dense<0.000000e+00> : vector<1xf32>
    %reduce_sum3A_1096 = vector.multi_reduction <add>, %reduce_sum3A_1094, %reduce_sum3A_1095 [1, 2] : vector<1x1x128xf32> to vector<1xf32>
    %reduce_sum3A_1097 = vector.shape_cast %reduce_sum3A_1096 : vector<1xf32> to vector<1x1x1xf32>
    %reduce_sum3A_1098 = vector.extract %reduce_sum3A_1097[0, 0, 0] : f32 from vector<1x1x1xf32>
    %mul3A_1099 = arith.mulf %reduce_sum3A_1098, %convert_element_type3A_1093 : f32
    %add3A_1100 = arith.addf %add3A_1032, %mul3A_1099 : f32
    %add3A_1101 = arith.addf %add3A_1033, %convert_element_type3A_1093 : f32
    %slice3A_1102 = vector.extract_strided_slice %broadcast_in_dim3A {offsets = [0, 32768], sizes = [1, 2048], strides = [1, 1]} : vector<1x38912xf32> to vector<1x2048xf32>
    %slice3A_1103 = vector.extract_strided_slice %broadcast_in_dim3A_10 {offsets = [0, 32768], sizes = [1, 2048], strides = [1, 1]} : vector<1x38912xf32> to vector<1x2048xf32>
    %dot_general3A_1104 = arith.constant dense<0.000000e+00> : vector<1x128xf32>
    %dot_general3A_1105 = tpu.matmul %slice3A_1102, %get3A_13, %dot_general3A_1104 {dimension_numbers = #tpu.dot_dimension_numbers<[1], [0], [0], [1], [0, 0, 1, 1], [], []>, transpose_lhs_hint = false} : vector<1x2048xf32>, vector<2048x128xf32>, vector<1x128xf32> -> vector<1x128xf32>
    %dot_general3A_1106 = arith.constant dense<0.000000e+00> : vector<1x128xf32>
    %dot_general3A_1107 = tpu.matmul %slice3A_1103, %get3A_13, %dot_general3A_1106 {dimension_numbers = #tpu.dot_dimension_numbers<[1], [0], [0], [1], [0, 0, 1, 1], [], []>, transpose_lhs_hint = false} : vector<1x2048xf32>, vector<2048x128xf32>, vector<1x128xf32> -> vector<1x128xf32>
    %slice3A_1108 = vector.extract_strided_slice %dot_general3A_1105 {offsets = [0, 1], sizes = [1, 127], strides = [1, 1]} : vector<1x128xf32> to vector<1x127xf32>
    %concatenate3A_1109 = tpu.concatenate %slice3A_1108, %broadcast_in_dim3A_20 in 1 : vector<1x127xf32>, vector<1x1xf32> -> vector<1x128xf32>
    %slice3A_1110 = vector.extract_strided_slice %dot_general3A_1107 {offsets = [0, 1], sizes = [1, 127], strides = [1, 1]} : vector<1x128xf32> to vector<1x127xf32>
    %concatenate3A_1111 = tpu.concatenate %slice3A_1110, %broadcast_in_dim3A_20 in 1 : vector<1x127xf32>, vector<1x1xf32> -> vector<1x128xf32>
    %slice3A_1112 = vector.extract_strided_slice %dot_general3A_1107 {offsets = [0, 0], sizes = [1, 1], strides = [1, 1]} : vector<1x128xf32> to vector<1x1xf32>
    %add3A_1113 = vector.broadcast %slice3A_1112 : vector<1x1xf32> to vector<1x128xf32>
    %add3A_1114 = arith.addf %add3A_1113, %dot_general3A_1105 : vector<1x128xf32>
    %sub3A_1115 = arith.subf %add3A_1114, %dot_general3A_1107 : vector<1x128xf32>
    %gt3A_1116 = arith.constant 0.000000e+00 : f32
    %gt3A_1117 = vector.broadcast %gt3A_1116 : f32 to vector<1x128xf32>
    %gt3A_1118 = arith.cmpf ogt, %sub3A_1115, %gt3A_1117 : vector<1x128xf32>
    %jit3A_1119 = arith.constant 1.000000e+00 : f32
    %broadcast_in_dim3A_1120 = vector.broadcast %jit3A_1119 : f32 to vector<1x128xf32>
    %select_n3A_1121 = arith.select %gt3A_1118, %sub3A_1115, %broadcast_in_dim3A_1120 : vector<1x128xi1>, vector<1x128xf32>
    %gt3A_1122 = arith.constant 0.000000e+00 : f32
    %gt3A_1123 = vector.broadcast %gt3A_1122 : f32 to vector<1x128xf32>
    %gt3A_1124 = arith.cmpf ogt, %sub3A_1115, %gt3A_1123 : vector<1x128xf32>
    %sub3A_1125 = vector.broadcast %slice3A_1112 : vector<1x1xf32> to vector<1x128xf32>
    %sub3A_1126 = arith.subf %sub3A_1125, %dot_general3A_1107 : vector<1x128xf32>
    %div3A_1127 = arith.divf %sub3A_1126, %select_n3A_1121 : vector<1x128xf32>
    %jit3A_1128 = arith.constant 1.000000e+00 : f32
    %broadcast_in_dim3A_1129 = vector.broadcast %jit3A_1128 : f32 to vector<1x128xf32>
    %select_n3A_1130 = arith.select %gt3A_1124, %div3A_1127, %broadcast_in_dim3A_1129 : vector<1x128xi1>, vector<1x128xf32>
    %sub3A_1131 = arith.constant 1.000000e+00 : f32
    %sub3A_1132 = vector.broadcast %sub3A_1131 : f32 to vector<1x128xf32>
    %sub3A_1133 = arith.subf %sub3A_1132, %select_n3A_1130 : vector<1x128xf32>
    %add3A_1134 = vector.broadcast %slice3A_1112 : vector<1x1xf32> to vector<1x128xf32>
    %add3A_1135 = arith.addf %add3A_1134, %concatenate3A_1109 : vector<1x128xf32>
    %sub3A_1136 = arith.subf %add3A_1135, %concatenate3A_1111 : vector<1x128xf32>
    %gt3A_1137 = arith.constant 0.000000e+00 : f32
    %gt3A_1138 = vector.broadcast %gt3A_1137 : f32 to vector<1x128xf32>
    %gt3A_1139 = arith.cmpf ogt, %sub3A_1136, %gt3A_1138 : vector<1x128xf32>
    %jit3A_1140 = arith.constant 1.000000e+00 : f32
    %broadcast_in_dim3A_1141 = vector.broadcast %jit3A_1140 : f32 to vector<1x128xf32>
    %select_n3A_1142 = arith.select %gt3A_1139, %sub3A_1136, %broadcast_in_dim3A_1141 : vector<1x128xi1>, vector<1x128xf32>
    %gt3A_1143 = arith.constant 0.000000e+00 : f32
    %gt3A_1144 = vector.broadcast %gt3A_1143 : f32 to vector<1x128xf32>
    %gt3A_1145 = arith.cmpf ogt, %sub3A_1136, %gt3A_1144 : vector<1x128xf32>
    %sub3A_1146 = vector.broadcast %slice3A_1112 : vector<1x1xf32> to vector<1x128xf32>
    %sub3A_1147 = arith.subf %sub3A_1146, %concatenate3A_1111 : vector<1x128xf32>
    %div3A_1148 = arith.divf %sub3A_1147, %select_n3A_1142 : vector<1x128xf32>
    %jit3A_1149 = arith.constant 1.000000e+00 : f32
    %broadcast_in_dim3A_1150 = vector.broadcast %jit3A_1149 : f32 to vector<1x128xf32>
    %select_n3A_1151 = arith.select %gt3A_1145, %div3A_1148, %broadcast_in_dim3A_1150 : vector<1x128xi1>, vector<1x128xf32>
    %sub3A_1152 = arith.constant 1.000000e+00 : f32
    %sub3A_1153 = vector.broadcast %sub3A_1152 : f32 to vector<1x128xf32>
    %sub3A_1154 = arith.subf %sub3A_1153, %select_n3A_1151 : vector<1x128xf32>
    %sub3A_1155 = arith.subf %sub3A_1133, %sub3A_1154 : vector<1x128xf32>
    %mul3A_1156 = arith.mulf %mul3A_18, %sub3A_1155 : vector<1x128xf32>
    %squeeze3A_1157 = vector.extract %slice3A_1112[0, 0] : f32 from vector<1x1xf32>
    %gt3A_1158 = arith.constant 0.000000e+00 : f32
    %gt3A_1159 = arith.cmpf ogt, %squeeze3A_1157, %gt3A_1158 : f32
    %convert_element_type3A_1160 = arith.extui %gt3A_1159 : i1 to i32
    %convert_element_type3A_1161 = arith.sitofp %convert_element_type3A_1160 : i32 to f32
    %reduce_sum3A_1162 = vector.shape_cast %mul3A_1156 : vector<1x128xf32> to vector<1x1x128xf32>
    %reduce_sum3A_1163 = arith.constant dense<0.000000e+00> : vector<1xf32>
    %reduce_sum3A_1164 = vector.multi_reduction <add>, %reduce_sum3A_1162, %reduce_sum3A_1163 [1, 2] : vector<1x1x128xf32> to vector<1xf32>
    %reduce_sum3A_1165 = vector.shape_cast %reduce_sum3A_1164 : vector<1xf32> to vector<1x1x1xf32>
    %reduce_sum3A_1166 = vector.extract %reduce_sum3A_1165[0, 0, 0] : f32 from vector<1x1x1xf32>
    %mul3A_1167 = arith.mulf %reduce_sum3A_1166, %convert_element_type3A_1161 : f32
    %add3A_1168 = arith.addf %add3A_1100, %mul3A_1167 : f32
    %add3A_1169 = arith.addf %add3A_1101, %convert_element_type3A_1161 : f32
    %slice3A_1170 = vector.extract_strided_slice %broadcast_in_dim3A {offsets = [0, 34816], sizes = [1, 2048], strides = [1, 1]} : vector<1x38912xf32> to vector<1x2048xf32>
    %slice3A_1171 = vector.extract_strided_slice %broadcast_in_dim3A_10 {offsets = [0, 34816], sizes = [1, 2048], strides = [1, 1]} : vector<1x38912xf32> to vector<1x2048xf32>
    %dot_general3A_1172 = arith.constant dense<0.000000e+00> : vector<1x128xf32>
    %dot_general3A_1173 = tpu.matmul %slice3A_1170, %get3A_13, %dot_general3A_1172 {dimension_numbers = #tpu.dot_dimension_numbers<[1], [0], [0], [1], [0, 0, 1, 1], [], []>, transpose_lhs_hint = false} : vector<1x2048xf32>, vector<2048x128xf32>, vector<1x128xf32> -> vector<1x128xf32>
    %dot_general3A_1174 = arith.constant dense<0.000000e+00> : vector<1x128xf32>
    %dot_general3A_1175 = tpu.matmul %slice3A_1171, %get3A_13, %dot_general3A_1174 {dimension_numbers = #tpu.dot_dimension_numbers<[1], [0], [0], [1], [0, 0, 1, 1], [], []>, transpose_lhs_hint = false} : vector<1x2048xf32>, vector<2048x128xf32>, vector<1x128xf32> -> vector<1x128xf32>
    %slice3A_1176 = vector.extract_strided_slice %dot_general3A_1173 {offsets = [0, 1], sizes = [1, 127], strides = [1, 1]} : vector<1x128xf32> to vector<1x127xf32>
    %concatenate3A_1177 = tpu.concatenate %slice3A_1176, %broadcast_in_dim3A_20 in 1 : vector<1x127xf32>, vector<1x1xf32> -> vector<1x128xf32>
    %slice3A_1178 = vector.extract_strided_slice %dot_general3A_1175 {offsets = [0, 1], sizes = [1, 127], strides = [1, 1]} : vector<1x128xf32> to vector<1x127xf32>
    %concatenate3A_1179 = tpu.concatenate %slice3A_1178, %broadcast_in_dim3A_20 in 1 : vector<1x127xf32>, vector<1x1xf32> -> vector<1x128xf32>
    %slice3A_1180 = vector.extract_strided_slice %dot_general3A_1175 {offsets = [0, 0], sizes = [1, 1], strides = [1, 1]} : vector<1x128xf32> to vector<1x1xf32>
    %add3A_1181 = vector.broadcast %slice3A_1180 : vector<1x1xf32> to vector<1x128xf32>
    %add3A_1182 = arith.addf %add3A_1181, %dot_general3A_1173 : vector<1x128xf32>
    %sub3A_1183 = arith.subf %add3A_1182, %dot_general3A_1175 : vector<1x128xf32>
    %gt3A_1184 = arith.constant 0.000000e+00 : f32
    %gt3A_1185 = vector.broadcast %gt3A_1184 : f32 to vector<1x128xf32>
    %gt3A_1186 = arith.cmpf ogt, %sub3A_1183, %gt3A_1185 : vector<1x128xf32>
    %jit3A_1187 = arith.constant 1.000000e+00 : f32
    %broadcast_in_dim3A_1188 = vector.broadcast %jit3A_1187 : f32 to vector<1x128xf32>
    %select_n3A_1189 = arith.select %gt3A_1186, %sub3A_1183, %broadcast_in_dim3A_1188 : vector<1x128xi1>, vector<1x128xf32>
    %gt3A_1190 = arith.constant 0.000000e+00 : f32
    %gt3A_1191 = vector.broadcast %gt3A_1190 : f32 to vector<1x128xf32>
    %gt3A_1192 = arith.cmpf ogt, %sub3A_1183, %gt3A_1191 : vector<1x128xf32>
    %sub3A_1193 = vector.broadcast %slice3A_1180 : vector<1x1xf32> to vector<1x128xf32>
    %sub3A_1194 = arith.subf %sub3A_1193, %dot_general3A_1175 : vector<1x128xf32>
    %div3A_1195 = arith.divf %sub3A_1194, %select_n3A_1189 : vector<1x128xf32>
    %jit3A_1196 = arith.constant 1.000000e+00 : f32
    %broadcast_in_dim3A_1197 = vector.broadcast %jit3A_1196 : f32 to vector<1x128xf32>
    %select_n3A_1198 = arith.select %gt3A_1192, %div3A_1195, %broadcast_in_dim3A_1197 : vector<1x128xi1>, vector<1x128xf32>
    %sub3A_1199 = arith.constant 1.000000e+00 : f32
    %sub3A_1200 = vector.broadcast %sub3A_1199 : f32 to vector<1x128xf32>
    %sub3A_1201 = arith.subf %sub3A_1200, %select_n3A_1198 : vector<1x128xf32>
    %add3A_1202 = vector.broadcast %slice3A_1180 : vector<1x1xf32> to vector<1x128xf32>
    %add3A_1203 = arith.addf %add3A_1202, %concatenate3A_1177 : vector<1x128xf32>
    %sub3A_1204 = arith.subf %add3A_1203, %concatenate3A_1179 : vector<1x128xf32>
    %gt3A_1205 = arith.constant 0.000000e+00 : f32
    %gt3A_1206 = vector.broadcast %gt3A_1205 : f32 to vector<1x128xf32>
    %gt3A_1207 = arith.cmpf ogt, %sub3A_1204, %gt3A_1206 : vector<1x128xf32>
    %jit3A_1208 = arith.constant 1.000000e+00 : f32
    %broadcast_in_dim3A_1209 = vector.broadcast %jit3A_1208 : f32 to vector<1x128xf32>
    %select_n3A_1210 = arith.select %gt3A_1207, %sub3A_1204, %broadcast_in_dim3A_1209 : vector<1x128xi1>, vector<1x128xf32>
    %gt3A_1211 = arith.constant 0.000000e+00 : f32
    %gt3A_1212 = vector.broadcast %gt3A_1211 : f32 to vector<1x128xf32>
    %gt3A_1213 = arith.cmpf ogt, %sub3A_1204, %gt3A_1212 : vector<1x128xf32>
    %sub3A_1214 = vector.broadcast %slice3A_1180 : vector<1x1xf32> to vector<1x128xf32>
    %sub3A_1215 = arith.subf %sub3A_1214, %concatenate3A_1179 : vector<1x128xf32>
    %div3A_1216 = arith.divf %sub3A_1215, %select_n3A_1210 : vector<1x128xf32>
    %jit3A_1217 = arith.constant 1.000000e+00 : f32
    %broadcast_in_dim3A_1218 = vector.broadcast %jit3A_1217 : f32 to vector<1x128xf32>
    %select_n3A_1219 = arith.select %gt3A_1213, %div3A_1216, %broadcast_in_dim3A_1218 : vector<1x128xi1>, vector<1x128xf32>
    %sub3A_1220 = arith.constant 1.000000e+00 : f32
    %sub3A_1221 = vector.broadcast %sub3A_1220 : f32 to vector<1x128xf32>
    %sub3A_1222 = arith.subf %sub3A_1221, %select_n3A_1219 : vector<1x128xf32>
    %sub3A_1223 = arith.subf %sub3A_1201, %sub3A_1222 : vector<1x128xf32>
    %mul3A_1224 = arith.mulf %mul3A_18, %sub3A_1223 : vector<1x128xf32>
    %squeeze3A_1225 = vector.extract %slice3A_1180[0, 0] : f32 from vector<1x1xf32>
    %gt3A_1226 = arith.constant 0.000000e+00 : f32
    %gt3A_1227 = arith.cmpf ogt, %squeeze3A_1225, %gt3A_1226 : f32
    %convert_element_type3A_1228 = arith.extui %gt3A_1227 : i1 to i32
    %convert_element_type3A_1229 = arith.sitofp %convert_element_type3A_1228 : i32 to f32
    %reduce_sum3A_1230 = vector.shape_cast %mul3A_1224 : vector<1x128xf32> to vector<1x1x128xf32>
    %reduce_sum3A_1231 = arith.constant dense<0.000000e+00> : vector<1xf32>
    %reduce_sum3A_1232 = vector.multi_reduction <add>, %reduce_sum3A_1230, %reduce_sum3A_1231 [1, 2] : vector<1x1x128xf32> to vector<1xf32>
    %reduce_sum3A_1233 = vector.shape_cast %reduce_sum3A_1232 : vector<1xf32> to vector<1x1x1xf32>
    %reduce_sum3A_1234 = vector.extract %reduce_sum3A_1233[0, 0, 0] : f32 from vector<1x1x1xf32>
    %mul3A_1235 = arith.mulf %reduce_sum3A_1234, %convert_element_type3A_1229 : f32
    %add3A_1236 = arith.addf %add3A_1168, %mul3A_1235 : f32
    %add3A_1237 = arith.addf %add3A_1169, %convert_element_type3A_1229 : f32
    %slice3A_1238 = vector.extract_strided_slice %broadcast_in_dim3A {offsets = [0, 36864], sizes = [1, 2048], strides = [1, 1]} : vector<1x38912xf32> to vector<1x2048xf32>
    %slice3A_1239 = vector.extract_strided_slice %broadcast_in_dim3A_10 {offsets = [0, 36864], sizes = [1, 2048], strides = [1, 1]} : vector<1x38912xf32> to vector<1x2048xf32>
    %dot_general3A_1240 = arith.constant dense<0.000000e+00> : vector<1x128xf32>
    %dot_general3A_1241 = tpu.matmul %slice3A_1238, %get3A_13, %dot_general3A_1240 {dimension_numbers = #tpu.dot_dimension_numbers<[1], [0], [0], [1], [0, 0, 1, 1], [], []>, transpose_lhs_hint = false} : vector<1x2048xf32>, vector<2048x128xf32>, vector<1x128xf32> -> vector<1x128xf32>
    %dot_general3A_1242 = arith.constant dense<0.000000e+00> : vector<1x128xf32>
    %dot_general3A_1243 = tpu.matmul %slice3A_1239, %get3A_13, %dot_general3A_1242 {dimension_numbers = #tpu.dot_dimension_numbers<[1], [0], [0], [1], [0, 0, 1, 1], [], []>, transpose_lhs_hint = false} : vector<1x2048xf32>, vector<2048x128xf32>, vector<1x128xf32> -> vector<1x128xf32>
    %slice3A_1244 = vector.extract_strided_slice %dot_general3A_1241 {offsets = [0, 1], sizes = [1, 127], strides = [1, 1]} : vector<1x128xf32> to vector<1x127xf32>
    %concatenate3A_1245 = tpu.concatenate %slice3A_1244, %broadcast_in_dim3A_20 in 1 : vector<1x127xf32>, vector<1x1xf32> -> vector<1x128xf32>
    %slice3A_1246 = vector.extract_strided_slice %dot_general3A_1243 {offsets = [0, 1], sizes = [1, 127], strides = [1, 1]} : vector<1x128xf32> to vector<1x127xf32>
    %concatenate3A_1247 = tpu.concatenate %slice3A_1246, %broadcast_in_dim3A_20 in 1 : vector<1x127xf32>, vector<1x1xf32> -> vector<1x128xf32>
    %slice3A_1248 = vector.extract_strided_slice %dot_general3A_1243 {offsets = [0, 0], sizes = [1, 1], strides = [1, 1]} : vector<1x128xf32> to vector<1x1xf32>
    %add3A_1249 = vector.broadcast %slice3A_1248 : vector<1x1xf32> to vector<1x128xf32>
    %add3A_1250 = arith.addf %add3A_1249, %dot_general3A_1241 : vector<1x128xf32>
    %sub3A_1251 = arith.subf %add3A_1250, %dot_general3A_1243 : vector<1x128xf32>
    %gt3A_1252 = arith.constant 0.000000e+00 : f32
    %gt3A_1253 = vector.broadcast %gt3A_1252 : f32 to vector<1x128xf32>
    %gt3A_1254 = arith.cmpf ogt, %sub3A_1251, %gt3A_1253 : vector<1x128xf32>
    %jit3A_1255 = arith.constant 1.000000e+00 : f32
    %broadcast_in_dim3A_1256 = vector.broadcast %jit3A_1255 : f32 to vector<1x128xf32>
    %select_n3A_1257 = arith.select %gt3A_1254, %sub3A_1251, %broadcast_in_dim3A_1256 : vector<1x128xi1>, vector<1x128xf32>
    %gt3A_1258 = arith.constant 0.000000e+00 : f32
    %gt3A_1259 = vector.broadcast %gt3A_1258 : f32 to vector<1x128xf32>
    %gt3A_1260 = arith.cmpf ogt, %sub3A_1251, %gt3A_1259 : vector<1x128xf32>
    %sub3A_1261 = vector.broadcast %slice3A_1248 : vector<1x1xf32> to vector<1x128xf32>
    %sub3A_1262 = arith.subf %sub3A_1261, %dot_general3A_1243 : vector<1x128xf32>
    %div3A_1263 = arith.divf %sub3A_1262, %select_n3A_1257 : vector<1x128xf32>
    %jit3A_1264 = arith.constant 1.000000e+00 : f32
    %broadcast_in_dim3A_1265 = vector.broadcast %jit3A_1264 : f32 to vector<1x128xf32>
    %select_n3A_1266 = arith.select %gt3A_1260, %div3A_1263, %broadcast_in_dim3A_1265 : vector<1x128xi1>, vector<1x128xf32>
    %sub3A_1267 = arith.constant 1.000000e+00 : f32
    %sub3A_1268 = vector.broadcast %sub3A_1267 : f32 to vector<1x128xf32>
    %sub3A_1269 = arith.subf %sub3A_1268, %select_n3A_1266 : vector<1x128xf32>
    %add3A_1270 = vector.broadcast %slice3A_1248 : vector<1x1xf32> to vector<1x128xf32>
    %add3A_1271 = arith.addf %add3A_1270, %concatenate3A_1245 : vector<1x128xf32>
    %sub3A_1272 = arith.subf %add3A_1271, %concatenate3A_1247 : vector<1x128xf32>
    %gt3A_1273 = arith.constant 0.000000e+00 : f32
    %gt3A_1274 = vector.broadcast %gt3A_1273 : f32 to vector<1x128xf32>
    %gt3A_1275 = arith.cmpf ogt, %sub3A_1272, %gt3A_1274 : vector<1x128xf32>
    %jit3A_1276 = arith.constant 1.000000e+00 : f32
    %broadcast_in_dim3A_1277 = vector.broadcast %jit3A_1276 : f32 to vector<1x128xf32>
    %select_n3A_1278 = arith.select %gt3A_1275, %sub3A_1272, %broadcast_in_dim3A_1277 : vector<1x128xi1>, vector<1x128xf32>
    %gt3A_1279 = arith.constant 0.000000e+00 : f32
    %gt3A_1280 = vector.broadcast %gt3A_1279 : f32 to vector<1x128xf32>
    %gt3A_1281 = arith.cmpf ogt, %sub3A_1272, %gt3A_1280 : vector<1x128xf32>
    %sub3A_1282 = vector.broadcast %slice3A_1248 : vector<1x1xf32> to vector<1x128xf32>
    %sub3A_1283 = arith.subf %sub3A_1282, %concatenate3A_1247 : vector<1x128xf32>
    %div3A_1284 = arith.divf %sub3A_1283, %select_n3A_1278 : vector<1x128xf32>
    %jit3A_1285 = arith.constant 1.000000e+00 : f32
    %broadcast_in_dim3A_1286 = vector.broadcast %jit3A_1285 : f32 to vector<1x128xf32>
    %select_n3A_1287 = arith.select %gt3A_1281, %div3A_1284, %broadcast_in_dim3A_1286 : vector<1x128xi1>, vector<1x128xf32>
    %sub3A_1288 = arith.constant 1.000000e+00 : f32
    %sub3A_1289 = vector.broadcast %sub3A_1288 : f32 to vector<1x128xf32>
    %sub3A_1290 = arith.subf %sub3A_1289, %select_n3A_1287 : vector<1x128xf32>
    %sub3A_1291 = arith.subf %sub3A_1269, %sub3A_1290 : vector<1x128xf32>
    %mul3A_1292 = arith.mulf %mul3A_18, %sub3A_1291 : vector<1x128xf32>
    %squeeze3A_1293 = vector.extract %slice3A_1248[0, 0] : f32 from vector<1x1xf32>
    %gt3A_1294 = arith.constant 0.000000e+00 : f32
    %gt3A_1295 = arith.cmpf ogt, %squeeze3A_1293, %gt3A_1294 : f32
    %convert_element_type3A_1296 = arith.extui %gt3A_1295 : i1 to i32
    %convert_element_type3A_1297 = arith.sitofp %convert_element_type3A_1296 : i32 to f32
    %reduce_sum3A_1298 = vector.shape_cast %mul3A_1292 : vector<1x128xf32> to vector<1x1x128xf32>
    %reduce_sum3A_1299 = arith.constant dense<0.000000e+00> : vector<1xf32>
    %reduce_sum3A_1300 = vector.multi_reduction <add>, %reduce_sum3A_1298, %reduce_sum3A_1299 [1, 2] : vector<1x1x128xf32> to vector<1xf32>
    %reduce_sum3A_1301 = vector.shape_cast %reduce_sum3A_1300 : vector<1xf32> to vector<1x1x1xf32>
    %reduce_sum3A_1302 = vector.extract %reduce_sum3A_1301[0, 0, 0] : f32 from vector<1x1x1xf32>
    %mul3A_1303 = arith.mulf %reduce_sum3A_1302, %convert_element_type3A_1297 : f32
    %add3A_1304 = arith.addf %add3A_1236, %mul3A_1303 : f32
    %add3A_1305 = arith.addf %add3A_1237, %convert_element_type3A_1297 : f32
    %div3A_1306 = arith.divf %add3A_1304, %add3A_1305 : f32
    %broadcast_in_dim3A_1307 = vector.broadcast %div3A_1306 : f32 to vector<1x1xf32>
    %swap3A = arith.constant 0 : index
    %swap3A_1308 = arith.constant 0 : index
    %swap3A_1309 = vector.load %arg2[%swap3A, %swap3A_1308] : memref<1x1xf32, #tpu.memory_space<vmem>>, vector<1x1xf32>
    tpu.vector_store %arg2[%swap3A, %swap3A_1308], %broadcast_in_dim3A_1307 {strides = array<i32>} : memref<1x1xf32, #tpu.memory_space<vmem>>, vector<1x1xf32>,
    return
  }
}

</mosaic_0001>

<sc_bundles>
// kernel: kernel.4.cloned.1.call-start
scs
__scs_entry_jumppad:
0x0: {  	(pc) =	sbr.rel $0x88, $3  }
0x1: {  	(tag) =	ssettag $0x0;
	lr =	simm.s32 $0x1  }
0x2: {  	[smem:$0x3F9F] =	sst lr;
	_ =	strace $0xD0000000  }
0x3: {  	_ = 	snop  }
0x4: {  	_ = 	snop  }
0x5: {  	_ = 	snop  }
0x6: {  	_ = 	snop  }
0x7: {  	_ = 	snop  }
__scs_overlays_trampoline_lowered:
0x8: {  	[smem:$0x3FAE] =	sst s0  }
0x9: {  	[smem:$0x3FAF] =	sst s1  }
0xa: {  	[smem:$0x3FB0] =	sst s2  }
0xb: {  	[smem:$0x3FB1] =	sst s3  }
0xc: {  	[smem:$0x3FB2] =	sst s4  }
0xd: {  	[smem:$0x3FB3] =	sst s5  }
0xe: {  	[smem:$0x3FB4] =	sst s6  }
0xf: {  	[smem:$0x3FB5] =	sst s7  }
0x10: {  	[smem:$0x3FB6] =	sst s8  }
0x11: {  	[smem:$0x3FB7] =	sst s9;
	s0 =	simm.s32 @!p0 $0x0  }
0x12: {  	s1 =	sld [smem:$0x3F9D];
	s0 =	simm.s32 @p0 $0x1  }
0x13: {  	[smem:$0x3FB8] =	sst s0;
	s0 =	simm.s32 @!p1 $0x0  }
0x14: {  	s2 =	sld [smem:$0x3F9C];
	s0 =	simm.s32 @p1 $0x1  }
0x15: {  	[smem:$0x3FB9] =	sst s0;
	s0 =	simm.s32 @!p2 $0x0  }
0x16: {  	s3 =	sld [smem:$0x3FDB];
	s0 =	simm.s32 @p2 $0x1  }
0x17: {  	s4 =	simm.s32 $0x1BF5;
	[smem:$0x3FBB] =	sst s0  }
0x18: {  	s0 =	sld [smem:$0x3F9E];
	_ =	swait.ge [sflag:s4], $0x0  }
0x19: {  	s7 =	sld [smem:$0x3F9F]  }
0x1a: {  	s8 =	sadd.s32 $0xFFFFE003, lr  }
0x1b: {  	s9 =	sadd.s32 $0xFFFFFEF7, lr;
	s5 =	simm.s32 $0xFFFFFFFF;
	p2 =	slt.u32 s8, $0xFFFFF086  }
0x1c: {  	p1 =	slt.u32 s9, $0xF7A;
	s5 =	simm.s32 @!p2 $0x0  }
0x1d: {  	s5 =	simm.s32 @p1 $0x1;
	p0 =	seq.s32 s7, s2  }
0x1e: {  	s7 =	smul.u32 @!p0 $0xF7A, s2;
	p2 =	seq.s32 @!p0 s5, $0x0  }
0x1f: {  	s9 =	smul.u32 $0xF7A, s1;
	s8 =	simm.s32 @!p0 $0x1BF5;
	p2 =	por !p2, p0  }
0x20: {  	[sflag:s8] =	ssyncset.s32 @!p0 $0xFFFFF086;
	s6 =	sadd.s32 @!p0 s3, s7;
	s7 =	simm.s32 @!p0 $0x108  }
0x21: {  	s3 =	sadd.s32 s3, s9;
	s6 =	sadd.s32 @!p0 $0x88, s6;
	s7 =	simm.s32 @p2 $0x1082  }
0x22: {  	[simem:s7], [sflag:s8] =	dma.local @!p0 [hbm:s6], $0xF7A  }
0x23: {  	s9 =	sor.u32 $0xD0000000, s2;
	s6 =	simm.s32 $0x108;
	_ =	swait.ge @!p0 [sflag:s8], $0x0  }
0x24: {  	s3 =	sadd.s32 $0x88, s3;
	s6 =	simm.s32 @!p1 $0x1082;
	[sflag:s4] =	ssyncset.s32 $0xFFFFF086  }
0x25: {  	[simem:s6], [sflag:s4] =	dma.local [hbm:s3], $0xF7A  }
0x26: {  	[smem:$0x3F9F] =	sst s1;
	(tag) =	ssettag s2;
	_ =	strace s9  }
0x27: {  	s1 =	sld [smem:$0x3FAF]  }
0x28: {  	s2 =	sld [smem:$0x3FB0]  }
0x29: {  	s4 =	sld [smem:$0x3FB2]  }
0x2a: {  	p0 =	seq.s32 s5, $0x0;
	s5 =	sld [smem:$0x3FB3]  }
0x2b: {  	s6 =	sld [smem:$0x3FB4]  }
0x2c: {  	s7 =	sld [smem:$0x3FB5]  }
0x2d: {  	s3 =	simm.s32 $0x108;
	s8 =	sld [smem:$0x3FB6]  }
0x2e: {  	s3 =	simm.s32 @!p0 $0x1082;
	s9 =	sld [smem:$0x3FB7]  }
0x2f: {  	lr =	sadd.s32 s0, s3;
	s0 =	sld [smem:$0x3FAE]  }
0x30: {  	s3 =	sld [smem:$0x3FB1]  }
0x31: {  	[smem:$0x3FBA] =	sst s10  }
0x32: {  	s10 =	sld [smem:$0x3FB8];
	_ =	sdelay $0x3  }
0x33: {  	p0 =	seq.s32 s10, $0x1;
	s10 =	sld [smem:$0x3FBA];
	_ =	sdelay $0x3  }
0x34: {  	[smem:$0x3FBA] =	sst s10  }
0x35: {  	s10 =	sld [smem:$0x3FB9];
	_ =	sdelay $0x3  }
0x36: {  	p1 =	seq.s32 s10, $0x1;
	s10 =	sld [smem:$0x3FBA];
	_ =	sdelay $0x3  }
0x37: {  	[smem:$0x3FBA] =	sst s10  }
0x38: {  	s10 =	sld [smem:$0x3FBB]  }
0x39: {  	_ = 	snop;
	(pc) =	sbr.ind lr, $3  }
0x3a: {  	_ = 	snop  }
0x3b: {  	_ = 	snop  }
0x3c: {  	p2 =	seq.s32 s10, $0x1;
	s10 =	sld [smem:$0x3FBA]  }
0x3d: {  	_ =	shalt  }
0x3e: {  	_ =	shalt  }
0x3f: {  	_ =	shalt  }
0x40: {  	_ =	shalt  }
0x41: {  	_ =	shalt  }
0x42: {  	_ =	shalt  }
0x43: {  	_ =	shalt  }
0x44: {  	_ =	shalt  }
0x45: {  	_ =	shalt  }
0x46: {  	_ =	shalt  }
0x47: {  	_ =	shalt  }
0x48: {  	_ =	shalt  }
0x49: {  	_ =	shalt  }
0x4a: {  	_ =	shalt  }
0x4b: {  	_ =	shalt  }
0x4c: {  	_ =	shalt  }
0x4d: {  	_ =	shalt  }
0x4e: {  	_ =	shalt  }
0x4f: {  	_ =	shalt  }
0x50: {  	_ =	shalt  }
0x51: {  	_ =	shalt  }
0x52: {  	_ =	shalt  }
0x53: {  	_ =	shalt  }
0x54: {  	_ =	shalt  }
0x55: {  	_ =	shalt  }
0x56: {  	_ =	shalt  }
0x57: {  	_ =	shalt  }
0x58: {  	_ =	shalt  }
0x59: {  	_ =	shalt  }
0x5a: {  	_ =	shalt  }
0x5b: {  	_ =	shalt  }
0x5c: {  	_ =	shalt  }
0x5d: {  	_ =	shalt  }
0x5e: {  	_ =	shalt  }
0x5f: {  	_ =	shalt  }
0x60: {  	_ =	shalt  }
0x61: {  	_ =	shalt  }
0x62: {  	_ =	shalt  }
0x63: {  	_ =	shalt  }
0x64: {  	_ =	shalt  }
0x65: {  	_ =	shalt  }
0x66: {  	_ =	shalt  }
0x67: {  	_ =	shalt  }
0x68: {  	_ =	shalt  }
0x69: {  	_ =	shalt  }
0x6a: {  	_ =	shalt  }
0x6b: {  	_ =	shalt  }
0x6c: {  	_ =	shalt  }
0x6d: {  	_ =	shalt  }
0x6e: {  	_ =	shalt  }
0x6f: {  	_ =	shalt  }
0x70: {  	_ =	shalt  }
0x71: {  	_ =	shalt  }
0x72: {  	_ =	shalt  }
0x73: {  	_ =	shalt  }
0x74: {  	_ =	shalt  }
0x75: {  	_ =	shalt  }
0x76: {  	_ =	shalt  }
0x77: {  	_ =	shalt  }
0x78: {  	_ =	shalt  }
0x79: {  	_ =	shalt  }
0x7a: {  	_ =	shalt  }
0x7b: {  	_ =	shalt  }
0x7c: {  	_ =	shalt  }
0x7d: {  	_ =	shalt  }
0x7e: {  	_ =	shalt  }
0x7f: {  	_ =	shalt  }
0x80: {  	_ =	shalt  }
0x81: {  	_ =	shalt  }
0x82: {  	_ =	shalt  }
0x83: {  	_ =	shalt  }
0x84: {  	_ =	shalt  }
0x85: {  	_ =	shalt  }
0x86: {  	_ =	shalt  }
0x87: {  	_ =	shalt  }
.Lfunc_end0:
.L_simem_size_0:
called_computation_lowered:
.L_overlay_start_0:
0x88: {  	s2 =	sld [smem:$0x3FD9]  }
0x89: {  	s3 =	sld [smem:$0x3FFE];
	_ =	sdelay $0x1  }
0x8a: {  	s1 =	srdreg.scid  }
0x8b: {  	s0 =	sand.u32 $0x1, s1  }
0x8c: {  	s17 =	sshll.u32 s0, $0xA;
	s2 =	sadd.s32 s3, s2  }
0x8d: {  	s2 =	sadd.s32 s2, s17  }
0x8e: {  	[smem:$0x3FC6] =	sst s2  }
0x8f: {  	_ = 	snop  }
0x90: {  	s2 =	sld [smem:$0x3FC9]  }
0x91: {  	s18 =	sld [smem:$0x3FC8];
	(tm) =	ssettm $0x1  }
0x92: {  	s4 =	sld [smem:$0x3FFB];
	_ =	sdelay $0x3  }
0x93: {  	_ =	strace s4  }
0x94: {  	s4 =	sld [smem:$0x3FFC];
	_ =	sdelay $0x3  }
0x95: {  	_ =	strace s4  }
0x96: {  	s4 =	sld [smem:$0x3FFD];
	_ =	sdelay $0x3  }
0x97: {  	_ =	strace s4  }
0x98: {  	_ =	strace $0x8FFFFFFF  }
0x99: {  	s19 =	sld [smem:$0x3FDB];
	_ =	sdelay $0x1  }
0x9a: {  	s5 =	simm.s32 $_scs_section_size  }
0x9b: {  	s6 =	simm.s32 $_size__tile_overlayer_lowered;
	s7 =	simm.s32 $_tile_overlayer_lowered  }
0x9c: {  	s22 =	simm.s32 $0x1BFF;
	s21 =	sshll.u32 s7, $0x1;
	s4 =	sadd.s32 s5, s19  }
0x9d: {  	s8 =	simm.s32 $0x0;
	s20 =	sshll.u32 s6, $0x1;
	s6 =	sadd.s32 s21, s4  }
0x9e: {  	[timem:s8], [sflag:s22] =	dma.local [hbm:s6], s20  }
0x9f: {  	_ =	swait.ge [sflag:s22], s20  }
0xa0: {  	s5 =	ssub.s32 $0x0, s20;
	[sflag:s22] =	ssyncset.done $0x0  }
0xa1: {  	[sflag:s22] =	ssyncadd.s32 s5;
	_ =	sdelay $0x1  }
0xa2: {  	s23 =	simm.s32 $0x1B8B  }
0xa3: {  	_ =	swait.ge [sflag:s23], $0x1  }
0xa4: {  	[sflag:s23] =	ssyncset.done $0x0  }
0xa5: {  	s25 =	simm.s32 $0x1B8E;
	s24 =	sld [smem:$0x3FFE];
	[sflag:s23] =	ssyncadd.s32 $0xFFFFFFFF  }
0xa6: {  	s26 =	simm.s32 $execute0_lowered;
	[smem:$0x3FD2] =	sst s25  }
0xa7: {  	s6 =	sshll.u32 s26, $0x1;
	_ =	strace $0x80000046;
	[dreg:$0x1] =	wrdreg $0xFFFFFFFF  }
0xa8: {  	s28 =	simm.s32 $_size_execute0_lowered;
	s4 =	sadd.s32 s4, s6;
	[dreg:$0x0] =	wrdreg $0x0  }
0xa9: {  	s6 =	sshll.u32 s28, $0x1;
	[dreg:$0x2] =	wrdreg s4  }
0xaa: {  	[dreg:$0x3] =	wrdreg s6  }
0xab: {  	[dreg:$0x4] =	wrdreg $0xC0  }
0xac: {  	_ =	task [dreg:s8], $0x5FFFF  }
0xad: {  	[dreg:$0x1] =	wrdreg $0xFFFFFFFF  }
0xae: {  	[dreg:$0x0] =	wrdreg $0x60  }
0xaf: {  	[dreg:$0x2] =	wrdreg s2  }
0xb0: {  	[dreg:$0x3] =	wrdreg s18  }
0xb1: {  	[dreg:$0x4] =	wrdreg s24  }
0xb2: {  	[dreg:$0x5] =	wrdreg $0x9  }
0xb3: {  	_ =	task.clear_ibuf [dreg:s8], $0x6FFFF;
	_ =	strace $0x90000046  }
0xb4: {  	s29 =	simm.s32 $0x9;
	_ =	strace $0x80000048  }
0xb5: {  	_ =	swait.ge [sflag:s29], $0x1  }
0xb6: {  	[sflag:s29] =	ssyncadd.s32 $0xFFFFFFFF  }
0xb7: {  	_ =	strace $0x90000048  }
0xb8: {  	_ =	sfence  }
0xb9: {  	s30 =	sld [smem:$0x0];
	_ =	sdelay $0x2  }
0xba: {  	s31 =	sshll.u32 s1, $0xD;
	s1 =	sshrl.u32 s1, $0x2  }
0xbb: {  	s3 =	sand.u32 $0x4000, s31;
	s1 =	sadd.s32 s1, s30  }
0xbc: {  	s0 =	sor.u32 s3, s0;
	s1 =	sshll.u32 s1, $0x11  }
0xbd: {  	s0 =	sor.u32 s1, s0  }
0xbe: {  	s0 =	sadd.s32 $0x8F2B, s0  }
0xbf: {  	[sflag:s0] =	ssyncadd.remote.s32 $0x1  }
0xc0: {  	_ =	sfence.sel $0xFFFF  }
0xc1: {  	[dreg:$0x0] =	wrdreg $0xFFFFFFFF;
	(pc) =	sbr.abs _section_cstart, $3  }
0xc2: {  	[dreg:$0x1] =	wrdreg $0xFFFFFFFF  }
0xc3: {  	_ =	task.clear_ibuf [dreg:s8], $0x2FFFF;
	_ =	strace $0x9FFFFFFF  }
0xc4: {  	(tm) =	ssettm $0x7FFFFFFF  }
0xc5: {  	_ =	shalt  }
tec
execute0_lowered:
.L_overlay_start_1:
0x0: {  	(tag) =	ssettag $0x1  }
0x1: {  	s1 =	rddreg [dreg:$0x0]  }
0x2: {  	s3 =	rddreg [dreg:$0x1];
	s2 =	srdreg.scid  }
0x3: {  	s0 =	stileid.u32;
	s5 =	rddreg [dreg:$0x2]  }
0x4: {  	s13 =	simm.s32 $0x200;
	s14 =	simm.s32 $0x40000;
	s15 =	simm.s32 $0x4C00  }
0x5: {  	s16 =	simm.s32 $0x2600;
	s17 =	simm.s32 $0x4E00;
	s18 =	simm.s32 $0x1  }
0x6: {  	s19 =	simm.s32 $0x3;
	s20 =	simm.s32 $0x5000;
	s21 =	simm.s32 $0x2  }
0x7: {  	s22 =	simm.s32 $0x4;
	s23 =	simm.s32 $0x5;
	s24 =	simm.s32 $0x0  }
0x8: {  	s6 =	sand.u32 $0x1, s2;
	s4 =	sshll.u32 s0, $0x1;
	s9 =	sshrl.u32 s0, $0x2  }
0x9: {  	v0 =	vlaneseq.u32;
	s7 =	sor.u32 s6, s4;
	s4 =	simm.s32 $0x0;
	s10 =	smul.u32 $0x4C0000, s9  }
0xa: {  	v1 =	vimm.s32 $0x0;
	v2 =	vimm.s32 $0x1;
	v3 =	vor.u32 $0x800, v0;
	s26 =	sshll.u32 s9, $0x12;
	s28 =	ssub.s32 $0x2, s6;
	s8 =	smul.u32 $0x1300, s7  }
0xb: {  	v5 =	vor.u32 $0x1000, v0;
	v6 =	vor.u32 $0x1800, v0;
	v7 =	vor.u32 $0x2000, v0;
	[smem:$0x7FF] =	sst s4;
	s7 =	sshll.u32 s7, $0xF;
	s30 =	sshrl.u32 s28, $0x1  }
.Ltmp0:
0xc: {  	v4 =	vand.u32 $0x7, v0;
	v8 =	vor.u32 $0x2800, v0;
	v9 =	vor.u32 $0x3000, v0;
	_ =	strace $0x80000047;
	s7 =	sand.u32 $0x38000, s7;
	(pc) =	sbr.rel .LBB2_1-.Ltmp0, $4  }
0xd: {  	v10 =	vor.u32 $0x3800, v0;
	v11 =	vor.u32 $0x4000, v0;
	v12 =	vor.u32 $0x4800, v0;
	s11 =	sadd.s32 s8, s5;
	s5 =	sor.u32 s10, s7;
	s6 =	sor.u32 s26, s7  }
0xe: {  	v13 =	vor.u32 $0x5000, v0;
	v14 =	vor.u32 $0x5800, v0;
	v15 =	vor.u32 $0x6000, v0;
	s12 =	ssub.s32 s28, s30;
	s29 =	sshrl.u32 s5, $0x3;
	s31 =	sshrl.u32 s6, $0x3  }
0xf: {  	v16 =	vor.u32 $0x6800, v0;
	v17 =	vor.u32 $0x7000, v0;
	v18 =	vor.u32 $0x7800, v0;
	s12 =	smax.u32 s12, $0x1;
	s7 =	sadd.s32 s1, s29;
	s8 =	sadd.s32 s3, s31  }
0x10: {  	v19 =	vor.u32 $0x8000, v0;
	v20 =	vor.u32 $0x8800, v0;
	v21 =	vor.u32 $0x9000, v0;
	s11 =	sadd.s32 $0x600, s11;
	s9 =	sadd.s32 $0x40, s7;
	s10 =	sadd.s32 $0x40, s8  }
.LBB2_10:
0x11: {  	s24 =	sadd.s32 $0x1, s24  }
0x12: {  	p0 =	sne.s32 s24, s12  }
.Ltmp1:
0x13: {  	_ = 	snop;
	(pc) =	sbr.rel @!p0 .LBB2_11-.Ltmp1, $4  }
0x14: {  	[hbm4b:s11+s4] =	stream.linear.scatter [tilespmem:s20], [sflag:$0x5], $0x9800, $0x38;
	[tilespmem:$0xE800] =	vst v63  }
0x15: {  	_ =	swait.ge [sflag:s23], $0x9800  }
0x16: {  	[sflag:s23] =	ssyncset.done $0x0  }
0x17: {  	[sflag:s23] =	ssyncadd.s32 $0xFFFF6800  }
.LBB2_1:
0x18: {  	[tilespmem:s4], [sflag:$0x1] =	stream.strided.gather [hbm4b:s7+s13], $0x2600, s14, s13, $0x38;
	[tilespmem:$0xE800] =	vst v63  }
0x19: {  	_ = 	snop  }
0x1a: {  	[tilespmem:s15], [sflag:$0x3] =	stream.linear.gather [hbm4b:s8+s4], $0x200, $0x38;
	[tilespmem:$0xE800] =	vst v63  }
0x1b: {  	_ = 	snop  }
0x1c: {  	[tilespmem:s16], [sflag:$0x2] =	stream.strided.gather [hbm4b:s9+s13], $0x2600, s14, s13, $0x38;
	[tilespmem:$0xE800] =	vst v63  }
0x1d: {  	s25 =	simm.s32 $0x5020  }
0x1e: {  	[tilespmem:s17], [sflag:$0x4] =	stream.linear.gather [hbm4b:s10+s4], $0x200, $0x38;
	[tilespmem:$0xE800] =	vst v63  }
0x1f: {  	[tilespmem:s25+$0xFFFFFFE0] =	vst v1  }
0x20: {  	[tilespmem:s25+$0x10] =	vst v1  }
0x21: {  	s26 =	simm.s32 $0x0;
	[tilespmem:s25+$0x0] =	vst v1  }
.LBB2_2:
0x22: {  	s26 =	sadd.s32 $0x4, s26  }
0x23: {  	[tilespmem:s25+$0xFFFFFFF0] =	vst v1;
	s25 =	sadd.s32 $0x40, s25;
	p0 =	slt.u32 s26, $0x97C  }
.Ltmp2:
0x24: {  	[tilespmem:s25+$0xFFFFFFE0] =	vst v1;
	(pc) =	sbr.rel @p0 .LBB2_2-.Ltmp2, $3  }
0x25: {  	_ =	sdelay $0x1  }
0x26: {  	[tilespmem:s25+$0x10] =	vst v1  }
0x27: {  	[tilespmem:s25+$0x0] =	vst v1  }
0x28: {  	[tilespmem:s25+$0xFFFFFFF0] =	vst v1;
	s25 =	simm.s32 $0x0  }
.LBB2_4:
0x29: {  	_ =	swait.ge [sflag:s18], $0x2600  }
0x2a: {  	[sflag:s18] =	ssyncset.done $0x0  }
0x2b: {  	[sflag:s18] =	ssyncadd.s32 $0xFFFFDA00  }
0x2c: {  	_ =	swait.ge [sflag:s19], $0x200  }
0x2d: {  	[sflag:s19] =	ssyncset.done $0x0  }
0x2e: {  	s26 =	simm.s32 $0x0;
	[sflag:s19] =	ssyncadd.s32 $0xFFFFFE00  }
.LBB2_5:
0x2f: {  	s28 =	sshra.s32 s26, $0x2  }
0x30: {  	v22 =	vld [tilespmem:s28+$0x0]  }
0x31: {  	v23 =	vld [tilespmem:s28+$0x200];
	_ =	sdelay $0x1  }
0x32: {  	v24 =	vld [tilespmem:s28+$0x400];
	_ =	sdelay $0x1  }
0x33: {  	v25 =	vld [tilespmem:s28+$0x600];
	v22 =	vmul.f32 $1.442695020e+00, v22  }
0x34: {  	v23 =	vmul.f32 $1.442695020e+00, v23  }
0x35: {  	(erf) = vpow2.f32 v22;
	v22 =	vld [tilespmem:s28+$0x800]  }
0x36: {  	(erf) = vpow2.f32 v23;
	v23 =	vmul.f32 $1.442695020e+00, v24  }
0x37: {  	v52 =	vld [tilespmem:s28+$0xA00]  }
0x38: {  	(erf) = vpow2.f32 v23;
	v23 =	vmul.f32 $1.442695020e+00, v25  }
0x39: {  	v53 =	vld [tilespmem:s28+$0xC00]  }
0x3a: {  	(erf) = vpow2.f32 v23;
	v22 =	vmul.f32 $1.442695020e+00, v22  }
0x3b: {  	v23 =	vld [tilespmem:s28+$0xE00]  }
0x3c: {  	(erf) = vpow2.f32 v22;
	v22 =	vmul.f32 $1.442695020e+00, v52  }
0x3d: {  	v54 =	vld [tilespmem:s28+$0x1000]  }
0x3e: {  	v26 =	vpop (erf);
	(erf) = vpow2.f32 v22;
	v22 =	vmul.f32 $1.442695020e+00, v53  }
0x3f: {  	v27 =	vld [tilespmem:s28+$0x1200];
	v55 =	vpop (erf)  }
0x40: {  	(erf) = vpow2.f32 v22;
	v22 =	vmul.f32 $1.442695020e+00, v23;
	v23 =	vadd.f32 v55, v26  }
0x41: {  	v29 =	vld [tilespmem:s28+$0x1400];
	v28 =	vpop (erf)  }
0x42: {  	(erf) = vpow2.f32 v22;
	v22 =	vmul.f32 $1.442695020e+00, v54;
	v23 =	vadd.f32 v28, v23  }
0x43: {  	v30 =	vld [tilespmem:s28+$0x1600];
	v56 =	vpop (erf)  }
0x44: {  	(erf) = vpow2.f32 v22;
	v22 =	vmul.f32 $1.442695020e+00, v27;
	v23 =	vadd.f32 v56, v23  }
0x45: {  	v31 =	vld [tilespmem:s28+$0x1800];
	v57 =	vpop (erf)  }
0x46: {  	(erf) = vpow2.f32 v22;
	v22 =	vmul.f32 $1.442695020e+00, v29;
	v23 =	vadd.f32 v57, v23  }
0x47: {  	v58 =	vld [tilespmem:s28+$0x1A00];
	v34 =	vpop (erf)  }
0x48: {  	(erf) = vpow2.f32 v22;
	v22 =	vmul.f32 $1.442695020e+00, v30;
	v23 =	vadd.f32 v34, v23  }
0x49: {  	v32 =	vld [tilespmem:s28+$0x1C00];
	v59 =	vpop (erf)  }
0x4a: {  	(erf) = vpow2.f32 v22;
	v22 =	vmul.f32 $1.442695020e+00, v31;
	v23 =	vadd.f32 v59, v23  }
0x4b: {  	v33 =	vld [tilespmem:s28+$0x1E00];
	v60 =	vpop (erf)  }
0x4c: {  	(erf) = vpow2.f32 v22;
	v22 =	vmul.f32 $1.442695020e+00, v58;
	v23 =	vadd.f32 v60, v23  }
0x4d: {  	v61 =	vld [tilespmem:s28+$0x2000];
	v40 =	vpop (erf)  }
0x4e: {  	(erf) = vpow2.f32 v22;
	v22 =	vmul.f32 $1.442695020e+00, v32;
	v23 =	vadd.f32 v40, v23  }
0x4f: {  	v62 =	vld [tilespmem:s28+$0x2200];
	v41 =	vpop (erf)  }
0x50: {  	(erf) = vpow2.f32 v22;
	v22 =	vmul.f32 $1.442695020e+00, v33;
	v23 =	vadd.f32 v41, v23  }
0x51: {  	v63 =	vld [tilespmem:s28+$0x2400];
	v42 =	vpop (erf)  }
0x52: {  	(erf) = vpow2.f32 v22;
	v22 =	vmul.f32 $1.442695020e+00, v61;
	v23 =	vadd.f32 v42, v23  }
0x53: {  	v43 =	vpop (erf)  }
0x54: {  	(erf) = vpow2.f32 v22;
	v22 =	vmul.f32 $1.442695020e+00, v62;
	v23 =	vadd.f32 v43, v23  }
0x55: {  	v44 =	vpop (erf)  }
0x56: {  	(erf) = vpow2.f32 v22;
	v22 =	vmul.f32 $1.442695020e+00, v63;
	v23 =	vadd.f32 v44, v23  }
0x57: {  	v45 =	vpop (erf)  }
0x58: {  	(erf) = vpow2.f32 v22;
	v22 =	vadd.f32 v45, v23  }
0x59: {  	v46 =	vpop (erf)  }
0x5a: {  	v22 =	vadd.f32 v46, v22  }
0x5b: {  	v47 =	vpop (erf)  }
0x5c: {  	v22 =	vadd.f32 v47, v22  }
0x5d: {  	v38 =	vpop (erf)  }
0x5e: {  	v22 =	vadd.f32 v38, v22  }
0x5f: {  	v37 =	vpop (erf)  }
0x60: {  	v22 =	vadd.f32 v37, v22  }
0x61: {  	v35 =	vpop (erf)  }
0x62: {  	v22 =	vadd.f32 v35, v22;
	_ =	sdelay $0x1  }
0x63: {  	(erf) = vrcp.f32 v22;
	_ =	sdelay $0x5  }
0x64: {  	v33 =	vld [tilespmem:s28+$0x4C00];
	_ =	sdelay $0x2  }
0x65: {  	v22 =	vpop (erf)  }
0x66: {  	v39 =	vmul.f32 $1.280000000e+02, v22  }
0x67: {  	vm0 =	veq.s32 v33, $0x0;
	vm1 =	veq.s32 v33, $0x1  }
0x68: {  	vm3 =	veq.s32 v33, $0x2;
	vm11 =	veq.s32 v33, $0x3;
	v22 =	vmul.f32 v39, v26  }
0x69: {  	vm13 =	veq.s32 v33, $0x4;
	v25 =	vmul.f32 v39, v55;
	v32 =	vmul.f32 v39, v28  }
0x6a: {  	vm15 =	veq.s32 v33, $0x5;
	v24 =	vmul.f32 v39, v56;
	v27 =	vmul.f32 v39, v57  }
0x6b: {  	vm7 =	veq.s32 v33, $0x6;
	v34 =	vmul.f32 v39, v34;
	v30 =	vmul.f32 v39, v59  }
0x6c: {  	vm9 =	veq.s32 v33, $0x7;
	v31 =	vmul.f32 v39, v60;
	v40 =	vmul.f32 v39, v40  }
0x6d: {  	vm4 =	veq.s32 v33, $0xB;
	v41 =	vmul.f32 v39, v41;
	v42 =	vmul.f32 v39, v42  }
0x6e: {  	vm5 =	veq.s32 v33, $0x12;
	v43 =	vmul.f32 v39, v43;
	v46 =	vmul.f32 v39, v46  }
0x6f: {  	v47 =	vmul.f32 v39, v47;
	v23 =	vsub.f32 $1.280000000e+02, v22;
	v36 =	vsub.f32 $1.280000000e+02, v32  }
0x70: {  	v38 =	vmul.f32 v39, v38;
	v48 =	vsub.f32 $1.280000000e+02, v24;
	v49 =	vsub.f32 $1.280000000e+02, v27  }
0x71: {  	v37 =	vmul.f32 v39, v37;
	v52 =	vsub.f32 $1.280000000e+02, v34;
	v54 =	vsub.f32 $1.280000000e+02, v30  }
0x72: {  	v35 =	vmul.f32 v39, v35;
	v57 =	vsub.f32 $1.280000000e+02, v31;
	v59 =	vsub.f32 $1.280000000e+02, v40  }
0x73: {  	v62 =	vsub.f32 $1.280000000e+02, v41;
	v22 =	vsel vm0, v23, v22;
	v23 =	vsub.f32 $1.280000000e+02, v25  }
0x74: {  	v24 =	vsel vm11, v48, v24;
	v51 =	vsel vm13, v49, v27;
	v26 =	vsel vm15, v52, v34  }
0x75: {  	v56 =	vsel vm7, v54, v30;
	v22 =	vtrunc.f32 v22;
	v24 =	vtrunc.f32 v24  }
0x76: {  	v28 =	vsel vm9, v57, v31;
	v26 =	vtrunc.f32 v26;
	v27 =	vtrunc.f32 v56  }
0x77: {  	v57 =	vsub.f32 $1.280000000e+02, v43;
	v28 =	vtrunc.f32 v28;
	v22 =	vcvt.f32.s32 v22  }
0x78: {  	v23 =	vsel vm1, v23, v25;
	v25 =	vsel vm3, v36, v32;
	v50 =	vcvt.f32.s32 v24  }
0x79: {  	v24 =	vsel vm3, $0x10001, v2;
	v55 =	vcvt.f32.s32 v26;
	v26 =	vsel vm13, $0x10001, v2  }
0x7a: {  	v58 =	vcvt.f32.s32 v27;
	v27 =	vsel vm15, $0x10001, v2;
	v60 =	vcvt.f32.s32 v28  }
0x7b: {  	v28 =	vsel vm7, $0x10001, v2;
	vm13 =	veq.s32 v33, $0x9;
	vm15 =	veq.s32 v33, $0xA  }
0x7c: {  	vm3 =	veq.s32 v33, $0x10;
	v23 =	vtrunc.f32 v23;
	v25 =	vtrunc.f32 v25  }
0x7d: {  	v31 =	vsel vm13, v62, v41;
	v62 =	vsub.f32 $1.280000000e+02, v47;
	vm2 =	vlt.s32 v22, $0x7F  }
0x7e: {  	v23 =	vcvt.f32.s32 v23;
	v25 =	vcvt.f32.s32 v25;
	vm14 =	vlt.s32 v50, $0x7F  }
0x7f: {  	vm8 =	vlt.s32 v55, $0x7F;
	v31 =	vtrunc.f32 v31;
	v29 =	vnsel vm2, $0x7F, v22  }
0x80: {  	v22 =	vsel vm0, $0x10001, v2;
	v48 =	vnsel vm14, $0x7F, v50;
	v50 =	vnsel vm8, $0x7F, v55  }
0x81: {  	v55 =	vsub.f32 $1.280000000e+02, v42;
	v56 =	vcvt.f32.s32 v31;
	vm0 =	veq.s32 v33, $0xD  }
0x82: {  	vm2 =	veq.s32 v33, $0xF;
	vm10 =	vlt.s32 v23, $0x7F;
	vm12 =	vlt.s32 v25, $0x7F  }
0x83: {  	v47 =	vsel vm2, v62, v47;
	v29 =	vshll.u32 v29, $0x4;
	v32 =	vnsel vm10, $0x7F, v23  }
0x84: {  	v23 =	vsel vm1, $0x10001, v2;
	v36 =	vnsel vm12, $0x7F, v25;
	v25 =	vtrunc.f32 v51  }
0x85: {  	vm10 =	vlt.s32 v58, $0x7F;
	vm12 =	vlt.s32 v60, $0x7F;
	v34 =	vsel vm15, v55, v42  }
0x86: {  	v42 =	vsel vm4, v57, v43;
	vm1 =	veq.s32 v33, $0xE;
	v57 =	vsub.f32 $1.280000000e+02, v35  }
0x87: {  	v29 =	vor.u32 v0, v29;
	v53 =	vcvt.f32.s32 v25;
	v25 =	vsel vm11, $0x10001, v2  }
0x88: {  	vm11 =	veq.s32 v33, $0x8;
	v51 =	vnsel vm10, $0x7F, v58;
	v34 =	vtrunc.f32 v34  }
0x89: {  	v52 =	vnsel vm12, $0x7F, v60;
	v58 =	vmul.f32 v39, v44;
	v42 =	vtrunc.f32 v42  }
0x8a: {  	v32 =	vshll.u32 v32, $0x4;
	v36 =	vshll.u32 v36, $0x4;
	v61 =	vsel vm11, v59, v40  }
0x8b: {  	v31 =	vsel vm11, $0x10001, v2;
	v59 =	vmul.f32 v39, v45;
	v42 =	vcvt.f32.s32 v42  }
0x8c: {  	v35 =	vsel vm5, v57, v35;
	v32 =	vadd.s32 v3, v32;
	v36 =	vadd.s32 v5, v36  }
0x8d: {  	v55 =	vshll.u32 v51, $0x4;
	vm6 =	vlt.s32 v53, $0x7F;
	v30 =	vtrunc.f32 v61  }
0x8e: {  	v60 =	vsub.f32 $1.280000000e+02, v58;
	v61 =	vsub.f32 $1.280000000e+02, v46;
	v35 =	vtrunc.f32 v35  }
0x8f: {  	v32 =	vand.u32 $0xFFFFFFF8, v32;
	v36 =	vand.u32 $0xFFFFFFF8, v36;
	v49 =	vnsel vm6, $0x7F, v53  }
0x90: {  	v63 =	vcvt.f32.s32 v30;
	v30 =	vsel vm9, $0x10001, v2;
	vm6 =	vlt.s32 v56, $0x7F  }
0x91: {  	v53 =	vcvt.f32.s32 v34;
	v34 =	vsel vm13, $0x10001, v2;
	v54 =	vsub.f32 $1.280000000e+02, v59  }
0x92: {  	vm8 =	vlt.s32 v42, $0x7F;
	vm9 =	veq.s32 v33, $0x11;
	v35 =	vcvt.f32.s32 v35  }
0x93: {  	v32 =	vor.u32 v4, v32;
	v36 =	vor.u32 v4, v36;
	v41 =	vnsel vm6, $0x7F, v56  }
0x94: {  	vm6 =	veq.s32 v33, $0xC;
	v42 =	vnsel vm8, $0x7F, v42;
	v46 =	vsel vm1, v61, v46  }
0x95: {  	v56 =	vsub.f32 $1.280000000e+02, v37;
	v61 =	vshll.u32 v48, $0x4;
	v62 =	vshll.u32 v49, $0x4  }
0x96: {  	vm14 =	vlt.s32 v63, $0x7F;
	vm7 =	vlt.s32 v53, $0x7F;
	v43 =	vsel vm6, v60, v58  }
0x97: {  	v44 =	vsel vm0, v54, v59;
	v54 =	vsel vm15, $0x10001, v2;
	v59 =	vtrunc.f32 v46  }
0x98: {  	v39 =	vsel vm6, $0x10001, v2;
	v60 =	vtrunc.f32 v47;
	vm15 =	vlt.s32 v35, $0x7F  }
0x99: {  	v47 =	vadd.s32 v6, v61;
	v48 =	vadd.s32 v7, v62;
	v41 =	vshll.u32 v41, $0x4  }
0x9a: {  	v40 =	vnsel vm14, $0x7F, v63;
	v45 =	vnsel vm7, $0x7F, v53;
	v43 =	vtrunc.f32 v43  }
0x9b: {  	v63 =	vsub.f32 $1.280000000e+02, v38;
	v53 =	vsel vm4, $0x10001, v2;
	v58 =	vtrunc.f32 v44  }
0x9c: {  	v37 =	vsel vm9, v56, v37;
	v44 =	vcvt.f32.s32 v59;
	v46 =	vcvt.f32.s32 v60  }
0x9d: {  	v35 =	vnsel vm15, $0x7F, v35;
	v47 =	vand.u32 $0xFFFFFFF8, v47;
	v48 =	vand.u32 $0xFFFFFFF8, v48  }
0x9e: {  	v56 =	vshll.u32 v52, $0x4;
	v41 =	vadd.s32 v12, v41;
	v60 =	vshll.u32 v42, $0x4  }
0x9f: {  	v43 =	vcvt.f32.s32 v43;
	v37 =	vtrunc.f32 v37;
	v47 =	vor.u32 v4, v47  }
0xa0: {  	v48 =	vor.u32 v4, v48;
	v51 =	vadd.s32 v10, v56;
	v40 =	vshll.u32 v40, $0x4  }
0xa1: {  	v57 =	vand.u32 $0xFFFFFFF8, v41;
	v62 =	vadd.s32 v14, v60;
	v38 =	vsel vm3, v63, v38  }
0xa2: {  	vm11 =	vlt.s32 v44, $0x7F;
	v37 =	vcvt.f32.s32 v37;
	vm12 =	vlt.s32 v46, $0x7F  }
0xa3: {  	[tilespmem:v29+s20+$0x0] =	vst.idx.add.s32.msk $0xffff, v22;
	v63 =	vshll.u32 v50, $0x4;
	v50 =	vadd.s32 v9, v55;
	v51 =	vand.u32 $0xFFFFFFF8, v51  }
0xa4: {  	v40 =	vadd.s32 v11, v40;
	[tilespmem:v32+s20+$0x0] =	vst.idx.add.s32.msk $0xffff, v23;
	v23 =	vor.u32 v4, v57;
	v57 =	vshll.u32 v35, $0x4  }
0xa5: {  	vm7 =	vlt.s32 v43, $0x7F;
	v38 =	vtrunc.f32 v38;
	v44 =	vnsel vm11, $0x7F, v44  }
0xa6: {  	v46 =	vnsel vm12, $0x7F, v46;
	v49 =	vadd.s32 v8, v63;
	v50 =	vand.u32 $0xFFFFFFF8, v50  }
0xa7: {  	v51 =	vor.u32 v4, v51;
	v40 =	vand.u32 $0xFFFFFFF8, v40;
	[tilespmem:v36+s20+$0x0] =	vst.idx.add.s32.msk $0xffff, v24;
	v36 =	vand.u32 $0xFFFFFFF8, v62  }
0xa8: {  	v33 =	vnsel vm7, $0x7F, v43;
	v43 =	vcvt.f32.s32 v58;
	v38 =	vcvt.f32.s32 v38  }
0xa9: {  	vm14 =	vlt.s32 v37, $0x7F;
	v49 =	vand.u32 $0xFFFFFFF8, v49;
	v50 =	vor.u32 v4, v50  }
0xaa: {  	v22 =	vor.u32 v4, v40;
	v58 =	vshll.u32 v45, $0x4;
	v49 =	vor.u32 v4, v49  }
0xab: {  	v45 =	vshll.u32 v44, $0x4;
	v37 =	vnsel vm14, $0x7F, v37;
	v59 =	vadd.s32 v13, v58  }
0xac: {  	v63 =	vshll.u32 v33, $0x4;
	vm10 =	vlt.s32 v43, $0x7F;
	vm13 =	vlt.s32 v38, $0x7F  }
0xad: {  	v61 =	vand.u32 $0xFFFFFFF8, v59;
	[tilespmem:v47+s20+$0x0] =	vst.idx.add.s32.msk $0xffff, v25;
	v40 =	vadd.s32 v15, v63;
	v25 =	vor.u32 v4, v36  }
0xae: {  	v47 =	vadd.s32 v17, v45;
	v52 =	vshll.u32 v37, $0x4;
	v43 =	vnsel vm10, $0x7F, v43;
	[tilespmem:v48+s20+$0x0] =	vst.idx.add.s32.msk $0xffff, v26  }
0xaf: {  	v38 =	vnsel vm13, $0x7F, v38;
	v24 =	vor.u32 v4, v61;
	v42 =	vshll.u32 v43, $0x4;
	[tilespmem:v49+s20+$0x0] =	vst.idx.add.s32.msk $0xffff, v27  }
0xb0: {  	v41 =	vand.u32 $0xFFFFFFF8, v40;
	v48 =	vshll.u32 v46, $0x4;
	v43 =	vadd.s32 v16, v42;
	[tilespmem:v50+s20+$0x0] =	vst.idx.add.s32.msk $0xffff, v28  }
0xb1: {  	v26 =	vor.u32 v4, v41;
	v29 =	vadd.s32 v18, v48;
	v27 =	vand.u32 $0xFFFFFFF8, v43;
	[tilespmem:v51+s20+$0x0] =	vst.idx.add.s32.msk $0xffff, v30  }
0xb2: {  	v27 =	vor.u32 v4, v27;
	v28 =	vand.u32 $0xFFFFFFF8, v47;
	v50 =	vshll.u32 v38, $0x4;
	[tilespmem:v22+s20+$0x0] =	vst.idx.add.s32.msk $0xffff, v31  }
0xb3: {  	v49 =	vand.u32 $0xFFFFFFF8, v29;
	v51 =	vadd.s32 v19, v50;
	v22 =	vor.u32 v4, v28;
	[tilespmem:v23+s20+$0x0] =	vst.idx.add.s32.msk $0xffff, v34  }
0xb4: {  	v56 =	vadd.s32 v20, v52;
	v55 =	vand.u32 $0xFFFFFFF8, v51;
	v23 =	vor.u32 v4, v49;
	[tilespmem:v24+s20+$0x0] =	vst.idx.add.s32.msk $0xffff, v54  }
0xb5: {  	v59 =	vadd.s32 v21, v57;
	v58 =	vand.u32 $0xFFFFFFF8, v56;
	v24 =	vor.u32 v4, v55;
	[tilespmem:v25+s20+$0x0] =	vst.idx.add.s32.msk $0xffff, v53  }
0xb6: {  	v60 =	vsel vm0, $0x10001, v2;
	v61 =	vand.u32 $0xFFFFFFF8, v59;
	v25 =	vor.u32 v4, v58;
	[tilespmem:v26+s20+$0x0] =	vst.idx.add.s32.msk $0xffff, v39  }
0xb7: {  	p0 =	sne.s32 s26, $0x7C0;
	v62 =	vsel vm1, $0x10001, v2;
	v26 =	vor.u32 v4, v61;
	[tilespmem:v27+s20+$0x0] =	vst.idx.add.s32.msk $0xffff, v60  }
.Ltmp3:
0xb8: {  	v63 =	vsel vm2, $0x10001, v2;
	[tilespmem:v22+s20+$0x0] =	vst.idx.add.s32.msk $0xffff, v62;
	(pc) =	sbr.rel @p0 .LBB2_5-.Ltmp3, $4  }
0xb9: {  	v22 =	vsel vm3, $0x10001, v2;
	[tilespmem:v23+s20+$0x0] =	vst.idx.add.s32.msk $0xffff, v63  }
0xba: {  	[tilespmem:v24+s20+$0x0] =	vst.idx.add.s32.msk $0xffff, v22;
	v22 =	vsel vm9, $0x10001, v2  }
0xbb: {  	[tilespmem:v25+s20+$0x0] =	vst.idx.add.s32.msk $0xffff, v22;
	v22 =	vsel vm5, $0x10001, v2  }
0xbc: {  	s26 =	sadd.s32 $0x40, s26;
	[tilespmem:v26+s20+$0x0] =	vst.idx.add.s32.msk $0xffff, v22  }
0xbd: {  	s26 =	sshll.u32 s25, $0xA;
	p0 =	seq.s32 s25, $0x1F  }
0xbe: {  	s28 =	sadd.s32 @!p0 $0x400, s26  }
0xbf: {  	s30 =	simm.s32 @!p0 $0x200;
	s29 =	sadd.s32 @!p0 s28, s5  }
0xc0: {  	s31 =	simm.s32 @!p0 $0x40000;
	s28 =	sadd.s32 @!p0 s6, s28;
	s29 =	sshrl.u32 @!p0 s29, $0x3  }
0xc1: {  	s2 =	simm.s32 @!p0 $0x0;
	s28 =	sshrl.u32 @!p0 s28, $0x3;
	s29 =	sadd.s32 @!p0 s1, s29  }
0xc2: {  	[tilespmem:s2], [sflag:$0x1] =	stream.strided.gather @!p0 [hbm4b:s29+s30], $0x2600, s31, s30, $0x38;
	[tilespmem:$0xE800] =	vst v63  }
0xc3: {  	s28 =	sadd.s32 @!p0 s3, s28;
	s29 =	simm.s32 @!p0 $0x4C00  }
0xc4: {  	[tilespmem:s29], [sflag:$0x3] =	stream.linear.gather @!p0 [hbm4b:s28+s2], $0x200, $0x38;
	[tilespmem:$0xE800] =	vst v63  }
0xc5: {  	_ =	swait.ge [sflag:s21], $0x2600  }
0xc6: {  	[sflag:s21] =	ssyncset.done $0x0  }
0xc7: {  	[sflag:s21] =	ssyncadd.s32 $0xFFFFDA00  }
0xc8: {  	_ =	swait.ge [sflag:s22], $0x200  }
0xc9: {  	[sflag:s22] =	ssyncset.done $0x0  }
0xca: {  	s28 =	simm.s32 $0x0;
	[sflag:s22] =	ssyncadd.s32 $0xFFFFFE00  }
.LBB2_7:
0xcb: {  	s29 =	sshra.s32 s28, $0x2  }
0xcc: {  	v22 =	vld [tilespmem:s29+$0x2600]  }
0xcd: {  	v23 =	vld [tilespmem:s29+$0x2800];
	_ =	sdelay $0x1  }
0xce: {  	v24 =	vld [tilespmem:s29+$0x2A00];
	_ =	sdelay $0x1  }
0xcf: {  	v25 =	vld [tilespmem:s29+$0x2C00];
	v22 =	vmul.f32 $1.442695020e+00, v22  }
0xd0: {  	v23 =	vmul.f32 $1.442695020e+00, v23  }
0xd1: {  	(erf) = vpow2.f32 v22;
	v22 =	vld [tilespmem:s29+$0x2E00]  }
0xd2: {  	(erf) = vpow2.f32 v23;
	v23 =	vmul.f32 $1.442695020e+00, v24  }
0xd3: {  	v52 =	vld [tilespmem:s29+$0x3000]  }
0xd4: {  	(erf) = vpow2.f32 v23;
	v23 =	vmul.f32 $1.442695020e+00, v25  }
0xd5: {  	v53 =	vld [tilespmem:s29+$0x3200]  }
0xd6: {  	(erf) = vpow2.f32 v23;
	v22 =	vmul.f32 $1.442695020e+00, v22  }
0xd7: {  	v23 =	vld [tilespmem:s29+$0x3400]  }
0xd8: {  	(erf) = vpow2.f32 v22;
	v22 =	vmul.f32 $1.442695020e+00, v52  }
0xd9: {  	v54 =	vld [tilespmem:s29+$0x3600]  }
0xda: {  	v26 =	vpop (erf);
	(erf) = vpow2.f32 v22;
	v22 =	vmul.f32 $1.442695020e+00, v53  }
0xdb: {  	v27 =	vld [tilespmem:s29+$0x3800];
	v55 =	vpop (erf)  }
0xdc: {  	(erf) = vpow2.f32 v22;
	v22 =	vmul.f32 $1.442695020e+00, v23;
	v23 =	vadd.f32 v55, v26  }
0xdd: {  	v29 =	vld [tilespmem:s29+$0x3A00];
	v28 =	vpop (erf)  }
0xde: {  	(erf) = vpow2.f32 v22;
	v22 =	vmul.f32 $1.442695020e+00, v54;
	v23 =	vadd.f32 v28, v23  }
0xdf: {  	v30 =	vld [tilespmem:s29+$0x3C00];
	v56 =	vpop (erf)  }
0xe0: {  	(erf) = vpow2.f32 v22;
	v22 =	vmul.f32 $1.442695020e+00, v27;
	v23 =	vadd.f32 v56, v23  }
0xe1: {  	v31 =	vld [tilespmem:s29+$0x3E00];
	v57 =	vpop (erf)  }
0xe2: {  	(erf) = vpow2.f32 v22;
	v22 =	vmul.f32 $1.442695020e+00, v29;
	v23 =	vadd.f32 v57, v23  }
0xe3: {  	v58 =	vld [tilespmem:s29+$0x4000];
	v34 =	vpop (erf)  }
0xe4: {  	(erf) = vpow2.f32 v22;
	v22 =	vmul.f32 $1.442695020e+00, v30;
	v23 =	vadd.f32 v34, v23  }
0xe5: {  	v32 =	vld [tilespmem:s29+$0x4200];
	v59 =	vpop (erf)  }
0xe6: {  	(erf) = vpow2.f32 v22;
	v22 =	vmul.f32 $1.442695020e+00, v31;
	v23 =	vadd.f32 v59, v23  }
0xe7: {  	v33 =	vld [tilespmem:s29+$0x4400];
	v60 =	vpop (erf)  }
0xe8: {  	(erf) = vpow2.f32 v22;
	v22 =	vmul.f32 $1.442695020e+00, v58;
	v23 =	vadd.f32 v60, v23  }
0xe9: {  	v61 =	vld [tilespmem:s29+$0x4600];
	v40 =	vpop (erf)  }
0xea: {  	(erf) = vpow2.f32 v22;
	v22 =	vmul.f32 $1.442695020e+00, v32;
	v23 =	vadd.f32 v40, v23  }
0xeb: {  	v62 =	vld [tilespmem:s29+$0x4800];
	v41 =	vpop (erf)  }
0xec: {  	(erf) = vpow2.f32 v22;
	v22 =	vmul.f32 $1.442695020e+00, v33;
	v23 =	vadd.f32 v41, v23  }
0xed: {  	v63 =	vld [tilespmem:s29+$0x4A00];
	v42 =	vpop (erf)  }
0xee: {  	(erf) = vpow2.f32 v22;
	v22 =	vmul.f32 $1.442695020e+00, v61;
	v23 =	vadd.f32 v42, v23  }
0xef: {  	v43 =	vpop (erf)  }
0xf0: {  	(erf) = vpow2.f32 v22;
	v22 =	vmul.f32 $1.442695020e+00, v62;
	v23 =	vadd.f32 v43, v23  }
0xf1: {  	v44 =	vpop (erf)  }
0xf2: {  	(erf) = vpow2.f32 v22;
	v22 =	vmul.f32 $1.442695020e+00, v63;
	v23 =	vadd.f32 v44, v23  }
0xf3: {  	v45 =	vpop (erf)  }
0xf4: {  	(erf) = vpow2.f32 v22;
	v22 =	vadd.f32 v45, v23  }
0xf5: {  	v46 =	vpop (erf)  }
0xf6: {  	v22 =	vadd.f32 v46, v22  }
0xf7: {  	v47 =	vpop (erf)  }
0xf8: {  	v22 =	vadd.f32 v47, v22  }
0xf9: {  	v38 =	vpop (erf)  }
0xfa: {  	v22 =	vadd.f32 v38, v22  }
0xfb: {  	v37 =	vpop (erf)  }
0xfc: {  	v22 =	vadd.f32 v37, v22  }
0xfd: {  	v35 =	vpop (erf)  }
0xfe: {  	v22 =	vadd.f32 v35, v22;
	_ =	sdelay $0x1  }
0xff: {  	(erf) = vrcp.f32 v22;
	_ =	sdelay $0x5  }
0x100: {  	v33 =	vld [tilespmem:s29+$0x4E00];
	_ =	sdelay $0x2  }
0x101: {  	v22 =	vpop (erf)  }
0x102: {  	v39 =	vmul.f32 $1.280000000e+02, v22  }
0x103: {  	vm0 =	veq.s32 v33, $0x0;
	vm1 =	veq.s32 v33, $0x1  }
0x104: {  	vm3 =	veq.s32 v33, $0x2;
	vm11 =	veq.s32 v33, $0x3;
	v22 =	vmul.f32 v39, v26  }
0x105: {  	vm13 =	veq.s32 v33, $0x4;
	v25 =	vmul.f32 v39, v55;
	v32 =	vmul.f32 v39, v28  }
0x106: {  	vm15 =	veq.s32 v33, $0x5;
	v24 =	vmul.f32 v39, v56;
	v27 =	vmul.f32 v39, v57  }
0x107: {  	vm7 =	veq.s32 v33, $0x6;
	v34 =	vmul.f32 v39, v34;
	v30 =	vmul.f32 v39, v59  }
0x108: {  	vm9 =	veq.s32 v33, $0x7;
	v31 =	vmul.f32 v39, v60;
	v40 =	vmul.f32 v39, v40  }
0x109: {  	vm4 =	veq.s32 v33, $0xB;
	v41 =	vmul.f32 v39, v41;
	v42 =	vmul.f32 v39, v42  }
0x10a: {  	vm5 =	veq.s32 v33, $0x12;
	v43 =	vmul.f32 v39, v43;
	v46 =	vmul.f32 v39, v46  }
0x10b: {  	v47 =	vmul.f32 v39, v47;
	v23 =	vsub.f32 $1.280000000e+02, v22;
	v36 =	vsub.f32 $1.280000000e+02, v32  }
0x10c: {  	v38 =	vmul.f32 v39, v38;
	v48 =	vsub.f32 $1.280000000e+02, v24;
	v49 =	vsub.f32 $1.280000000e+02, v27  }
0x10d: {  	v37 =	vmul.f32 v39, v37;
	v52 =	vsub.f32 $1.280000000e+02, v34;
	v54 =	vsub.f32 $1.280000000e+02, v30  }
0x10e: {  	v35 =	vmul.f32 v39, v35;
	v57 =	vsub.f32 $1.280000000e+02, v31;
	v59 =	vsub.f32 $1.280000000e+02, v40  }
0x10f: {  	v62 =	vsub.f32 $1.280000000e+02, v41;
	v22 =	vsel vm0, v23, v22;
	v23 =	vsub.f32 $1.280000000e+02, v25  }
0x110: {  	v24 =	vsel vm11, v48, v24;
	v51 =	vsel vm13, v49, v27;
	v26 =	vsel vm15, v52, v34  }
0x111: {  	v56 =	vsel vm7, v54, v30;
	v22 =	vtrunc.f32 v22;
	v24 =	vtrunc.f32 v24  }
0x112: {  	v28 =	vsel vm9, v57, v31;
	v26 =	vtrunc.f32 v26;
	v27 =	vtrunc.f32 v56  }
0x113: {  	v57 =	vsub.f32 $1.280000000e+02, v43;
	v28 =	vtrunc.f32 v28;
	v22 =	vcvt.f32.s32 v22  }
0x114: {  	v23 =	vsel vm1, v23, v25;
	v25 =	vsel vm3, v36, v32;
	v50 =	vcvt.f32.s32 v24  }
0x115: {  	v24 =	vsel vm3, $0x10001, v2;
	v55 =	vcvt.f32.s32 v26;
	v26 =	vsel vm13, $0x10001, v2  }
0x116: {  	v58 =	vcvt.f32.s32 v27;
	v27 =	vsel vm15, $0x10001, v2;
	v60 =	vcvt.f32.s32 v28  }
0x117: {  	v28 =	vsel vm7, $0x10001, v2;
	vm13 =	veq.s32 v33, $0x9;
	vm15 =	veq.s32 v33, $0xA  }
0x118: {  	vm3 =	veq.s32 v33, $0x10;
	v23 =	vtrunc.f32 v23;
	v25 =	vtrunc.f32 v25  }
0x119: {  	v31 =	vsel vm13, v62, v41;
	v62 =	vsub.f32 $1.280000000e+02, v47;
	vm2 =	vlt.s32 v22, $0x7F  }
0x11a: {  	v23 =	vcvt.f32.s32 v23;
	v25 =	vcvt.f32.s32 v25;
	vm14 =	vlt.s32 v50, $0x7F  }
0x11b: {  	vm8 =	vlt.s32 v55, $0x7F;
	v31 =	vtrunc.f32 v31;
	v29 =	vnsel vm2, $0x7F, v22  }
0x11c: {  	v22 =	vsel vm0, $0x10001, v2;
	v48 =	vnsel vm14, $0x7F, v50;
	v50 =	vnsel vm8, $0x7F, v55  }
0x11d: {  	v55 =	vsub.f32 $1.280000000e+02, v42;
	v56 =	vcvt.f32.s32 v31;
	vm0 =	veq.s32 v33, $0xD  }
0x11e: {  	vm2 =	veq.s32 v33, $0xF;
	vm10 =	vlt.s32 v23, $0x7F;
	vm12 =	vlt.s32 v25, $0x7F  }
0x11f: {  	v47 =	vsel vm2, v62, v47;
	v29 =	vshll.u32 v29, $0x4;
	v32 =	vnsel vm10, $0x7F, v23  }
0x120: {  	v23 =	vsel vm1, $0x10001, v2;
	v36 =	vnsel vm12, $0x7F, v25;
	v25 =	vtrunc.f32 v51  }
0x121: {  	vm10 =	vlt.s32 v58, $0x7F;
	vm12 =	vlt.s32 v60, $0x7F;
	v34 =	vsel vm15, v55, v42  }
0x122: {  	v42 =	vsel vm4, v57, v43;
	vm1 =	veq.s32 v33, $0xE;
	v57 =	vsub.f32 $1.280000000e+02, v35  }
0x123: {  	v29 =	vor.u32 v0, v29;
	v53 =	vcvt.f32.s32 v25;
	v25 =	vsel vm11, $0x10001, v2  }
0x124: {  	vm11 =	veq.s32 v33, $0x8;
	v51 =	vnsel vm10, $0x7F, v58;
	v34 =	vtrunc.f32 v34  }
0x125: {  	v52 =	vnsel vm12, $0x7F, v60;
	v58 =	vmul.f32 v39, v44;
	v42 =	vtrunc.f32 v42  }
0x126: {  	v32 =	vshll.u32 v32, $0x4;
	v36 =	vshll.u32 v36, $0x4;
	v61 =	vsel vm11, v59, v40  }
0x127: {  	v31 =	vsel vm11, $0x10001, v2;
	v59 =	vmul.f32 v39, v45;
	v42 =	vcvt.f32.s32 v42  }
0x128: {  	v35 =	vsel vm5, v57, v35;
	v32 =	vadd.s32 v3, v32;
	v36 =	vadd.s32 v5, v36  }
0x129: {  	v55 =	vshll.u32 v51, $0x4;
	vm6 =	vlt.s32 v53, $0x7F;
	v30 =	vtrunc.f32 v61  }
0x12a: {  	v60 =	vsub.f32 $1.280000000e+02, v58;
	v61 =	vsub.f32 $1.280000000e+02, v46;
	v35 =	vtrunc.f32 v35  }
0x12b: {  	v32 =	vand.u32 $0xFFFFFFF8, v32;
	v36 =	vand.u32 $0xFFFFFFF8, v36;
	v49 =	vnsel vm6, $0x7F, v53  }
0x12c: {  	v63 =	vcvt.f32.s32 v30;
	v30 =	vsel vm9, $0x10001, v2;
	vm6 =	vlt.s32 v56, $0x7F  }
0x12d: {  	v53 =	vcvt.f32.s32 v34;
	v34 =	vsel vm13, $0x10001, v2;
	v54 =	vsub.f32 $1.280000000e+02, v59  }
0x12e: {  	vm8 =	vlt.s32 v42, $0x7F;
	vm9 =	veq.s32 v33, $0x11;
	v35 =	vcvt.f32.s32 v35  }
0x12f: {  	v32 =	vor.u32 v4, v32;
	v36 =	vor.u32 v4, v36;
	v41 =	vnsel vm6, $0x7F, v56  }
0x130: {  	vm6 =	veq.s32 v33, $0xC;
	v42 =	vnsel vm8, $0x7F, v42;
	v46 =	vsel vm1, v61, v46  }
0x131: {  	v56 =	vsub.f32 $1.280000000e+02, v37;
	v61 =	vshll.u32 v48, $0x4;
	v62 =	vshll.u32 v49, $0x4  }
0x132: {  	vm14 =	vlt.s32 v63, $0x7F;
	vm7 =	vlt.s32 v53, $0x7F;
	v43 =	vsel vm6, v60, v58  }
0x133: {  	v44 =	vsel vm0, v54, v59;
	v54 =	vsel vm15, $0x10001, v2;
	v59 =	vtrunc.f32 v46  }
0x134: {  	v39 =	vsel vm6, $0x10001, v2;
	v60 =	vtrunc.f32 v47;
	vm15 =	vlt.s32 v35, $0x7F  }
0x135: {  	v47 =	vadd.s32 v6, v61;
	v48 =	vadd.s32 v7, v62;
	v41 =	vshll.u32 v41, $0x4  }
0x136: {  	v40 =	vnsel vm14, $0x7F, v63;
	v45 =	vnsel vm7, $0x7F, v53;
	v43 =	vtrunc.f32 v43  }
0x137: {  	v63 =	vsub.f32 $1.280000000e+02, v38;
	v53 =	vsel vm4, $0x10001, v2;
	v58 =	vtrunc.f32 v44  }
0x138: {  	v37 =	vsel vm9, v56, v37;
	v44 =	vcvt.f32.s32 v59;
	v46 =	vcvt.f32.s32 v60  }
0x139: {  	v35 =	vnsel vm15, $0x7F, v35;
	v47 =	vand.u32 $0xFFFFFFF8, v47;
	v48 =	vand.u32 $0xFFFFFFF8, v48  }
0x13a: {  	v56 =	vshll.u32 v52, $0x4;
	v41 =	vadd.s32 v12, v41;
	v60 =	vshll.u32 v42, $0x4  }
0x13b: {  	v43 =	vcvt.f32.s32 v43;
	v37 =	vtrunc.f32 v37;
	v47 =	vor.u32 v4, v47  }
0x13c: {  	v48 =	vor.u32 v4, v48;
	v51 =	vadd.s32 v10, v56;
	v40 =	vshll.u32 v40, $0x4  }
0x13d: {  	v57 =	vand.u32 $0xFFFFFFF8, v41;
	v62 =	vadd.s32 v14, v60;
	v38 =	vsel vm3, v63, v38  }
0x13e: {  	vm11 =	vlt.s32 v44, $0x7F;
	v37 =	vcvt.f32.s32 v37;
	vm12 =	vlt.s32 v46, $0x7F  }
0x13f: {  	[tilespmem:v29+s20+$0x0] =	vst.idx.add.s32.msk $0xffff, v22;
	v63 =	vshll.u32 v50, $0x4;
	v50 =	vadd.s32 v9, v55;
	v51 =	vand.u32 $0xFFFFFFF8, v51  }
0x140: {  	v40 =	vadd.s32 v11, v40;
	[tilespmem:v32+s20+$0x0] =	vst.idx.add.s32.msk $0xffff, v23;
	v23 =	vor.u32 v4, v57;
	v57 =	vshll.u32 v35, $0x4  }
0x141: {  	vm7 =	vlt.s32 v43, $0x7F;
	v38 =	vtrunc.f32 v38;
	v44 =	vnsel vm11, $0x7F, v44  }
0x142: {  	v46 =	vnsel vm12, $0x7F, v46;
	v49 =	vadd.s32 v8, v63;
	v50 =	vand.u32 $0xFFFFFFF8, v50  }
0x143: {  	v51 =	vor.u32 v4, v51;
	v40 =	vand.u32 $0xFFFFFFF8, v40;
	[tilespmem:v36+s20+$0x0] =	vst.idx.add.s32.msk $0xffff, v24;
	v36 =	vand.u32 $0xFFFFFFF8, v62  }
0x144: {  	v33 =	vnsel vm7, $0x7F, v43;
	v43 =	vcvt.f32.s32 v58;
	v38 =	vcvt.f32.s32 v38  }
0x145: {  	vm14 =	vlt.s32 v37, $0x7F;
	v49 =	vand.u32 $0xFFFFFFF8, v49;
	v50 =	vor.u32 v4, v50  }
0x146: {  	v22 =	vor.u32 v4, v40;
	v58 =	vshll.u32 v45, $0x4;
	v49 =	vor.u32 v4, v49  }
0x147: {  	v45 =	vshll.u32 v44, $0x4;
	v37 =	vnsel vm14, $0x7F, v37;
	v59 =	vadd.s32 v13, v58  }
0x148: {  	v63 =	vshll.u32 v33, $0x4;
	vm10 =	vlt.s32 v43, $0x7F;
	vm13 =	vlt.s32 v38, $0x7F  }
0x149: {  	v61 =	vand.u32 $0xFFFFFFF8, v59;
	[tilespmem:v47+s20+$0x0] =	vst.idx.add.s32.msk $0xffff, v25;
	v40 =	vadd.s32 v15, v63;
	v25 =	vor.u32 v4, v36  }
0x14a: {  	v47 =	vadd.s32 v17, v45;
	v52 =	vshll.u32 v37, $0x4;
	v43 =	vnsel vm10, $0x7F, v43;
	[tilespmem:v48+s20+$0x0] =	vst.idx.add.s32.msk $0xffff, v26  }
0x14b: {  	v38 =	vnsel vm13, $0x7F, v38;
	v24 =	vor.u32 v4, v61;
	v42 =	vshll.u32 v43, $0x4;
	[tilespmem:v49+s20+$0x0] =	vst.idx.add.s32.msk $0xffff, v27  }
0x14c: {  	v41 =	vand.u32 $0xFFFFFFF8, v40;
	v48 =	vshll.u32 v46, $0x4;
	v43 =	vadd.s32 v16, v42;
	[tilespmem:v50+s20+$0x0] =	vst.idx.add.s32.msk $0xffff, v28  }
0x14d: {  	v26 =	vor.u32 v4, v41;
	v29 =	vadd.s32 v18, v48;
	v27 =	vand.u32 $0xFFFFFFF8, v43;
	[tilespmem:v51+s20+$0x0] =	vst.idx.add.s32.msk $0xffff, v30  }
0x14e: {  	v27 =	vor.u32 v4, v27;
	v28 =	vand.u32 $0xFFFFFFF8, v47;
	v50 =	vshll.u32 v38, $0x4;
	[tilespmem:v22+s20+$0x0] =	vst.idx.add.s32.msk $0xffff, v31  }
0x14f: {  	v49 =	vand.u32 $0xFFFFFFF8, v29;
	v51 =	vadd.s32 v19, v50;
	v22 =	vor.u32 v4, v28;
	[tilespmem:v23+s20+$0x0] =	vst.idx.add.s32.msk $0xffff, v34  }
0x150: {  	v56 =	vadd.s32 v20, v52;
	v55 =	vand.u32 $0xFFFFFFF8, v51;
	v23 =	vor.u32 v4, v49;
	[tilespmem:v24+s20+$0x0] =	vst.idx.add.s32.msk $0xffff, v54  }
0x151: {  	v59 =	vadd.s32 v21, v57;
	v58 =	vand.u32 $0xFFFFFFF8, v56;
	v24 =	vor.u32 v4, v55;
	[tilespmem:v25+s20+$0x0] =	vst.idx.add.s32.msk $0xffff, v53  }
0x152: {  	v60 =	vsel vm0, $0x10001, v2;
	v61 =	vand.u32 $0xFFFFFFF8, v59;
	v25 =	vor.u32 v4, v58;
	[tilespmem:v26+s20+$0x0] =	vst.idx.add.s32.msk $0xffff, v39  }
0x153: {  	p1 =	sne.s32 s28, $0x7C0;
	v62 =	vsel vm1, $0x10001, v2;
	v26 =	vor.u32 v4, v61;
	[tilespmem:v27+s20+$0x0] =	vst.idx.add.s32.msk $0xffff, v60  }
.Ltmp4:
0x154: {  	v63 =	vsel vm2, $0x10001, v2;
	[tilespmem:v22+s20+$0x0] =	vst.idx.add.s32.msk $0xffff, v62;
	(pc) =	sbr.rel @p1 .LBB2_7-.Ltmp4, $4  }
0x155: {  	v22 =	vsel vm3, $0x10001, v2;
	[tilespmem:v23+s20+$0x0] =	vst.idx.add.s32.msk $0xffff, v63  }
0x156: {  	[tilespmem:v24+s20+$0x0] =	vst.idx.add.s32.msk $0xffff, v22;
	v22 =	vsel vm9, $0x10001, v2  }
0x157: {  	[tilespmem:v25+s20+$0x0] =	vst.idx.add.s32.msk $0xffff, v22;
	v22 =	vsel vm5, $0x10001, v2  }
0x158: {  	s28 =	sadd.s32 $0x40, s28;
	[tilespmem:v26+s20+$0x0] =	vst.idx.add.s32.msk $0xffff, v22  }
.Ltmp5:
0x159: {  	(pc) =	sbr.rel @p0 .LBB2_10-.Ltmp5, $1  }
0x15a: {  	_ =	sdelay $0x3  }
0x15b: {  	s2 =	sadd.s32 $0x600, s26  }
0x15c: {  	s26 =	sadd.s32 s2, s5  }
.Ltmp6:
0x15d: {  	s2 =	sadd.s32 s6, s2;
	s26 =	sshrl.u32 s26, $0x3;
	(pc) =	sbr.rel .LBB2_4-.Ltmp6, $4  }
0x15e: {  	s2 =	sshrl.u32 s2, $0x3;
	s26 =	sadd.s32 s1, s26  }
0x15f: {  	[tilespmem:s16], [sflag:$0x2] =	stream.strided.gather [hbm4b:s26+s13], $0x2600, s14, s13, $0x38;
	[tilespmem:$0xE800] =	vst v63  }
0x160: {  	s25 =	sadd.s32 $0x1, s25;
	s2 =	sadd.s32 s3, s2  }
0x161: {  	[tilespmem:s17], [sflag:$0x4] =	stream.linear.gather [hbm4b:s2+s4], $0x200, $0x38;
	[tilespmem:$0xE800] =	vst v63  }
.LBB2_11:
0x162: {  	_ =	sfence.sel $0x180000  }
0x163: {  	[bflag:$0x0] =	sbarrier.arrive $0xFFFF  }
0x164: {  	_ =	strace $0x90000047  }
0x165: {  	[bflag:$0x2] =	sbarrier.arrive $0xFFFF  }
0x166: {  	p0 =	sne.s32 s0, $0x0;
	s0 =	rddreg [dreg:$0x3]  }
0x167: {  	s0 =	sadd.s32 @!p0 $0x100000, s0  }
0x168: {  	[sflag:s0] =	ssyncadd.tile.s32 @!p0 $0x1;
	_ =	shalt  }
.Lfunc_end2:
_tile_overlayer_lowered:
.L_overlay_start_2:
0x169: {  	(tag) =	ssettag $0x2  }
0x16a: {  	s0 =	rddreg [dreg:$0x0];
	s2 =	stileid.u32  }
0x16b: {  	s1 =	rddreg [dreg:$0x1];
	p0 =	sne.s32 s2, $0x0  }
0x16c: {  	s3 =	rddreg [dreg:$0x2];
	[bflag:$0x3] =	sbarrier.arrive $0xFFFF;
	s2 =	simm.s32 @!p0 $0x1C05  }
0x16d: {  	[timem:s3], [sflag:s2] =	dma.local @!p0 [hbm:s0], s1  }
0x16e: {  	s0 =	simm.s32 @!p0 $0x5  }
0x16f: {  	_ =	swait.ge @!p0 [sflag:s0], s1  }
0x170: {  	s1 =	ssub.s32 @!p0 $0x0, s1;
	[sflag:s0] =	ssyncset.done @!p0 $0x0  }
0x171: {  	[sflag:s0] =	ssyncadd.s32 @!p0 s1  }
0x172: {  	[bflag:$0x3] =	sbarrier.arrive $0xFFFF  }
0x173: {  	_ =	shalt  }

</sc_bundles>
